<compile_context>
chip_gen: v7x
topology: tpu7x:2x2x1
jax: 0.10.2.dev20260603
libtpu: 0.0.44.dev20260713+nightly
codegen_flags: <defaults>
</compile_context>

<pallas_src>
import functools

import jax
import jax.numpy as jnp
from jax import lax
from jax.experimental import pallas as pl
from jax.experimental.pallas import tpu as pltpu
from jax.experimental.pallas import tpu_sc as plsc

_NC = 2
_NS = 16
_NW = _NC * _NS
_CHUNK = 128


def _sc_gather_body(P, T, cpt_hbm, ht_hbm, table_hbm,
                    out_cpt_hbm, out_ht0_hbm, out_ht1_hbm,
                    idx_v, rows_v, sem, sem2):
    ppw = P // _NW
    npc = ppw // _CHUNK
    ncc = T * npc
    n_chunks = ncc + 2 * npc
    wid = lax.axis_index("s") * _NC + lax.axis_index("c")
    p0 = wid * ppw

    def stage():
        for t in range(T):
            yield (cpt_hbm.at[pl.ds(t * P + p0, ppw)],
                   idx_v.at[pl.ds(t * ppw, ppw)])
        for j in range(2):
            yield (ht_hbm.at[pl.ds(j * P + p0, ppw)],
                   idx_v.at[pl.ds((T + j) * ppw, ppw)])

    for src, dst in stage():
        pltpu.async_copy(src, dst, sem2)
    for src, dst in stage():
        pltpu.make_async_copy(src, dst, sem2).wait()

    def gather(c):
        b = lax.rem(c, 2)
        pltpu.async_copy(table_hbm.at[idx_v.at[pl.ds(c * _CHUNK, _CHUNK)]],
                         rows_v.at[b], sem)

    gather(0)

    def body(c, carry):
        @pl.when(c + 1 < n_chunks)
        def _():
            gather(c + 1)

        b = lax.rem(c, 2)
        pltpu.make_async_copy(
            table_hbm.at[idx_v.at[pl.ds(c * _CHUNK, _CHUNK)]],
            rows_v.at[b], sem).wait()
        pb = lax.rem(c, npc)
        row = p0 + pb * _CHUNK

        @pl.when(c < ncc)
        def _():
            pltpu.sync_copy(rows_v.at[b],
                            out_cpt_hbm.at[c // npc, pl.ds(row, _CHUNK)])

        @pl.when((c >= ncc) & (c < ncc + npc))
        def _():
            pltpu.sync_copy(rows_v.at[b], out_ht0_hbm.at[pl.ds(row, _CHUNK)])

        @pl.when(c >= ncc + npc)
        def _():
            pltpu.sync_copy(rows_v.at[b], out_ht1_hbm.at[pl.ds(row, _CHUNK)])

        return carry

    lax.fori_loop(0, n_chunks, body, 0)


def _sc_gather(cpt_tm, ht_tm, table, P, T):
    D = table.shape[1]
    ppw = P // _NW
    assert ppw % _CHUNK == 0 and (T * ppw) % _CHUNK == 0
    mesh = plsc.VectorSubcoreMesh(core_axis_name="c", subcore_axis_name="s")
    k = functools.partial(
        pl.kernel,
        mesh=mesh,
        out_type=(
            jax.ShapeDtypeStruct((T, P, D), table.dtype),
            jax.ShapeDtypeStruct((P, D), table.dtype),
            jax.ShapeDtypeStruct((P, D), table.dtype),
        ),
        scratch_types=[
            pltpu.VMEM(((T + 2) * ppw,), jnp.int32),
            pltpu.VMEM((2, _CHUNK, D), table.dtype),
            pltpu.SemaphoreType.DMA,
            pltpu.SemaphoreType.DMA,
        ],
    )(functools.partial(_sc_gather_body, P, T))
    return k(cpt_tm, ht_tm, table)


def _enc_body(T, cpt_ref, meta_ref, ht0_ref, ht1_ref, rel128_ref, wc_ref, wr_ref,
              whf_ref, whr_ref, bias_ref, whts_ref, bhts_ref,
              wfc_ref, bfc_ref, out_ref):
    f32 = jnp.float32
    bf16 = jnp.bfloat16
    Bp = out_ref.shape[0]
    H = whf_ref.shape[0]

    rel_proj = (jnp.dot(rel128_ref[...], wr_ref[...],
                        preferred_element_type=f32)
                + bias_ref[...]).astype(bf16)
    wfull = jnp.concatenate([wc_ref[...], rel_proj], axis=0)

    iot = lax.broadcasted_iota(jnp.int32, (Bp, H), 1)
    ohs = []
    for t in range(T):
        r = meta_ref[:, t:t + 1]
        r = jnp.where(r >= 17, r - 17, r)
        ohs.append((r == iot) | (iot == H - 1))
    oh_all = jnp.concatenate(ohs, axis=0).astype(bf16)
    x_all = cpt_ref[...].reshape(T * Bp, H).astype(bf16)
    xcat = jnp.concatenate([x_all, oh_all], axis=1)
    gx_all = jnp.dot(xcat, wfull, preferred_element_type=f32)
    gx = [gx_all[t * Bp:(t + 1) * Bp] for t in range(T)]

    last = jnp.clip(meta_ref[:, T:T + 1], 1, T) - 1
    sel_mask = [(last == t).astype(f32) for t in range(T)]

    def sig2(x):
        return 0.5 * jnp.tanh(x) + 0.5

    def lstm(wh_ref, col0, order):
        h = jnp.zeros((Bp, H), f32)
        c = jnp.zeros((Bp, H), f32)
        sel = jnp.zeros((Bp, H), f32)
        for t in order:
            g = (gx[t][:, col0:col0 + 4 * H]
                 + jnp.dot(h.astype(bf16), wh_ref[...],
                           preferred_element_type=f32))
            i_g = sig2(g[:, 0:H])
            f_g = sig2(g[:, H:2 * H])
            g_g = jnp.tanh(g[:, 2 * H:3 * H])
            o_g = sig2(g[:, 3 * H:4 * H])
            c = f_g * c + i_g * g_g
            h = o_g * jnp.tanh(c)
            sel = sel + sel_mask[t] * h
        return sel

    sel_f = lstm(whf_ref, 0, range(T))
    sel_r = lstm(whr_ref, 4 * H, range(T - 1, -1, -1))

    def leaky(x):
        return jnp.where(x >= 0, x, 0.01 * x)

    hcat = jnp.concatenate([ht0_ref[...].astype(bf16),
                            ht1_ref[...].astype(bf16)], axis=1)
    hts = leaky(jnp.dot(hcat, whts_ref[...],
                        preferred_element_type=f32) + bhts_ref[...])
    cat = jnp.concatenate([hts.astype(bf16), sel_f.astype(bf16),
                           sel_r.astype(bf16)], axis=1)
    fin = jnp.dot(cat, wfc_ref[...], preferred_element_type=f32) + bfc_ref[...]
    out_ref[...] = leaky(fin)


def _encode(cpt_emb, meta, ht0, ht1, rel128, wc, wr, whf, whr, bias_mat,
            whts, bhts, wfc, bfc, block_p=1024):
    T, P, D = cpt_emb.shape
    O = wfc.shape[1]
    grid = (P // block_p,)
    full = lambda shape: pl.BlockSpec(shape, lambda i: (0,) * len(shape))
    return pl.pallas_call(
        functools.partial(_enc_body, T),
        grid=grid,
        in_specs=[
            pl.BlockSpec((T, block_p, D), lambda i: (0, i, 0)),
            pl.BlockSpec((block_p, 8), lambda i: (i, 0)),
            pl.BlockSpec((block_p, D), lambda i: (i, 0)),
            pl.BlockSpec((block_p, D), lambda i: (i, 0)),
            full(rel128.shape), full(wc.shape), full(wr.shape),
            full(whf.shape), full(whr.shape), full(bias_mat.shape),
            full(whts.shape), full(bhts.shape),
            full(wfc.shape), full(bfc.shape),
        ],
        out_specs=pl.BlockSpec((block_p, O), lambda i: (i, 0)),
        out_shape=jax.ShapeDtypeStruct((P, O), jnp.float32),
        compiler_params=pltpu.CompilerParams(
            dimension_semantics=("arbitrary",)),
    )(cpt_emb, meta, ht0, ht1, rel128, wc, wr, whf, whr, bias_mat,
      whts, bhts, wfc, bfc)


def kernel(concept_table, relation_table, W_ih_f, W_hh_f, b_ih_f, b_hh_f,
           W_ih_r, W_hh_r, b_ih_r, b_hh_r, W_hts, b_hts, W_fc, b_fc,
           cpt_paths, rel_paths, ht_ids, path_len):
    P, T = cpt_paths.shape
    V, D = concept_table.shape
    H = W_hh_f.shape[1]

    bf16 = jnp.bfloat16
    s4 = jnp.concatenate([jnp.full((H,), 0.5), jnp.full((H,), 0.5),
                          jnp.ones((H,)), jnp.full((H,), 0.5)])[None]
    s8 = jnp.concatenate([s4, s4], axis=1)
    nrel = relation_table.shape[0]
    rel128 = jnp.concatenate(
        [relation_table, jnp.zeros((D - nrel, D), jnp.float32)],
        axis=0).astype(bf16)
    wc = (jnp.concatenate([W_ih_f[:, :D].T, W_ih_r[:, :D].T], axis=1)
          * s8).astype(bf16)
    wr = (jnp.concatenate([W_ih_f[:, D:].T, W_ih_r[:, D:].T], axis=1)
          * s8).astype(bf16)
    whf = (W_hh_f.T * s4).astype(bf16)
    whr = (W_hh_r.T * s4).astype(bf16)
    b8 = jnp.concatenate([(b_ih_f + b_hh_f)[None] * s4,
                          (b_ih_r + b_hh_r)[None] * s4], axis=1)
    bias_mat = jnp.concatenate(
        [jnp.zeros((D - 1, 8 * H), jnp.float32), b8], axis=0)

    K = 4
    Pc = P // K
    outs = []
    for i in range(K):
        sl = slice(i * Pc, (i + 1) * Pc)
        cpt_emb, ht0, ht1 = _sc_gather(
            cpt_paths[sl].astype(jnp.int32).T.reshape(-1),
            ht_ids[sl].astype(jnp.int32).T.reshape(-1),
            concept_table, Pc, T)
        meta = jnp.concatenate([
            rel_paths[sl].astype(jnp.int32),
            path_len[sl].astype(jnp.int32)[:, None],
            jnp.zeros((Pc, 8 - T - 1), jnp.int32),
        ], axis=1)
        outs.append(_encode(
            cpt_emb, meta, ht0, ht1,
            rel128, wc, wr, whf, whr, bias_mat,
            W_hts.astype(bf16), b_hts[None], W_fc.astype(bf16), b_fc[None]))
    return jnp.concatenate(outs, axis=0)

# --- scband reference (transcript-rebuilt; emitter-appended) ---
"""Pipeline reference for scband-path-encoder-72035191489146 (READ-ONLY COPY).

The authoritative reference and input builder live on the scoring server;
editing this copy changes nothing except your own understanding.
"""

import jax, jax.numpy as jnp
import numpy as np


def _lstm_dir(x, W_ih, W_hh, b_ih, b_hh):
    H = W_hh.shape[1]
    P = x.shape[0]
    def step(carry, xt):
        h, c = carry
        gates = xt @ W_ih.T + h @ W_hh.T + b_ih + b_hh
        i, f, g, o = jnp.split(gates, 4, axis=-1)
        c_new = jax.nn.sigmoid(f) * c + jax.nn.sigmoid(i) * jnp.tanh(g)
        h_new = jax.nn.sigmoid(o) * jnp.tanh(c_new)
        return (h_new, c_new), h_new
    h0 = jnp.zeros((P, H), x.dtype)
    c0 = jnp.zeros((P, H), x.dtype)
    _, hs = jax.lax.scan(step, (h0, c0), jnp.swapaxes(x, 0, 1))
    return jnp.swapaxes(hs, 0, 1)


def setup_inputs(seed: int = 0):
    key = jax.random.key(seed)
    ks = jax.random.split(key, 20)
    P, T, V, D = 65536, 5, 100000, 128
    inp = {}
    inp['concept_table'] = jax.random.normal(ks[0], (V, D), jnp.float32) * 0.05
    inp['relation_table'] = jax.random.normal(ks[1], (17, D), jnp.float32) * 0.05
    inp['W_ih_f'] = jax.random.normal(ks[2], (512, 256), jnp.float32) * 0.05
    inp['W_hh_f'] = jax.random.normal(ks[3], (512, 128), jnp.float32) * 0.05
    inp['b_ih_f'] = jax.random.normal(ks[4], (512,), jnp.float32) * 0.05
    inp['b_hh_f'] = jax.random.normal(ks[5], (512,), jnp.float32) * 0.05
    inp['W_ih_r'] = jax.random.normal(ks[6], (512, 256), jnp.float32) * 0.05
    inp['W_hh_r'] = jax.random.normal(ks[7], (512, 128), jnp.float32) * 0.05
    inp['b_ih_r'] = jax.random.normal(ks[8], (512,), jnp.float32) * 0.05
    inp['b_hh_r'] = jax.random.normal(ks[9], (512,), jnp.float32) * 0.05
    inp['W_hts'] = jax.random.normal(ks[10], (256, 256), jnp.float32) * 0.05
    inp['b_hts'] = jax.random.normal(ks[11], (256,), jnp.float32) * 0.05
    inp['W_fc'] = jax.random.normal(ks[12], (512, 128), jnp.float32) * 0.05
    inp['b_fc'] = jax.random.normal(ks[13], (128,), jnp.float32) * 0.05
    inp['cpt_paths'] = jax.random.randint(ks[14], (P, T), 0, V)
    inp['rel_paths'] = jax.random.randint(ks[15], (P, T), 0, 34)
    inp['ht_ids'] = jax.random.randint(ks[16], (P, 2), 0, V)
    inp['path_len'] = jax.random.randint(ks[17], (P,), 0, 5)
    return inp


def reference(concept_table, relation_table, W_ih_f, W_hh_f, b_ih_f, b_hh_f,
              W_ih_r, W_hh_r, b_ih_r, b_hh_r, W_hts, b_hts, W_fc, b_fc,
              cpt_paths, rel_paths, ht_ids, path_len):
    P = cpt_paths.shape[0]
    # relation index folding: i - 17 if i >= 17 else i (reverse relations share embeddings)
    rel_idx = jnp.where(rel_paths >= 17, rel_paths - 17, rel_paths)
    # memory-bound embedding gathers over the path structure
    cpt_emb = jnp.take(concept_table, cpt_paths, axis=0)      # [P, 5, 128]
    rel_emb = jnp.take(relation_table, rel_idx, axis=0)       # [P, 5, 128]
    path_emb = jnp.concatenate([cpt_emb, rel_emb], axis=2)    # [P, 5, 256]
    # bidirectional LSTM over path steps (torch gate order i,f,g,o)
    h_f = _lstm_dir(path_emb, W_ih_f, W_hh_f, b_ih_f, b_hh_f)
    h_r = _lstm_dir(path_emb[:, ::-1, :], W_ih_r, W_hh_r, b_ih_r, b_hh_r)[:, ::-1, :]
    lstm_outs = jnp.concatenate([h_f, h_r], axis=2)           # [P, 5, 256]
    # select last valid step: batched_lstm_outs[b_idx, path_len - 1]
    last = jnp.clip(path_len, 1, 5) - 1
    lstm_last = lstm_outs[jnp.arange(P), last, :]             # [P, 256]
    # head/tail concept pair encoding
    ht_vecs = jnp.take(concept_table, ht_ids, axis=0).reshape(P, -1)  # [P, 256]
    hts = jax.nn.leaky_relu(ht_vecs @ W_hts + b_hts)          # [P, 256]
    # trans_fc over concatenated pair + path representation
    final = jax.nn.leaky_relu(jnp.concatenate([hts, lstm_last], axis=1) @ W_fc + b_fc)
    return final

if __name__ == "__main__":
    import jax
    _d = setup_inputs()
    print(jax.jit(kernel)(*tuple(_d.values())))

</pallas_src>

<mosaic_0001>
#map = affine_map<(d0, d1) -> (0)>
#map1 = affine_map<(d0, d1) -> (0, 0)>
#map2 = affine_map<(d0, d1) -> (0, 0, 0)>
module attributes {stable_mosaic.version = 14 : i64} {
  func.func @_sc_gather_body(%arg0: i32, %arg1: i32, %arg2: memref<81920xi32, #tpu.memory_space<hbm>>, %arg3: memref<32768xi32, #tpu.memory_space<hbm>>, %arg4: memref<100000x128xf32, #tpu.memory_space<hbm>>, %arg5: memref<5x16384x128xf32, #tpu.memory_space<hbm>>, %arg6: memref<16384x128xf32, #tpu.memory_space<hbm>>, %arg7: memref<16384x128xf32, #tpu.memory_space<hbm>>, %arg8: memref<3584xi32, #tpu.memory_space<vmem>>, %arg9: memref<2x128x128xf32, #tpu.memory_space<vmem>>, %arg10: memref<!tpu.dma_semaphore, #tpu.memory_space<semaphore_mem>>, %arg11: memref<!tpu.dma_semaphore, #tpu.memory_space<semaphore_mem>>) attributes {dimension_semantics = [#tpu.dimension_semantics<core_parallel>, #tpu.dimension_semantics<subcore_parallel>], iteration_bounds = array<i64: 2, 16>, scalar_prefetch = 0 : i64, scratch_operands = 4 : i64, tpu.core_type = #tpu.core_type<sc_vector_subcore>, window_params = [{transform_indices = #map}, {transform_indices = #map}, {transform_indices = #map1}, {transform_indices = #map2}, {transform_indices = #map1}, {transform_indices = #map1}]} {
    %mul3A = arith.constant 2 : i32
    %mul3A_0 = arith.muli %arg1, %mul3A : i32
    %add3A = arith.addi %mul3A_0, %arg0 : i32
    %mul3A_1 = arith.constant 512 : i32
    %mul3A_2 = arith.muli %add3A, %mul3A_1 : i32
    %add3A_3 = arith.constant 0 : i32
    %add3A_4 = arith.addi %add3A_3, %mul3A_2 : i32
    %dma_start3A = arith.constant 0 : i32
    %dma_start3A_5 = tpu.memref_slice %arg8[%dma_start3A] : memref<3584xi32, #tpu.memory_space<vmem>> -> memref<512xi32, #tpu.memory_space<vmem>>
    %dma_start3A_6 = tpu.memref_slice %arg2[%add3A_4] : memref<81920xi32, #tpu.memory_space<hbm>> -> memref<512xi32, #tpu.memory_space<hbm>>
    %dma_start3A_7 = arith.constant 0 : i32
    %dma_start3A_8 = tpu.memref_slice %arg8[%dma_start3A_7] : memref<3584xi32, #tpu.memory_space<vmem>> -> memref<512xi32, #tpu.memory_space<vmem>>
    %dma_start3A_9 = tpu.memref_slice %arg2[%add3A_4] : memref<81920xi32, #tpu.memory_space<hbm>> -> memref<512xi32, #tpu.memory_space<hbm>>
    tpu.enqueue_dma source(%dma_start3A_9 : memref<512xi32, #tpu.memory_space<hbm>>) target(%dma_start3A_8 : memref<512xi32, #tpu.memory_space<vmem>>) target_semaphore(%arg11 : memref<!tpu.dma_semaphore, #tpu.memory_space<semaphore_mem>>)
    %add3A_10 = arith.constant 16384 : i32
    %add3A_11 = arith.addi %add3A_10, %mul3A_2 : i32
    %dma_start3A_12 = arith.constant 512 : i32
    %dma_start3A_13 = tpu.memref_slice %arg8[%dma_start3A_12] : memref<3584xi32, #tpu.memory_space<vmem>> -> memref<512xi32, #tpu.memory_space<vmem>>
    %dma_start3A_14 = tpu.memref_slice %arg2[%add3A_11] : memref<81920xi32, #tpu.memory_space<hbm>> -> memref<512xi32, #tpu.memory_space<hbm>>
    %dma_start3A_15 = arith.constant 512 : i32
    %dma_start3A_16 = tpu.memref_slice %arg8[%dma_start3A_15] : memref<3584xi32, #tpu.memory_space<vmem>> -> memref<512xi32, #tpu.memory_space<vmem>>
    %dma_start3A_17 = tpu.memref_slice %arg2[%add3A_11] : memref<81920xi32, #tpu.memory_space<hbm>> -> memref<512xi32, #tpu.memory_space<hbm>>
    tpu.enqueue_dma source(%dma_start3A_17 : memref<512xi32, #tpu.memory_space<hbm>>) target(%dma_start3A_16 : memref<512xi32, #tpu.memory_space<vmem>>) target_semaphore(%arg11 : memref<!tpu.dma_semaphore, #tpu.memory_space<semaphore_mem>>)
    %add3A_18 = arith.constant 32768 : i32
    %add3A_19 = arith.addi %add3A_18, %mul3A_2 : i32
    %dma_start3A_20 = arith.constant 1024 : i32
    %dma_start3A_21 = tpu.memref_slice %arg8[%dma_start3A_20] : memref<3584xi32, #tpu.memory_space<vmem>> -> memref<512xi32, #tpu.memory_space<vmem>>
    %dma_start3A_22 = tpu.memref_slice %arg2[%add3A_19] : memref<81920xi32, #tpu.memory_space<hbm>> -> memref<512xi32, #tpu.memory_space<hbm>>
    %dma_start3A_23 = arith.constant 1024 : i32
    %dma_start3A_24 = tpu.memref_slice %arg8[%dma_start3A_23] : memref<3584xi32, #tpu.memory_space<vmem>> -> memref<512xi32, #tpu.memory_space<vmem>>
    %dma_start3A_25 = tpu.memref_slice %arg2[%add3A_19] : memref<81920xi32, #tpu.memory_space<hbm>> -> memref<512xi32, #tpu.memory_space<hbm>>
    tpu.enqueue_dma source(%dma_start3A_25 : memref<512xi32, #tpu.memory_space<hbm>>) target(%dma_start3A_24 : memref<512xi32, #tpu.memory_space<vmem>>) target_semaphore(%arg11 : memref<!tpu.dma_semaphore, #tpu.memory_space<semaphore_mem>>)
    %add3A_26 = arith.constant 49152 : i32
    %add3A_27 = arith.addi %add3A_26, %mul3A_2 : i32
    %dma_start3A_28 = arith.constant 1536 : i32
    %dma_start3A_29 = tpu.memref_slice %arg8[%dma_start3A_28] : memref<3584xi32, #tpu.memory_space<vmem>> -> memref<512xi32, #tpu.memory_space<vmem>>
    %dma_start3A_30 = tpu.memref_slice %arg2[%add3A_27] : memref<81920xi32, #tpu.memory_space<hbm>> -> memref<512xi32, #tpu.memory_space<hbm>>
    %dma_start3A_31 = arith.constant 1536 : i32
    %dma_start3A_32 = tpu.memref_slice %arg8[%dma_start3A_31] : memref<3584xi32, #tpu.memory_space<vmem>> -> memref<512xi32, #tpu.memory_space<vmem>>
    %dma_start3A_33 = tpu.memref_slice %arg2[%add3A_27] : memref<81920xi32, #tpu.memory_space<hbm>> -> memref<512xi32, #tpu.memory_space<hbm>>
    tpu.enqueue_dma source(%dma_start3A_33 : memref<512xi32, #tpu.memory_space<hbm>>) target(%dma_start3A_32 : memref<512xi32, #tpu.memory_space<vmem>>) target_semaphore(%arg11 : memref<!tpu.dma_semaphore, #tpu.memory_space<semaphore_mem>>)
    %add3A_34 = arith.constant 65536 : i32
    %add3A_35 = arith.addi %add3A_34, %mul3A_2 : i32
    %dma_start3A_36 = arith.constant 2048 : i32
    %dma_start3A_37 = tpu.memref_slice %arg8[%dma_start3A_36] : memref<3584xi32, #tpu.memory_space<vmem>> -> memref<512xi32, #tpu.memory_space<vmem>>
    %dma_start3A_38 = tpu.memref_slice %arg2[%add3A_35] : memref<81920xi32, #tpu.memory_space<hbm>> -> memref<512xi32, #tpu.memory_space<hbm>>
    %dma_start3A_39 = arith.constant 2048 : i32
    %dma_start3A_40 = tpu.memref_slice %arg8[%dma_start3A_39] : memref<3584xi32, #tpu.memory_space<vmem>> -> memref<512xi32, #tpu.memory_space<vmem>>
    %dma_start3A_41 = tpu.memref_slice %arg2[%add3A_35] : memref<81920xi32, #tpu.memory_space<hbm>> -> memref<512xi32, #tpu.memory_space<hbm>>
    tpu.enqueue_dma source(%dma_start3A_41 : memref<512xi32, #tpu.memory_space<hbm>>) target(%dma_start3A_40 : memref<512xi32, #tpu.memory_space<vmem>>) target_semaphore(%arg11 : memref<!tpu.dma_semaphore, #tpu.memory_space<semaphore_mem>>)
    %add3A_42 = arith.constant 0 : i32
    %add3A_43 = arith.addi %add3A_42, %mul3A_2 : i32
    %dma_start3A_44 = arith.constant 2560 : i32
    %dma_start3A_45 = tpu.memref_slice %arg8[%dma_start3A_44] : memref<3584xi32, #tpu.memory_space<vmem>> -> memref<512xi32, #tpu.memory_space<vmem>>
    %dma_start3A_46 = tpu.memref_slice %arg3[%add3A_43] : memref<32768xi32, #tpu.memory_space<hbm>> -> memref<512xi32, #tpu.memory_space<hbm>>
    %dma_start3A_47 = arith.constant 2560 : i32
    %dma_start3A_48 = tpu.memref_slice %arg8[%dma_start3A_47] : memref<3584xi32, #tpu.memory_space<vmem>> -> memref<512xi32, #tpu.memory_space<vmem>>
    %dma_start3A_49 = tpu.memref_slice %arg3[%add3A_43] : memref<32768xi32, #tpu.memory_space<hbm>> -> memref<512xi32, #tpu.memory_space<hbm>>
    tpu.enqueue_dma source(%dma_start3A_49 : memref<512xi32, #tpu.memory_space<hbm>>) target(%dma_start3A_48 : memref<512xi32, #tpu.memory_space<vmem>>) target_semaphore(%arg11 : memref<!tpu.dma_semaphore, #tpu.memory_space<semaphore_mem>>)
    %add3A_50 = arith.constant 16384 : i32
    %add3A_51 = arith.addi %add3A_50, %mul3A_2 : i32
    %dma_start3A_52 = arith.constant 3072 : i32
    %dma_start3A_53 = tpu.memref_slice %arg8[%dma_start3A_52] : memref<3584xi32, #tpu.memory_space<vmem>> -> memref<512xi32, #tpu.memory_space<vmem>>
    %dma_start3A_54 = tpu.memref_slice %arg3[%add3A_51] : memref<32768xi32, #tpu.memory_space<hbm>> -> memref<512xi32, #tpu.memory_space<hbm>>
    %dma_start3A_55 = arith.constant 3072 : i32
    %dma_start3A_56 = tpu.memref_slice %arg8[%dma_start3A_55] : memref<3584xi32, #tpu.memory_space<vmem>> -> memref<512xi32, #tpu.memory_space<vmem>>
    %dma_start3A_57 = tpu.memref_slice %arg3[%add3A_51] : memref<32768xi32, #tpu.memory_space<hbm>> -> memref<512xi32, #tpu.memory_space<hbm>>
    tpu.enqueue_dma source(%dma_start3A_57 : memref<512xi32, #tpu.memory_space<hbm>>) target(%dma_start3A_56 : memref<512xi32, #tpu.memory_space<vmem>>) target_semaphore(%arg11 : memref<!tpu.dma_semaphore, #tpu.memory_space<semaphore_mem>>)
    %add3A_58 = arith.constant 0 : i32
    %add3A_59 = arith.addi %add3A_58, %mul3A_2 : i32
    %dma_wait3A = arith.constant 0 : i32
    %dma_wait3A_60 = tpu.memref_slice %arg8[%dma_wait3A] : memref<3584xi32, #tpu.memory_space<vmem>> -> memref<512xi32, #tpu.memory_space<vmem>>
    %dma_wait3A_61 = tpu.memref_slice %arg2[%add3A_59] : memref<81920xi32, #tpu.memory_space<hbm>> -> memref<512xi32, #tpu.memory_space<hbm>>
    %dma_wait3A_62 = arith.constant 0 : i32
    %dma_wait3A_63 = tpu.memref_slice %arg8[%dma_wait3A_62] : memref<3584xi32, #tpu.memory_space<vmem>> -> memref<512xi32, #tpu.memory_space<vmem>>
    %dma_wait3A_64 = tpu.memref_slice %arg2[%add3A_59] : memref<81920xi32, #tpu.memory_space<hbm>> -> memref<512xi32, #tpu.memory_space<hbm>>
    tpu.wait_dma2 semaphore(%arg11 : memref<!tpu.dma_semaphore, #tpu.memory_space<semaphore_mem>>) src(%dma_wait3A_64 : memref<512xi32, #tpu.memory_space<hbm>>) dst(%dma_wait3A_63 : memref<512xi32, #tpu.memory_space<vmem>>)
    %add3A_65 = arith.constant 16384 : i32
    %add3A_66 = arith.addi %add3A_65, %mul3A_2 : i32
    %dma_wait3A_67 = arith.constant 512 : i32
    %dma_wait3A_68 = tpu.memref_slice %arg8[%dma_wait3A_67] : memref<3584xi32, #tpu.memory_space<vmem>> -> memref<512xi32, #tpu.memory_space<vmem>>
    %dma_wait3A_69 = tpu.memref_slice %arg2[%add3A_66] : memref<81920xi32, #tpu.memory_space<hbm>> -> memref<512xi32, #tpu.memory_space<hbm>>
    %dma_wait3A_70 = arith.constant 512 : i32
    %dma_wait3A_71 = tpu.memref_slice %arg8[%dma_wait3A_70] : memref<3584xi32, #tpu.memory_space<vmem>> -> memref<512xi32, #tpu.memory_space<vmem>>
    %dma_wait3A_72 = tpu.memref_slice %arg2[%add3A_66] : memref<81920xi32, #tpu.memory_space<hbm>> -> memref<512xi32, #tpu.memory_space<hbm>>
    tpu.wait_dma2 semaphore(%arg11 : memref<!tpu.dma_semaphore, #tpu.memory_space<semaphore_mem>>) src(%dma_wait3A_72 : memref<512xi32, #tpu.memory_space<hbm>>) dst(%dma_wait3A_71 : memref<512xi32, #tpu.memory_space<vmem>>)
    %add3A_73 = arith.constant 32768 : i32
    %add3A_74 = arith.addi %add3A_73, %mul3A_2 : i32
    %dma_wait3A_75 = arith.constant 1024 : i32
    %dma_wait3A_76 = tpu.memref_slice %arg8[%dma_wait3A_75] : memref<3584xi32, #tpu.memory_space<vmem>> -> memref<512xi32, #tpu.memory_space<vmem>>
    %dma_wait3A_77 = tpu.memref_slice %arg2[%add3A_74] : memref<81920xi32, #tpu.memory_space<hbm>> -> memref<512xi32, #tpu.memory_space<hbm>>
    %dma_wait3A_78 = arith.constant 1024 : i32
    %dma_wait3A_79 = tpu.memref_slice %arg8[%dma_wait3A_78] : memref<3584xi32, #tpu.memory_space<vmem>> -> memref<512xi32, #tpu.memory_space<vmem>>
    %dma_wait3A_80 = tpu.memref_slice %arg2[%add3A_74] : memref<81920xi32, #tpu.memory_space<hbm>> -> memref<512xi32, #tpu.memory_space<hbm>>
    tpu.wait_dma2 semaphore(%arg11 : memref<!tpu.dma_semaphore, #tpu.memory_space<semaphore_mem>>) src(%dma_wait3A_80 : memref<512xi32, #tpu.memory_space<hbm>>) dst(%dma_wait3A_79 : memref<512xi32, #tpu.memory_space<vmem>>)
    %add3A_81 = arith.constant 49152 : i32
    %add3A_82 = arith.addi %add3A_81, %mul3A_2 : i32
    %dma_wait3A_83 = arith.constant 1536 : i32
    %dma_wait3A_84 = tpu.memref_slice %arg8[%dma_wait3A_83] : memref<3584xi32, #tpu.memory_space<vmem>> -> memref<512xi32, #tpu.memory_space<vmem>>
    %dma_wait3A_85 = tpu.memref_slice %arg2[%add3A_82] : memref<81920xi32, #tpu.memory_space<hbm>> -> memref<512xi32, #tpu.memory_space<hbm>>
    %dma_wait3A_86 = arith.constant 1536 : i32
    %dma_wait3A_87 = tpu.memref_slice %arg8[%dma_wait3A_86] : memref<3584xi32, #tpu.memory_space<vmem>> -> memref<512xi32, #tpu.memory_space<vmem>>
    %dma_wait3A_88 = tpu.memref_slice %arg2[%add3A_82] : memref<81920xi32, #tpu.memory_space<hbm>> -> memref<512xi32, #tpu.memory_space<hbm>>
    tpu.wait_dma2 semaphore(%arg11 : memref<!tpu.dma_semaphore, #tpu.memory_space<semaphore_mem>>) src(%dma_wait3A_88 : memref<512xi32, #tpu.memory_space<hbm>>) dst(%dma_wait3A_87 : memref<512xi32, #tpu.memory_space<vmem>>)
    %add3A_89 = arith.constant 65536 : i32
    %add3A_90 = arith.addi %add3A_89, %mul3A_2 : i32
    %dma_wait3A_91 = arith.constant 2048 : i32
    %dma_wait3A_92 = tpu.memref_slice %arg8[%dma_wait3A_91] : memref<3584xi32, #tpu.memory_space<vmem>> -> memref<512xi32, #tpu.memory_space<vmem>>
    %dma_wait3A_93 = tpu.memref_slice %arg2[%add3A_90] : memref<81920xi32, #tpu.memory_space<hbm>> -> memref<512xi32, #tpu.memory_space<hbm>>
    %dma_wait3A_94 = arith.constant 2048 : i32
    %dma_wait3A_95 = tpu.memref_slice %arg8[%dma_wait3A_94] : memref<3584xi32, #tpu.memory_space<vmem>> -> memref<512xi32, #tpu.memory_space<vmem>>
    %dma_wait3A_96 = tpu.memref_slice %arg2[%add3A_90] : memref<81920xi32, #tpu.memory_space<hbm>> -> memref<512xi32, #tpu.memory_space<hbm>>
    tpu.wait_dma2 semaphore(%arg11 : memref<!tpu.dma_semaphore, #tpu.memory_space<semaphore_mem>>) src(%dma_wait3A_96 : memref<512xi32, #tpu.memory_space<hbm>>) dst(%dma_wait3A_95 : memref<512xi32, #tpu.memory_space<vmem>>)
    %add3A_97 = arith.constant 0 : i32
    %add3A_98 = arith.addi %add3A_97, %mul3A_2 : i32
    %dma_wait3A_99 = arith.constant 2560 : i32
    %dma_wait3A_100 = tpu.memref_slice %arg8[%dma_wait3A_99] : memref<3584xi32, #tpu.memory_space<vmem>> -> memref<512xi32, #tpu.memory_space<vmem>>
    %dma_wait3A_101 = tpu.memref_slice %arg3[%add3A_98] : memref<32768xi32, #tpu.memory_space<hbm>> -> memref<512xi32, #tpu.memory_space<hbm>>
    %dma_wait3A_102 = arith.constant 2560 : i32
    %dma_wait3A_103 = tpu.memref_slice %arg8[%dma_wait3A_102] : memref<3584xi32, #tpu.memory_space<vmem>> -> memref<512xi32, #tpu.memory_space<vmem>>
    %dma_wait3A_104 = tpu.memref_slice %arg3[%add3A_98] : memref<32768xi32, #tpu.memory_space<hbm>> -> memref<512xi32, #tpu.memory_space<hbm>>
    tpu.wait_dma2 semaphore(%arg11 : memref<!tpu.dma_semaphore, #tpu.memory_space<semaphore_mem>>) src(%dma_wait3A_104 : memref<512xi32, #tpu.memory_space<hbm>>) dst(%dma_wait3A_103 : memref<512xi32, #tpu.memory_space<vmem>>)
    %add3A_105 = arith.constant 16384 : i32
    %add3A_106 = arith.addi %add3A_105, %mul3A_2 : i32
    %dma_wait3A_107 = arith.constant 3072 : i32
    %dma_wait3A_108 = tpu.memref_slice %arg8[%dma_wait3A_107] : memref<3584xi32, #tpu.memory_space<vmem>> -> memref<512xi32, #tpu.memory_space<vmem>>
    %dma_wait3A_109 = tpu.memref_slice %arg3[%add3A_106] : memref<32768xi32, #tpu.memory_space<hbm>> -> memref<512xi32, #tpu.memory_space<hbm>>
    %dma_wait3A_110 = arith.constant 3072 : i32
    %dma_wait3A_111 = tpu.memref_slice %arg8[%dma_wait3A_110] : memref<3584xi32, #tpu.memory_space<vmem>> -> memref<512xi32, #tpu.memory_space<vmem>>
    %dma_wait3A_112 = tpu.memref_slice %arg3[%add3A_106] : memref<32768xi32, #tpu.memory_space<hbm>> -> memref<512xi32, #tpu.memory_space<hbm>>
    tpu.wait_dma2 semaphore(%arg11 : memref<!tpu.dma_semaphore, #tpu.memory_space<semaphore_mem>>) src(%dma_wait3A_112 : memref<512xi32, #tpu.memory_space<hbm>>) dst(%dma_wait3A_111 : memref<512xi32, #tpu.memory_space<vmem>>)
    %rem3A = arith.constant 0 : i32
    %rem3A_113 = arith.constant 2 : i32
    %rem3A_114 = arith.remsi %rem3A, %rem3A_113 : i32
    %dma_start3A_115 = arith.constant 0 : i32
    %dma_start3A_116 = arith.constant 0 : i32
    %dma_start3A_117 = tpu.memref_slice %arg9[%rem3A_114, %dma_start3A_115, %dma_start3A_116] : memref<2x128x128xf32, #tpu.memory_space<vmem>> -> memref<1x128x128xf32, #tpu.memory_space<vmem>>
    %dma_start3A_118 = tpu.memref_squeeze %dma_start3A_117 : memref<1x128x128xf32, #tpu.memory_space<vmem>> -> memref<128x128xf32, #tpu.memory_space<vmem>>
    %dma_start3A_119 = arith.constant 0 : i32
    %dma_start3A_120 = tpu.memref_slice %arg8[%dma_start3A_119] : memref<3584xi32, #tpu.memory_space<vmem>> -> memref<128xi32, #tpu.memory_space<vmem>>
    %dma_start3A_121 = arith.constant 0 : i32
    %dma_start3A_122 = arith.constant 0 : i32
    %dma_start3A_123 = tpu.memref_slice %arg4[%dma_start3A_121, %dma_start3A_122] : memref<100000x128xf32, #tpu.memory_space<hbm>> -> memref<100000x128xf32, #tpu.memory_space<hbm>>
    tpu.enqueue_indirect_dma source(%dma_start3A_123 : memref<100000x128xf32, #tpu.memory_space<hbm>>) target(%dma_start3A_118 : memref<128x128xf32, #tpu.memory_space<vmem>>) offsets(%dma_start3A_120 : memref<128xi32, #tpu.memory_space<vmem>>) semaphore(%arg10 : memref<!tpu.dma_semaphore, #tpu.memory_space<semaphore_mem>>)
    %scan3A = arith.constant 0 : i32
    %scan3A_124 = arith.constant 0 : i32
    %scan3A_125 = arith.constant 28 : i32
    %scan3A_126 = arith.addi %scan3A_124, %scan3A_125 : i32
    %scan3A_127 = arith.constant 1 : i32
    scf.for %scan3A_129 = %scan3A_124 to %scan3A_126 step %scan3A_127  : i32 {
      %add3A_130 = arith.constant 1 : i32
      %add3A_131 = arith.addi %scan3A_129, %add3A_130 : i32
      %lt3A = arith.constant 28 : i32
      %lt3A_132 = arith.cmpi slt, %add3A_131, %lt3A : i32
      %convert_element_type3A = arith.extui %lt3A_132 : i1 to i32
      %cond3A = arith.constant 0 : i32
      %cond3A_133 = arith.cmpi ne, %convert_element_type3A, %cond3A : i32
      scf.if %cond3A_133 {
        %add3A_167 = arith.constant 1 : i32
        %add3A_168 = arith.addi %scan3A_129, %add3A_167 : i32
        %rem3A_169 = arith.constant 2 : i32
        %rem3A_170 = arith.remsi %add3A_168, %rem3A_169 : i32
        %mul3A_171 = arith.constant 128 : i32
        %mul3A_172 = arith.muli %add3A_168, %mul3A_171 : i32
        %dma_start3A_173 = arith.constant 0 : i32
        %dma_start3A_174 = arith.constant 0 : i32
        %dma_start3A_175 = tpu.memref_slice %arg9[%rem3A_170, %dma_start3A_173, %dma_start3A_174] : memref<2x128x128xf32, #tpu.memory_space<vmem>> -> memref<1x128x128xf32, #tpu.memory_space<vmem>>
        %dma_start3A_176 = tpu.memref_squeeze %dma_start3A_175 : memref<1x128x128xf32, #tpu.memory_space<vmem>> -> memref<128x128xf32, #tpu.memory_space<vmem>>
        %dma_start3A_177 = tpu.memref_slice %arg8[%mul3A_172] : memref<3584xi32, #tpu.memory_space<vmem>> -> memref<128xi32, #tpu.memory_space<vmem>>
        %dma_start3A_178 = arith.constant 0 : i32
        %dma_start3A_179 = arith.constant 0 : i32
        %dma_start3A_180 = tpu.memref_slice %arg4[%dma_start3A_178, %dma_start3A_179] : memref<100000x128xf32, #tpu.memory_space<hbm>> -> memref<100000x128xf32, #tpu.memory_space<hbm>>
        tpu.enqueue_indirect_dma source(%dma_start3A_180 : memref<100000x128xf32, #tpu.memory_space<hbm>>) target(%dma_start3A_176 : memref<128x128xf32, #tpu.memory_space<vmem>>) offsets(%dma_start3A_177 : memref<128xi32, #tpu.memory_space<vmem>>) semaphore(%arg10 : memref<!tpu.dma_semaphore, #tpu.memory_space<semaphore_mem>>)
      } else {
      }
      %rem3A_134 = arith.constant 2 : i32
      %rem3A_135 = arith.remsi %scan3A_129, %rem3A_134 : i32
      %mul3A_136 = arith.constant 128 : i32
      %mul3A_137 = arith.muli %scan3A_129, %mul3A_136 : i32
      %dma_wait3A_138 = arith.constant 0 : i32
      %dma_wait3A_139 = arith.constant 0 : i32
      %dma_wait3A_140 = tpu.memref_slice %arg9[%rem3A_135, %dma_wait3A_138, %dma_wait3A_139] : memref<2x128x128xf32, #tpu.memory_space<vmem>> -> memref<1x128x128xf32, #tpu.memory_space<vmem>>
      %dma_wait3A_141 = tpu.memref_squeeze %dma_wait3A_140 : memref<1x128x128xf32, #tpu.memory_space<vmem>> -> memref<128x128xf32, #tpu.memory_space<vmem>>
      %dma_wait3A_142 = tpu.memref_slice %arg8[%mul3A_137] : memref<3584xi32, #tpu.memory_space<vmem>> -> memref<128xi32, #tpu.memory_space<vmem>>
      %dma_wait3A_143 = arith.constant 0 : i32
      %dma_wait3A_144 = arith.constant 0 : i32
      %dma_wait3A_145 = tpu.memref_slice %arg4[%dma_wait3A_143, %dma_wait3A_144] : memref<100000x128xf32, #tpu.memory_space<hbm>> -> memref<100000x128xf32, #tpu.memory_space<hbm>>
      tpu.wait_indirect_dma semaphore(%arg10 : memref<!tpu.dma_semaphore, #tpu.memory_space<semaphore_mem>>) src(%dma_wait3A_145 : memref<100000x128xf32, #tpu.memory_space<hbm>>) dst(%dma_wait3A_141 : memref<128x128xf32, #tpu.memory_space<vmem>>)
      %rem3A_146 = arith.constant 4 : i32
      %rem3A_147 = arith.remsi %scan3A_129, %rem3A_146 : i32
      %mul3A_148 = arith.constant 128 : i32
      %mul3A_149 = arith.muli %rem3A_147, %mul3A_148 : i32
      %add3A_150 = arith.addi %mul3A_2, %mul3A_149 : i32
      %lt3A_151 = arith.constant 20 : i32
      %lt3A_152 = arith.cmpi slt, %scan3A_129, %lt3A_151 : i32
      %convert_element_type3A_153 = arith.extui %lt3A_152 : i1 to i32
      %cond3A_154 = arith.constant 0 : i32
      %cond3A_155 = arith.cmpi ne, %convert_element_type3A_153, %cond3A_154 : i32
      scf.if %cond3A_155 {
        %jit3A = arith.constant 4 : i32
        %div3A = arith.divsi %scan3A_129, %jit3A : i32
        %sign3A = arith.constant 0 : i32
        %sign3A_167 = arith.cmpi sgt, %scan3A_129, %sign3A : i32
        %sign3A_168 = arith.extui %sign3A_167 : i1 to i32
        %sign3A_169 = arith.constant 0 : i32
        %sign3A_170 = arith.cmpi slt, %scan3A_129, %sign3A_169 : i32
        %sign3A_171 = arith.extui %sign3A_170 : i1 to i32
        %sign3A_172 = arith.subi %sign3A_168, %sign3A_171 : i32
        %sign3A_173 = arith.constant 0 : i32
        %sign3A_174 = arith.cmpi sgt, %jit3A, %sign3A_173 : i32
        %sign3A_175 = arith.extui %sign3A_174 : i1 to i32
        %sign3A_176 = arith.constant 0 : i32
        %sign3A_177 = arith.cmpi slt, %jit3A, %sign3A_176 : i32
        %sign3A_178 = arith.extui %sign3A_177 : i1 to i32
        %sign3A_179 = arith.subi %sign3A_175, %sign3A_178 : i32
        %ne3A = arith.cmpi ne, %sign3A_172, %sign3A_179 : i32
        %rem3A_180 = arith.remsi %scan3A_129, %jit3A : i32
        %ne3A_181 = arith.constant 0 : i32
        %ne3A_182 = arith.cmpi ne, %rem3A_180, %ne3A_181 : i32
        %and3A_183 = arith.andi %ne3A, %ne3A_182 : i1
        %sub3A = arith.constant 1 : i32
        %sub3A_184 = arith.subi %div3A, %sub3A : i32
        %select_n3A = arith.select %and3A_183, %sub3A_184, %div3A : i32
        "tpu.region"() ({
          %run_scoped3A = tpu.sem_alloc : memref<!tpu.dma_semaphore, #tpu.memory_space<semaphore_mem>>
          %dma_start3A_185 = arith.constant 0 : i32
          %dma_start3A_186 = arith.constant 0 : i32
          %dma_start3A_187 = tpu.memref_slice %arg9[%rem3A_135, %dma_start3A_185, %dma_start3A_186] : memref<2x128x128xf32, #tpu.memory_space<vmem>> -> memref<1x128x128xf32, #tpu.memory_space<vmem>>
          %dma_start3A_188 = tpu.memref_squeeze %dma_start3A_187 : memref<1x128x128xf32, #tpu.memory_space<vmem>> -> memref<128x128xf32, #tpu.memory_space<vmem>>
          %dma_start3A_189 = arith.constant 0 : i32
          %dma_start3A_190 = tpu.memref_slice %arg5[%select_n3A, %add3A_150, %dma_start3A_189] : memref<5x16384x128xf32, #tpu.memory_space<hbm>> -> memref<1x128x128xf32, #tpu.memory_space<hbm>>
          %dma_start3A_191 = tpu.memref_squeeze %dma_start3A_190 : memref<1x128x128xf32, #tpu.memory_space<hbm>> -> memref<128x128xf32, #tpu.memory_space<hbm>>
          %dma_start3A_192 = arith.constant 0 : i32
          %dma_start3A_193 = tpu.memref_slice %arg5[%select_n3A, %add3A_150, %dma_start3A_192] : memref<5x16384x128xf32, #tpu.memory_space<hbm>> -> memref<1x128x128xf32, #tpu.memory_space<hbm>>
          %dma_start3A_194 = tpu.memref_squeeze %dma_start3A_193 : memref<1x128x128xf32, #tpu.memory_space<hbm>> -> memref<128x128xf32, #tpu.memory_space<hbm>>
          %dma_start3A_195 = arith.constant 0 : i32
          %dma_start3A_196 = arith.constant 0 : i32
          %dma_start3A_197 = tpu.memref_slice %arg9[%rem3A_135, %dma_start3A_195, %dma_start3A_196] : memref<2x128x128xf32, #tpu.memory_space<vmem>> -> memref<1x128x128xf32, #tpu.memory_space<vmem>>
          %dma_start3A_198 = tpu.memref_squeeze %dma_start3A_197 : memref<1x128x128xf32, #tpu.memory_space<vmem>> -> memref<128x128xf32, #tpu.memory_space<vmem>>
          tpu.enqueue_dma source(%dma_start3A_198 : memref<128x128xf32, #tpu.memory_space<vmem>>) target(%dma_start3A_194 : memref<128x128xf32, #tpu.memory_space<hbm>>) target_semaphore(%run_scoped3A : memref<!tpu.dma_semaphore, #tpu.memory_space<semaphore_mem>>)
          %dma_wait3A_199 = arith.constant 0 : i32
          %dma_wait3A_200 = arith.constant 0 : i32
          %dma_wait3A_201 = tpu.memref_slice %arg9[%rem3A_135, %dma_wait3A_199, %dma_wait3A_200] : memref<2x128x128xf32, #tpu.memory_space<vmem>> -> memref<1x128x128xf32, #tpu.memory_space<vmem>>
          %dma_wait3A_202 = tpu.memref_squeeze %dma_wait3A_201 : memref<1x128x128xf32, #tpu.memory_space<vmem>> -> memref<128x128xf32, #tpu.memory_space<vmem>>
          %dma_wait3A_203 = arith.constant 0 : i32
          %dma_wait3A_204 = tpu.memref_slice %arg5[%select_n3A, %add3A_150, %dma_wait3A_203] : memref<5x16384x128xf32, #tpu.memory_space<hbm>> -> memref<1x128x128xf32, #tpu.memory_space<hbm>>
          %dma_wait3A_205 = tpu.memref_squeeze %dma_wait3A_204 : memref<1x128x128xf32, #tpu.memory_space<hbm>> -> memref<128x128xf32, #tpu.memory_space<hbm>>
          %dma_wait3A_206 = arith.constant 0 : i32
          %dma_wait3A_207 = tpu.memref_slice %arg5[%select_n3A, %add3A_150, %dma_wait3A_206] : memref<5x16384x128xf32, #tpu.memory_space<hbm>> -> memref<1x128x128xf32, #tpu.memory_space<hbm>>
          %dma_wait3A_208 = tpu.memref_squeeze %dma_wait3A_207 : memref<1x128x128xf32, #tpu.memory_space<hbm>> -> memref<128x128xf32, #tpu.memory_space<hbm>>
          %dma_wait3A_209 = arith.constant 0 : i32
          %dma_wait3A_210 = arith.constant 0 : i32
          %dma_wait3A_211 = tpu.memref_slice %arg9[%rem3A_135, %dma_wait3A_209, %dma_wait3A_210] : memref<2x128x128xf32, #tpu.memory_space<vmem>> -> memref<1x128x128xf32, #tpu.memory_space<vmem>>
          %dma_wait3A_212 = tpu.memref_squeeze %dma_wait3A_211 : memref<1x128x128xf32, #tpu.memory_space<vmem>> -> memref<128x128xf32, #tpu.memory_space<vmem>>
          tpu.wait_dma2 semaphore(%run_scoped3A : memref<!tpu.dma_semaphore, #tpu.memory_space<semaphore_mem>>) src(%dma_wait3A_212 : memref<128x128xf32, #tpu.memory_space<vmem>>) dst(%dma_wait3A_208 : memref<128x128xf32, #tpu.memory_space<hbm>>)
          tpu.yield
        }) : () -> ()
      } else {
      }
      %ge3A = arith.constant 20 : i32
      %ge3A_156 = arith.cmpi sge, %scan3A_129, %ge3A : i32
      %lt3A_157 = arith.constant 24 : i32
      %lt3A_158 = arith.cmpi slt, %scan3A_129, %lt3A_157 : i32
      %and3A = arith.andi %ge3A_156, %lt3A_158 : i1
      %convert_element_type3A_159 = arith.extui %and3A : i1 to i32
      %cond3A_160 = arith.constant 0 : i32
      %cond3A_161 = arith.cmpi ne, %convert_element_type3A_159, %cond3A_160 : i32
      scf.if %cond3A_161 {
        "tpu.region"() ({
          %run_scoped3A = tpu.sem_alloc : memref<!tpu.dma_semaphore, #tpu.memory_space<semaphore_mem>>
          %dma_start3A_167 = arith.constant 0 : i32
          %dma_start3A_168 = arith.constant 0 : i32
          %dma_start3A_169 = tpu.memref_slice %arg9[%rem3A_135, %dma_start3A_167, %dma_start3A_168] : memref<2x128x128xf32, #tpu.memory_space<vmem>> -> memref<1x128x128xf32, #tpu.memory_space<vmem>>
          %dma_start3A_170 = tpu.memref_squeeze %dma_start3A_169 : memref<1x128x128xf32, #tpu.memory_space<vmem>> -> memref<128x128xf32, #tpu.memory_space<vmem>>
          %dma_start3A_171 = arith.constant 0 : i32
          %dma_start3A_172 = tpu.memref_slice %arg6[%add3A_150, %dma_start3A_171] : memref<16384x128xf32, #tpu.memory_space<hbm>> -> memref<128x128xf32, #tpu.memory_space<hbm>>
          %dma_start3A_173 = arith.constant 0 : i32
          %dma_start3A_174 = tpu.memref_slice %arg6[%add3A_150, %dma_start3A_173] : memref<16384x128xf32, #tpu.memory_space<hbm>> -> memref<128x128xf32, #tpu.memory_space<hbm>>
          %dma_start3A_175 = arith.constant 0 : i32
          %dma_start3A_176 = arith.constant 0 : i32
          %dma_start3A_177 = tpu.memref_slice %arg9[%rem3A_135, %dma_start3A_175, %dma_start3A_176] : memref<2x128x128xf32, #tpu.memory_space<vmem>> -> memref<1x128x128xf32, #tpu.memory_space<vmem>>
          %dma_start3A_178 = tpu.memref_squeeze %dma_start3A_177 : memref<1x128x128xf32, #tpu.memory_space<vmem>> -> memref<128x128xf32, #tpu.memory_space<vmem>>
          tpu.enqueue_dma source(%dma_start3A_178 : memref<128x128xf32, #tpu.memory_space<vmem>>) target(%dma_start3A_174 : memref<128x128xf32, #tpu.memory_space<hbm>>) target_semaphore(%run_scoped3A : memref<!tpu.dma_semaphore, #tpu.memory_space<semaphore_mem>>)
          %dma_wait3A_179 = arith.constant 0 : i32
          %dma_wait3A_180 = arith.constant 0 : i32
          %dma_wait3A_181 = tpu.memref_slice %arg9[%rem3A_135, %dma_wait3A_179, %dma_wait3A_180] : memref<2x128x128xf32, #tpu.memory_space<vmem>> -> memref<1x128x128xf32, #tpu.memory_space<vmem>>
          %dma_wait3A_182 = tpu.memref_squeeze %dma_wait3A_181 : memref<1x128x128xf32, #tpu.memory_space<vmem>> -> memref<128x128xf32, #tpu.memory_space<vmem>>
          %dma_wait3A_183 = arith.constant 0 : i32
          %dma_wait3A_184 = tpu.memref_slice %arg6[%add3A_150, %dma_wait3A_183] : memref<16384x128xf32, #tpu.memory_space<hbm>> -> memref<128x128xf32, #tpu.memory_space<hbm>>
          %dma_wait3A_185 = arith.constant 0 : i32
          %dma_wait3A_186 = tpu.memref_slice %arg6[%add3A_150, %dma_wait3A_185] : memref<16384x128xf32, #tpu.memory_space<hbm>> -> memref<128x128xf32, #tpu.memory_space<hbm>>
          %dma_wait3A_187 = arith.constant 0 : i32
          %dma_wait3A_188 = arith.constant 0 : i32
          %dma_wait3A_189 = tpu.memref_slice %arg9[%rem3A_135, %dma_wait3A_187, %dma_wait3A_188] : memref<2x128x128xf32, #tpu.memory_space<vmem>> -> memref<1x128x128xf32, #tpu.memory_space<vmem>>
          %dma_wait3A_190 = tpu.memref_squeeze %dma_wait3A_189 : memref<1x128x128xf32, #tpu.memory_space<vmem>> -> memref<128x128xf32, #tpu.memory_space<vmem>>
          tpu.wait_dma2 semaphore(%run_scoped3A : memref<!tpu.dma_semaphore, #tpu.memory_space<semaphore_mem>>) src(%dma_wait3A_190 : memref<128x128xf32, #tpu.memory_space<vmem>>) dst(%dma_wait3A_186 : memref<128x128xf32, #tpu.memory_space<hbm>>)
          tpu.yield
        }) : () -> ()
      } else {
      }
      %ge3A_162 = arith.constant 24 : i32
      %ge3A_163 = arith.cmpi sge, %scan3A_129, %ge3A_162 : i32
      %convert_element_type3A_164 = arith.extui %ge3A_163 : i1 to i32
      %cond3A_165 = arith.constant 0 : i32
      %cond3A_166 = arith.cmpi ne, %convert_element_type3A_164, %cond3A_165 : i32
      scf.if %cond3A_166 {
        "tpu.region"() ({
          %run_scoped3A = tpu.sem_alloc : memref<!tpu.dma_semaphore, #tpu.memory_space<semaphore_mem>>
          %dma_start3A_167 = arith.constant 0 : i32
          %dma_start3A_168 = arith.constant 0 : i32
          %dma_start3A_169 = tpu.memref_slice %arg9[%rem3A_135, %dma_start3A_167, %dma_start3A_168] : memref<2x128x128xf32, #tpu.memory_space<vmem>> -> memref<1x128x128xf32, #tpu.memory_space<vmem>>
          %dma_start3A_170 = tpu.memref_squeeze %dma_start3A_169 : memref<1x128x128xf32, #tpu.memory_space<vmem>> -> memref<128x128xf32, #tpu.memory_space<vmem>>
          %dma_start3A_171 = arith.constant 0 : i32
          %dma_start3A_172 = tpu.memref_slice %arg7[%add3A_150, %dma_start3A_171] : memref<16384x128xf32, #tpu.memory_space<hbm>> -> memref<128x128xf32, #tpu.memory_space<hbm>>
          %dma_start3A_173 = arith.constant 0 : i32
          %dma_start3A_174 = tpu.memref_slice %arg7[%add3A_150, %dma_start3A_173] : memref<16384x128xf32, #tpu.memory_space<hbm>> -> memref<128x128xf32, #tpu.memory_space<hbm>>
          %dma_start3A_175 = arith.constant 0 : i32
          %dma_start3A_176 = arith.constant 0 : i32
          %dma_start3A_177 = tpu.memref_slice %arg9[%rem3A_135, %dma_start3A_175, %dma_start3A_176] : memref<2x128x128xf32, #tpu.memory_space<vmem>> -> memref<1x128x128xf32, #tpu.memory_space<vmem>>
          %dma_start3A_178 = tpu.memref_squeeze %dma_start3A_177 : memref<1x128x128xf32, #tpu.memory_space<vmem>> -> memref<128x128xf32, #tpu.memory_space<vmem>>
          tpu.enqueue_dma source(%dma_start3A_178 : memref<128x128xf32, #tpu.memory_space<vmem>>) target(%dma_start3A_174 : memref<128x128xf32, #tpu.memory_space<hbm>>) target_semaphore(%run_scoped3A : memref<!tpu.dma_semaphore, #tpu.memory_space<semaphore_mem>>)
          %dma_wait3A_179 = arith.constant 0 : i32
          %dma_wait3A_180 = arith.constant 0 : i32
          %dma_wait3A_181 = tpu.memref_slice %arg9[%rem3A_135, %dma_wait3A_179, %dma_wait3A_180] : memref<2x128x128xf32, #tpu.memory_space<vmem>> -> memref<1x128x128xf32, #tpu.memory_space<vmem>>
          %dma_wait3A_182 = tpu.memref_squeeze %dma_wait3A_181 : memref<1x128x128xf32, #tpu.memory_space<vmem>> -> memref<128x128xf32, #tpu.memory_space<vmem>>
          %dma_wait3A_183 = arith.constant 0 : i32
          %dma_wait3A_184 = tpu.memref_slice %arg7[%add3A_150, %dma_wait3A_183] : memref<16384x128xf32, #tpu.memory_space<hbm>> -> memref<128x128xf32, #tpu.memory_space<hbm>>
          %dma_wait3A_185 = arith.constant 0 : i32
          %dma_wait3A_186 = tpu.memref_slice %arg7[%add3A_150, %dma_wait3A_185] : memref<16384x128xf32, #tpu.memory_space<hbm>> -> memref<128x128xf32, #tpu.memory_space<hbm>>
          %dma_wait3A_187 = arith.constant 0 : i32
          %dma_wait3A_188 = arith.constant 0 : i32
          %dma_wait3A_189 = tpu.memref_slice %arg9[%rem3A_135, %dma_wait3A_187, %dma_wait3A_188] : memref<2x128x128xf32, #tpu.memory_space<vmem>> -> memref<1x128x128xf32, #tpu.memory_space<vmem>>
          %dma_wait3A_190 = tpu.memref_squeeze %dma_wait3A_189 : memref<1x128x128xf32, #tpu.memory_space<vmem>> -> memref<128x128xf32, #tpu.memory_space<vmem>>
          tpu.wait_dma2 semaphore(%run_scoped3A : memref<!tpu.dma_semaphore, #tpu.memory_space<semaphore_mem>>) src(%dma_wait3A_190 : memref<128x128xf32, #tpu.memory_space<vmem>>) dst(%dma_wait3A_186 : memref<128x128xf32, #tpu.memory_space<hbm>>)
          tpu.yield
        }) : () -> ()
      } else {
      }
    }
    %scan3A_128 = arith.constant 28 : i32
    return
  }
}

#map = affine_map<(d0, d1) -> (0)>
#map1 = affine_map<(d0, d1) -> (0, 0)>
#map2 = affine_map<(d0, d1) -> (0, 0, 0)>
module attributes {stable_mosaic.version = 14 : i64} {
  func.func @_sc_gather_body(%arg0: i32, %arg1: i32, %arg2: memref<81920xi32, #tpu.memory_space<hbm>>, %arg3: memref<32768xi32, #tpu.memory_space<hbm>>, %arg4: memref<100000x128xf32, #tpu.memory_space<hbm>>, %arg5: memref<5x16384x128xf32, #tpu.memory_space<hbm>>, %arg6: memref<16384x128xf32, #tpu.memory_space<hbm>>, %arg7: memref<16384x128xf32, #tpu.memory_space<hbm>>, %arg8: memref<3584xi32, #tpu.memory_space<vmem>>, %arg9: memref<2x128x128xf32, #tpu.memory_space<vmem>>, %arg10: memref<!tpu.dma_semaphore, #tpu.memory_space<semaphore_mem>>, %arg11: memref<!tpu.dma_semaphore, #tpu.memory_space<semaphore_mem>>) attributes {dimension_semantics = [#tpu.dimension_semantics<core_parallel>, #tpu.dimension_semantics<subcore_parallel>], iteration_bounds = array<i64: 2, 16>, scalar_prefetch = 0 : i64, scratch_operands = 4 : i64, tpu.core_type = #tpu.core_type<sc_vector_subcore>, window_params = [{transform_indices = #map}, {transform_indices = #map}, {transform_indices = #map1}, {transform_indices = #map2}, {transform_indices = #map1}, {transform_indices = #map1}]} {
    %mul3A = arith.constant 2 : i32
    %mul3A_0 = arith.muli %arg1, %mul3A : i32
    %add3A = arith.addi %mul3A_0, %arg0 : i32
    %mul3A_1 = arith.constant 512 : i32
    %mul3A_2 = arith.muli %add3A, %mul3A_1 : i32
    %add3A_3 = arith.constant 0 : i32
    %add3A_4 = arith.addi %add3A_3, %mul3A_2 : i32
    %dma_start3A = arith.constant 0 : i32
    %dma_start3A_5 = tpu.memref_slice %arg8[%dma_start3A] : memref<3584xi32, #tpu.memory_space<vmem>> -> memref<512xi32, #tpu.memory_space<vmem>>
    %dma_start3A_6 = tpu.memref_slice %arg2[%add3A_4] : memref<81920xi32, #tpu.memory_space<hbm>> -> memref<512xi32, #tpu.memory_space<hbm>>
    %dma_start3A_7 = arith.constant 0 : i32
    %dma_start3A_8 = tpu.memref_slice %arg8[%dma_start3A_7] : memref<3584xi32, #tpu.memory_space<vmem>> -> memref<512xi32, #tpu.memory_space<vmem>>
    %dma_start3A_9 = tpu.memref_slice %arg2[%add3A_4] : memref<81920xi32, #tpu.memory_space<hbm>> -> memref<512xi32, #tpu.memory_space<hbm>>
    tpu.enqueue_dma source(%dma_start3A_9 : memref<512xi32, #tpu.memory_space<hbm>>) target(%dma_start3A_8 : memref<512xi32, #tpu.memory_space<vmem>>) target_semaphore(%arg11 : memref<!tpu.dma_semaphore, #tpu.memory_space<semaphore_mem>>)
    %add3A_10 = arith.constant 16384 : i32
    %add3A_11 = arith.addi %add3A_10, %mul3A_2 : i32
    %dma_start3A_12 = arith.constant 512 : i32
    %dma_start3A_13 = tpu.memref_slice %arg8[%dma_start3A_12] : memref<3584xi32, #tpu.memory_space<vmem>> -> memref<512xi32, #tpu.memory_space<vmem>>
    %dma_start3A_14 = tpu.memref_slice %arg2[%add3A_11] : memref<81920xi32, #tpu.memory_space<hbm>> -> memref<512xi32, #tpu.memory_space<hbm>>
    %dma_start3A_15 = arith.constant 512 : i32
    %dma_start3A_16 = tpu.memref_slice %arg8[%dma_start3A_15] : memref<3584xi32, #tpu.memory_space<vmem>> -> memref<512xi32, #tpu.memory_space<vmem>>
    %dma_start3A_17 = tpu.memref_slice %arg2[%add3A_11] : memref<81920xi32, #tpu.memory_space<hbm>> -> memref<512xi32, #tpu.memory_space<hbm>>
    tpu.enqueue_dma source(%dma_start3A_17 : memref<512xi32, #tpu.memory_space<hbm>>) target(%dma_start3A_16 : memref<512xi32, #tpu.memory_space<vmem>>) target_semaphore(%arg11 : memref<!tpu.dma_semaphore, #tpu.memory_space<semaphore_mem>>)
    %add3A_18 = arith.constant 32768 : i32
    %add3A_19 = arith.addi %add3A_18, %mul3A_2 : i32
    %dma_start3A_20 = arith.constant 1024 : i32
    %dma_start3A_21 = tpu.memref_slice %arg8[%dma_start3A_20] : memref<3584xi32, #tpu.memory_space<vmem>> -> memref<512xi32, #tpu.memory_space<vmem>>
    %dma_start3A_22 = tpu.memref_slice %arg2[%add3A_19] : memref<81920xi32, #tpu.memory_space<hbm>> -> memref<512xi32, #tpu.memory_space<hbm>>
    %dma_start3A_23 = arith.constant 1024 : i32
    %dma_start3A_24 = tpu.memref_slice %arg8[%dma_start3A_23] : memref<3584xi32, #tpu.memory_space<vmem>> -> memref<512xi32, #tpu.memory_space<vmem>>
    %dma_start3A_25 = tpu.memref_slice %arg2[%add3A_19] : memref<81920xi32, #tpu.memory_space<hbm>> -> memref<512xi32, #tpu.memory_space<hbm>>
    tpu.enqueue_dma source(%dma_start3A_25 : memref<512xi32, #tpu.memory_space<hbm>>) target(%dma_start3A_24 : memref<512xi32, #tpu.memory_space<vmem>>) target_semaphore(%arg11 : memref<!tpu.dma_semaphore, #tpu.memory_space<semaphore_mem>>)
    %add3A_26 = arith.constant 49152 : i32
    %add3A_27 = arith.addi %add3A_26, %mul3A_2 : i32
    %dma_start3A_28 = arith.constant 1536 : i32
    %dma_start3A_29 = tpu.memref_slice %arg8[%dma_start3A_28] : memref<3584xi32, #tpu.memory_space<vmem>> -> memref<512xi32, #tpu.memory_space<vmem>>
    %dma_start3A_30 = tpu.memref_slice %arg2[%add3A_27] : memref<81920xi32, #tpu.memory_space<hbm>> -> memref<512xi32, #tpu.memory_space<hbm>>
    %dma_start3A_31 = arith.constant 1536 : i32
    %dma_start3A_32 = tpu.memref_slice %arg8[%dma_start3A_31] : memref<3584xi32, #tpu.memory_space<vmem>> -> memref<512xi32, #tpu.memory_space<vmem>>
    %dma_start3A_33 = tpu.memref_slice %arg2[%add3A_27] : memref<81920xi32, #tpu.memory_space<hbm>> -> memref<512xi32, #tpu.memory_space<hbm>>
    tpu.enqueue_dma source(%dma_start3A_33 : memref<512xi32, #tpu.memory_space<hbm>>) target(%dma_start3A_32 : memref<512xi32, #tpu.memory_space<vmem>>) target_semaphore(%arg11 : memref<!tpu.dma_semaphore, #tpu.memory_space<semaphore_mem>>)
    %add3A_34 = arith.constant 65536 : i32
    %add3A_35 = arith.addi %add3A_34, %mul3A_2 : i32
    %dma_start3A_36 = arith.constant 2048 : i32
    %dma_start3A_37 = tpu.memref_slice %arg8[%dma_start3A_36] : memref<3584xi32, #tpu.memory_space<vmem>> -> memref<512xi32, #tpu.memory_space<vmem>>
    %dma_start3A_38 = tpu.memref_slice %arg2[%add3A_35] : memref<81920xi32, #tpu.memory_space<hbm>> -> memref<512xi32, #tpu.memory_space<hbm>>
    %dma_start3A_39 = arith.constant 2048 : i32
    %dma_start3A_40 = tpu.memref_slice %arg8[%dma_start3A_39] : memref<3584xi32, #tpu.memory_space<vmem>> -> memref<512xi32, #tpu.memory_space<vmem>>
    %dma_start3A_41 = tpu.memref_slice %arg2[%add3A_35] : memref<81920xi32, #tpu.memory_space<hbm>> -> memref<512xi32, #tpu.memory_space<hbm>>
    tpu.enqueue_dma source(%dma_start3A_41 : memref<512xi32, #tpu.memory_space<hbm>>) target(%dma_start3A_40 : memref<512xi32, #tpu.memory_space<vmem>>) target_semaphore(%arg11 : memref<!tpu.dma_semaphore, #tpu.memory_space<semaphore_mem>>)
    %add3A_42 = arith.constant 0 : i32
    %add3A_43 = arith.addi %add3A_42, %mul3A_2 : i32
    %dma_start3A_44 = arith.constant 2560 : i32
    %dma_start3A_45 = tpu.memref_slice %arg8[%dma_start3A_44] : memref<3584xi32, #tpu.memory_space<vmem>> -> memref<512xi32, #tpu.memory_space<vmem>>
    %dma_start3A_46 = tpu.memref_slice %arg3[%add3A_43] : memref<32768xi32, #tpu.memory_space<hbm>> -> memref<512xi32, #tpu.memory_space<hbm>>
    %dma_start3A_47 = arith.constant 2560 : i32
    %dma_start3A_48 = tpu.memref_slice %arg8[%dma_start3A_47] : memref<3584xi32, #tpu.memory_space<vmem>> -> memref<512xi32, #tpu.memory_space<vmem>>
    %dma_start3A_49 = tpu.memref_slice %arg3[%add3A_43] : memref<32768xi32, #tpu.memory_space<hbm>> -> memref<512xi32, #tpu.memory_space<hbm>>
    tpu.enqueue_dma source(%dma_start3A_49 : memref<512xi32, #tpu.memory_space<hbm>>) target(%dma_start3A_48 : memref<512xi32, #tpu.memory_space<vmem>>) target_semaphore(%arg11 : memref<!tpu.dma_semaphore, #tpu.memory_space<semaphore_mem>>)
    %add3A_50 = arith.constant 16384 : i32
    %add3A_51 = arith.addi %add3A_50, %mul3A_2 : i32
    %dma_start3A_52 = arith.constant 3072 : i32
    %dma_start3A_53 = tpu.memref_slice %arg8[%dma_start3A_52] : memref<3584xi32, #tpu.memory_space<vmem>> -> memref<512xi32, #tpu.memory_space<vmem>>
    %dma_start3A_54 = tpu.memref_slice %arg3[%add3A_51] : memref<32768xi32, #tpu.memory_space<hbm>> -> memref<512xi32, #tpu.memory_space<hbm>>
    %dma_start3A_55 = arith.constant 3072 : i32
    %dma_start3A_56 = tpu.memref_slice %arg8[%dma_start3A_55] : memref<3584xi32, #tpu.memory_space<vmem>> -> memref<512xi32, #tpu.memory_space<vmem>>
    %dma_start3A_57 = tpu.memref_slice %arg3[%add3A_51] : memref<32768xi32, #tpu.memory_space<hbm>> -> memref<512xi32, #tpu.memory_space<hbm>>
    tpu.enqueue_dma source(%dma_start3A_57 : memref<512xi32, #tpu.memory_space<hbm>>) target(%dma_start3A_56 : memref<512xi32, #tpu.memory_space<vmem>>) target_semaphore(%arg11 : memref<!tpu.dma_semaphore, #tpu.memory_space<semaphore_mem>>)
    %add3A_58 = arith.constant 0 : i32
    %add3A_59 = arith.addi %add3A_58, %mul3A_2 : i32
    %dma_wait3A = arith.constant 0 : i32
    %dma_wait3A_60 = tpu.memref_slice %arg8[%dma_wait3A] : memref<3584xi32, #tpu.memory_space<vmem>> -> memref<512xi32, #tpu.memory_space<vmem>>
    %dma_wait3A_61 = tpu.memref_slice %arg2[%add3A_59] : memref<81920xi32, #tpu.memory_space<hbm>> -> memref<512xi32, #tpu.memory_space<hbm>>
    %dma_wait3A_62 = arith.constant 0 : i32
    %dma_wait3A_63 = tpu.memref_slice %arg8[%dma_wait3A_62] : memref<3584xi32, #tpu.memory_space<vmem>> -> memref<512xi32, #tpu.memory_space<vmem>>
    %dma_wait3A_64 = tpu.memref_slice %arg2[%add3A_59] : memref<81920xi32, #tpu.memory_space<hbm>> -> memref<512xi32, #tpu.memory_space<hbm>>
    tpu.wait_dma2 semaphore(%arg11 : memref<!tpu.dma_semaphore, #tpu.memory_space<semaphore_mem>>) src(%dma_wait3A_64 : memref<512xi32, #tpu.memory_space<hbm>>) dst(%dma_wait3A_63 : memref<512xi32, #tpu.memory_space<vmem>>)
    %add3A_65 = arith.constant 16384 : i32
    %add3A_66 = arith.addi %add3A_65, %mul3A_2 : i32
    %dma_wait3A_67 = arith.constant 512 : i32
    %dma_wait3A_68 = tpu.memref_slice %arg8[%dma_wait3A_67] : memref<3584xi32, #tpu.memory_space<vmem>> -> memref<512xi32, #tpu.memory_space<vmem>>
    %dma_wait3A_69 = tpu.memref_slice %arg2[%add3A_66] : memref<81920xi32, #tpu.memory_space<hbm>> -> memref<512xi32, #tpu.memory_space<hbm>>
    %dma_wait3A_70 = arith.constant 512 : i32
    %dma_wait3A_71 = tpu.memref_slice %arg8[%dma_wait3A_70] : memref<3584xi32, #tpu.memory_space<vmem>> -> memref<512xi32, #tpu.memory_space<vmem>>
    %dma_wait3A_72 = tpu.memref_slice %arg2[%add3A_66] : memref<81920xi32, #tpu.memory_space<hbm>> -> memref<512xi32, #tpu.memory_space<hbm>>
    tpu.wait_dma2 semaphore(%arg11 : memref<!tpu.dma_semaphore, #tpu.memory_space<semaphore_mem>>) src(%dma_wait3A_72 : memref<512xi32, #tpu.memory_space<hbm>>) dst(%dma_wait3A_71 : memref<512xi32, #tpu.memory_space<vmem>>)
    %add3A_73 = arith.constant 32768 : i32
    %add3A_74 = arith.addi %add3A_73, %mul3A_2 : i32
    %dma_wait3A_75 = arith.constant 1024 : i32
    %dma_wait3A_76 = tpu.memref_slice %arg8[%dma_wait3A_75] : memref<3584xi32, #tpu.memory_space<vmem>> -> memref<512xi32, #tpu.memory_space<vmem>>
    %dma_wait3A_77 = tpu.memref_slice %arg2[%add3A_74] : memref<81920xi32, #tpu.memory_space<hbm>> -> memref<512xi32, #tpu.memory_space<hbm>>
    %dma_wait3A_78 = arith.constant 1024 : i32
    %dma_wait3A_79 = tpu.memref_slice %arg8[%dma_wait3A_78] : memref<3584xi32, #tpu.memory_space<vmem>> -> memref<512xi32, #tpu.memory_space<vmem>>
    %dma_wait3A_80 = tpu.memref_slice %arg2[%add3A_74] : memref<81920xi32, #tpu.memory_space<hbm>> -> memref<512xi32, #tpu.memory_space<hbm>>
    tpu.wait_dma2 semaphore(%arg11 : memref<!tpu.dma_semaphore, #tpu.memory_space<semaphore_mem>>) src(%dma_wait3A_80 : memref<512xi32, #tpu.memory_space<hbm>>) dst(%dma_wait3A_79 : memref<512xi32, #tpu.memory_space<vmem>>)
    %add3A_81 = arith.constant 49152 : i32
    %add3A_82 = arith.addi %add3A_81, %mul3A_2 : i32
    %dma_wait3A_83 = arith.constant 1536 : i32
    %dma_wait3A_84 = tpu.memref_slice %arg8[%dma_wait3A_83] : memref<3584xi32, #tpu.memory_space<vmem>> -> memref<512xi32, #tpu.memory_space<vmem>>
    %dma_wait3A_85 = tpu.memref_slice %arg2[%add3A_82] : memref<81920xi32, #tpu.memory_space<hbm>> -> memref<512xi32, #tpu.memory_space<hbm>>
    %dma_wait3A_86 = arith.constant 1536 : i32
    %dma_wait3A_87 = tpu.memref_slice %arg8[%dma_wait3A_86] : memref<3584xi32, #tpu.memory_space<vmem>> -> memref<512xi32, #tpu.memory_space<vmem>>
    %dma_wait3A_88 = tpu.memref_slice %arg2[%add3A_82] : memref<81920xi32, #tpu.memory_space<hbm>> -> memref<512xi32, #tpu.memory_space<hbm>>
    tpu.wait_dma2 semaphore(%arg11 : memref<!tpu.dma_semaphore, #tpu.memory_space<semaphore_mem>>) src(%dma_wait3A_88 : memref<512xi32, #tpu.memory_space<hbm>>) dst(%dma_wait3A_87 : memref<512xi32, #tpu.memory_space<vmem>>)
    %add3A_89 = arith.constant 65536 : i32
    %add3A_90 = arith.addi %add3A_89, %mul3A_2 : i32
    %dma_wait3A_91 = arith.constant 2048 : i32
    %dma_wait3A_92 = tpu.memref_slice %arg8[%dma_wait3A_91] : memref<3584xi32, #tpu.memory_space<vmem>> -> memref<512xi32, #tpu.memory_space<vmem>>
    %dma_wait3A_93 = tpu.memref_slice %arg2[%add3A_90] : memref<81920xi32, #tpu.memory_space<hbm>> -> memref<512xi32, #tpu.memory_space<hbm>>
    %dma_wait3A_94 = arith.constant 2048 : i32
    %dma_wait3A_95 = tpu.memref_slice %arg8[%dma_wait3A_94] : memref<3584xi32, #tpu.memory_space<vmem>> -> memref<512xi32, #tpu.memory_space<vmem>>
    %dma_wait3A_96 = tpu.memref_slice %arg2[%add3A_90] : memref<81920xi32, #tpu.memory_space<hbm>> -> memref<512xi32, #tpu.memory_space<hbm>>
    tpu.wait_dma2 semaphore(%arg11 : memref<!tpu.dma_semaphore, #tpu.memory_space<semaphore_mem>>) src(%dma_wait3A_96 : memref<512xi32, #tpu.memory_space<hbm>>) dst(%dma_wait3A_95 : memref<512xi32, #tpu.memory_space<vmem>>)
    %add3A_97 = arith.constant 0 : i32
    %add3A_98 = arith.addi %add3A_97, %mul3A_2 : i32
    %dma_wait3A_99 = arith.constant 2560 : i32
    %dma_wait3A_100 = tpu.memref_slice %arg8[%dma_wait3A_99] : memref<3584xi32, #tpu.memory_space<vmem>> -> memref<512xi32, #tpu.memory_space<vmem>>
    %dma_wait3A_101 = tpu.memref_slice %arg3[%add3A_98] : memref<32768xi32, #tpu.memory_space<hbm>> -> memref<512xi32, #tpu.memory_space<hbm>>
    %dma_wait3A_102 = arith.constant 2560 : i32
    %dma_wait3A_103 = tpu.memref_slice %arg8[%dma_wait3A_102] : memref<3584xi32, #tpu.memory_space<vmem>> -> memref<512xi32, #tpu.memory_space<vmem>>
    %dma_wait3A_104 = tpu.memref_slice %arg3[%add3A_98] : memref<32768xi32, #tpu.memory_space<hbm>> -> memref<512xi32, #tpu.memory_space<hbm>>
    tpu.wait_dma2 semaphore(%arg11 : memref<!tpu.dma_semaphore, #tpu.memory_space<semaphore_mem>>) src(%dma_wait3A_104 : memref<512xi32, #tpu.memory_space<hbm>>) dst(%dma_wait3A_103 : memref<512xi32, #tpu.memory_space<vmem>>)
    %add3A_105 = arith.constant 16384 : i32
    %add3A_106 = arith.addi %add3A_105, %mul3A_2 : i32
    %dma_wait3A_107 = arith.constant 3072 : i32
    %dma_wait3A_108 = tpu.memref_slice %arg8[%dma_wait3A_107] : memref<3584xi32, #tpu.memory_space<vmem>> -> memref<512xi32, #tpu.memory_space<vmem>>
    %dma_wait3A_109 = tpu.memref_slice %arg3[%add3A_106] : memref<32768xi32, #tpu.memory_space<hbm>> -> memref<512xi32, #tpu.memory_space<hbm>>
    %dma_wait3A_110 = arith.constant 3072 : i32
    %dma_wait3A_111 = tpu.memref_slice %arg8[%dma_wait3A_110] : memref<3584xi32, #tpu.memory_space<vmem>> -> memref<512xi32, #tpu.memory_space<vmem>>
    %dma_wait3A_112 = tpu.memref_slice %arg3[%add3A_106] : memref<32768xi32, #tpu.memory_space<hbm>> -> memref<512xi32, #tpu.memory_space<hbm>>
    tpu.wait_dma2 semaphore(%arg11 : memref<!tpu.dma_semaphore, #tpu.memory_space<semaphore_mem>>) src(%dma_wait3A_112 : memref<512xi32, #tpu.memory_space<hbm>>) dst(%dma_wait3A_111 : memref<512xi32, #tpu.memory_space<vmem>>)
    %rem3A = arith.constant 0 : i32
    %rem3A_113 = arith.constant 2 : i32
    %rem3A_114 = arith.remsi %rem3A, %rem3A_113 : i32
    %dma_start3A_115 = arith.constant 0 : i32
    %dma_start3A_116 = arith.constant 0 : i32
    %dma_start3A_117 = tpu.memref_slice %arg9[%rem3A_114, %dma_start3A_115, %dma_start3A_116] : memref<2x128x128xf32, #tpu.memory_space<vmem>> -> memref<1x128x128xf32, #tpu.memory_space<vmem>>
    %dma_start3A_118 = tpu.memref_squeeze %dma_start3A_117 : memref<1x128x128xf32, #tpu.memory_space<vmem>> -> memref<128x128xf32, #tpu.memory_space<vmem>>
    %dma_start3A_119 = arith.constant 0 : i32
    %dma_start3A_120 = tpu.memref_slice %arg8[%dma_start3A_119] : memref<3584xi32, #tpu.memory_space<vmem>> -> memref<128xi32, #tpu.memory_space<vmem>>
    %dma_start3A_121 = arith.constant 0 : i32
    %dma_start3A_122 = arith.constant 0 : i32
    %dma_start3A_123 = tpu.memref_slice %arg4[%dma_start3A_121, %dma_start3A_122] : memref<100000x128xf32, #tpu.memory_space<hbm>> -> memref<100000x128xf32, #tpu.memory_space<hbm>>
    tpu.enqueue_indirect_dma source(%dma_start3A_123 : memref<100000x128xf32, #tpu.memory_space<hbm>>) target(%dma_start3A_118 : memref<128x128xf32, #tpu.memory_space<vmem>>) offsets(%dma_start3A_120 : memref<128xi32, #tpu.memory_space<vmem>>) semaphore(%arg10 : memref<!tpu.dma_semaphore, #tpu.memory_space<semaphore_mem>>)
    %scan3A = arith.constant 0 : i32
    %scan3A_124 = arith.constant 0 : i32
    %scan3A_125 = arith.constant 28 : i32
    %scan3A_126 = arith.addi %scan3A_124, %scan3A_125 : i32
    %scan3A_127 = arith.constant 1 : i32
    scf.for %scan3A_129 = %scan3A_124 to %scan3A_126 step %scan3A_127  : i32 {
      %add3A_130 = arith.constant 1 : i32
      %add3A_131 = arith.addi %scan3A_129, %add3A_130 : i32
      %lt3A = arith.constant 28 : i32
      %lt3A_132 = arith.cmpi slt, %add3A_131, %lt3A : i32
      %convert_element_type3A = arith.extui %lt3A_132 : i1 to i32
      %cond3A = arith.constant 0 : i32
      %cond3A_133 = arith.cmpi ne, %convert_element_type3A, %cond3A : i32
      scf.if %cond3A_133 {
        %add3A_167 = arith.constant 1 : i32
        %add3A_168 = arith.addi %scan3A_129, %add3A_167 : i32
        %rem3A_169 = arith.constant 2 : i32
        %rem3A_170 = arith.remsi %add3A_168, %rem3A_169 : i32
        %mul3A_171 = arith.constant 128 : i32
        %mul3A_172 = arith.muli %add3A_168, %mul3A_171 : i32
        %dma_start3A_173 = arith.constant 0 : i32
        %dma_start3A_174 = arith.constant 0 : i32
        %dma_start3A_175 = tpu.memref_slice %arg9[%rem3A_170, %dma_start3A_173, %dma_start3A_174] : memref<2x128x128xf32, #tpu.memory_space<vmem>> -> memref<1x128x128xf32, #tpu.memory_space<vmem>>
        %dma_start3A_176 = tpu.memref_squeeze %dma_start3A_175 : memref<1x128x128xf32, #tpu.memory_space<vmem>> -> memref<128x128xf32, #tpu.memory_space<vmem>>
        %dma_start3A_177 = tpu.memref_slice %arg8[%mul3A_172] : memref<3584xi32, #tpu.memory_space<vmem>> -> memref<128xi32, #tpu.memory_space<vmem>>
        %dma_start3A_178 = arith.constant 0 : i32
        %dma_start3A_179 = arith.constant 0 : i32
        %dma_start3A_180 = tpu.memref_slice %arg4[%dma_start3A_178, %dma_start3A_179] : memref<100000x128xf32, #tpu.memory_space<hbm>> -> memref<100000x128xf32, #tpu.memory_space<hbm>>
        tpu.enqueue_indirect_dma source(%dma_start3A_180 : memref<100000x128xf32, #tpu.memory_space<hbm>>) target(%dma_start3A_176 : memref<128x128xf32, #tpu.memory_space<vmem>>) offsets(%dma_start3A_177 : memref<128xi32, #tpu.memory_space<vmem>>) semaphore(%arg10 : memref<!tpu.dma_semaphore, #tpu.memory_space<semaphore_mem>>)
      } else {
      }
      %rem3A_134 = arith.constant 2 : i32
      %rem3A_135 = arith.remsi %scan3A_129, %rem3A_134 : i32
      %mul3A_136 = arith.constant 128 : i32
      %mul3A_137 = arith.muli %scan3A_129, %mul3A_136 : i32
      %dma_wait3A_138 = arith.constant 0 : i32
      %dma_wait3A_139 = arith.constant 0 : i32
      %dma_wait3A_140 = tpu.memref_slice %arg9[%rem3A_135, %dma_wait3A_138, %dma_wait3A_139] : memref<2x128x128xf32, #tpu.memory_space<vmem>> -> memref<1x128x128xf32, #tpu.memory_space<vmem>>
      %dma_wait3A_141 = tpu.memref_squeeze %dma_wait3A_140 : memref<1x128x128xf32, #tpu.memory_space<vmem>> -> memref<128x128xf32, #tpu.memory_space<vmem>>
      %dma_wait3A_142 = tpu.memref_slice %arg8[%mul3A_137] : memref<3584xi32, #tpu.memory_space<vmem>> -> memref<128xi32, #tpu.memory_space<vmem>>
      %dma_wait3A_143 = arith.constant 0 : i32
      %dma_wait3A_144 = arith.constant 0 : i32
      %dma_wait3A_145 = tpu.memref_slice %arg4[%dma_wait3A_143, %dma_wait3A_144] : memref<100000x128xf32, #tpu.memory_space<hbm>> -> memref<100000x128xf32, #tpu.memory_space<hbm>>
      tpu.wait_indirect_dma semaphore(%arg10 : memref<!tpu.dma_semaphore, #tpu.memory_space<semaphore_mem>>) src(%dma_wait3A_145 : memref<100000x128xf32, #tpu.memory_space<hbm>>) dst(%dma_wait3A_141 : memref<128x128xf32, #tpu.memory_space<vmem>>)
      %rem3A_146 = arith.constant 4 : i32
      %rem3A_147 = arith.remsi %scan3A_129, %rem3A_146 : i32
      %mul3A_148 = arith.constant 128 : i32
      %mul3A_149 = arith.muli %rem3A_147, %mul3A_148 : i32
      %add3A_150 = arith.addi %mul3A_2, %mul3A_149 : i32
      %lt3A_151 = arith.constant 20 : i32
      %lt3A_152 = arith.cmpi slt, %scan3A_129, %lt3A_151 : i32
      %convert_element_type3A_153 = arith.extui %lt3A_152 : i1 to i32
      %cond3A_154 = arith.constant 0 : i32
      %cond3A_155 = arith.cmpi ne, %convert_element_type3A_153, %cond3A_154 : i32
      scf.if %cond3A_155 {
        %jit3A = arith.constant 4 : i32
        %div3A = arith.divsi %scan3A_129, %jit3A : i32
        %sign3A = arith.constant 0 : i32
        %sign3A_167 = arith.cmpi sgt, %scan3A_129, %sign3A : i32
        %sign3A_168 = arith.extui %sign3A_167 : i1 to i32
        %sign3A_169 = arith.constant 0 : i32
        %sign3A_170 = arith.cmpi slt, %scan3A_129, %sign3A_169 : i32
        %sign3A_171 = arith.extui %sign3A_170 : i1 to i32
        %sign3A_172 = arith.subi %sign3A_168, %sign3A_171 : i32
        %sign3A_173 = arith.constant 0 : i32
        %sign3A_174 = arith.cmpi sgt, %jit3A, %sign3A_173 : i32
        %sign3A_175 = arith.extui %sign3A_174 : i1 to i32
        %sign3A_176 = arith.constant 0 : i32
        %sign3A_177 = arith.cmpi slt, %jit3A, %sign3A_176 : i32
        %sign3A_178 = arith.extui %sign3A_177 : i1 to i32
        %sign3A_179 = arith.subi %sign3A_175, %sign3A_178 : i32
        %ne3A = arith.cmpi ne, %sign3A_172, %sign3A_179 : i32
        %rem3A_180 = arith.remsi %scan3A_129, %jit3A : i32
        %ne3A_181 = arith.constant 0 : i32
        %ne3A_182 = arith.cmpi ne, %rem3A_180, %ne3A_181 : i32
        %and3A_183 = arith.andi %ne3A, %ne3A_182 : i1
        %sub3A = arith.constant 1 : i32
        %sub3A_184 = arith.subi %div3A, %sub3A : i32
        %select_n3A = arith.select %and3A_183, %sub3A_184, %div3A : i32
        "tpu.region"() ({
          %run_scoped3A = tpu.sem_alloc : memref<!tpu.dma_semaphore, #tpu.memory_space<semaphore_mem>>
          %dma_start3A_185 = arith.constant 0 : i32
          %dma_start3A_186 = arith.constant 0 : i32
          %dma_start3A_187 = tpu.memref_slice %arg9[%rem3A_135, %dma_start3A_185, %dma_start3A_186] : memref<2x128x128xf32, #tpu.memory_space<vmem>> -> memref<1x128x128xf32, #tpu.memory_space<vmem>>
          %dma_start3A_188 = tpu.memref_squeeze %dma_start3A_187 : memref<1x128x128xf32, #tpu.memory_space<vmem>> -> memref<128x128xf32, #tpu.memory_space<vmem>>
          %dma_start3A_189 = arith.constant 0 : i32
          %dma_start3A_190 = tpu.memref_slice %arg5[%select_n3A, %add3A_150, %dma_start3A_189] : memref<5x16384x128xf32, #tpu.memory_space<hbm>> -> memref<1x128x128xf32, #tpu.memory_space<hbm>>
          %dma_start3A_191 = tpu.memref_squeeze %dma_start3A_190 : memref<1x128x128xf32, #tpu.memory_space<hbm>> -> memref<128x128xf32, #tpu.memory_space<hbm>>
          %dma_start3A_192 = arith.constant 0 : i32
          %dma_start3A_193 = tpu.memref_slice %arg5[%select_n3A, %add3A_150, %dma_start3A_192] : memref<5x16384x128xf32, #tpu.memory_space<hbm>> -> memref<1x128x128xf32, #tpu.memory_space<hbm>>
          %dma_start3A_194 = tpu.memref_squeeze %dma_start3A_193 : memref<1x128x128xf32, #tpu.memory_space<hbm>> -> memref<128x128xf32, #tpu.memory_space<hbm>>
          %dma_start3A_195 = arith.constant 0 : i32
          %dma_start3A_196 = arith.constant 0 : i32
          %dma_start3A_197 = tpu.memref_slice %arg9[%rem3A_135, %dma_start3A_195, %dma_start3A_196] : memref<2x128x128xf32, #tpu.memory_space<vmem>> -> memref<1x128x128xf32, #tpu.memory_space<vmem>>
          %dma_start3A_198 = tpu.memref_squeeze %dma_start3A_197 : memref<1x128x128xf32, #tpu.memory_space<vmem>> -> memref<128x128xf32, #tpu.memory_space<vmem>>
          tpu.enqueue_dma source(%dma_start3A_198 : memref<128x128xf32, #tpu.memory_space<vmem>>) target(%dma_start3A_194 : memref<128x128xf32, #tpu.memory_space<hbm>>) target_semaphore(%run_scoped3A : memref<!tpu.dma_semaphore, #tpu.memory_space<semaphore_mem>>)
          %dma_wait3A_199 = arith.constant 0 : i32
          %dma_wait3A_200 = arith.constant 0 : i32
          %dma_wait3A_201 = tpu.memref_slice %arg9[%rem3A_135, %dma_wait3A_199, %dma_wait3A_200] : memref<2x128x128xf32, #tpu.memory_space<vmem>> -> memref<1x128x128xf32, #tpu.memory_space<vmem>>
          %dma_wait3A_202 = tpu.memref_squeeze %dma_wait3A_201 : memref<1x128x128xf32, #tpu.memory_space<vmem>> -> memref<128x128xf32, #tpu.memory_space<vmem>>
          %dma_wait3A_203 = arith.constant 0 : i32
          %dma_wait3A_204 = tpu.memref_slice %arg5[%select_n3A, %add3A_150, %dma_wait3A_203] : memref<5x16384x128xf32, #tpu.memory_space<hbm>> -> memref<1x128x128xf32, #tpu.memory_space<hbm>>
          %dma_wait3A_205 = tpu.memref_squeeze %dma_wait3A_204 : memref<1x128x128xf32, #tpu.memory_space<hbm>> -> memref<128x128xf32, #tpu.memory_space<hbm>>
          %dma_wait3A_206 = arith.constant 0 : i32
          %dma_wait3A_207 = tpu.memref_slice %arg5[%select_n3A, %add3A_150, %dma_wait3A_206] : memref<5x16384x128xf32, #tpu.memory_space<hbm>> -> memref<1x128x128xf32, #tpu.memory_space<hbm>>
          %dma_wait3A_208 = tpu.memref_squeeze %dma_wait3A_207 : memref<1x128x128xf32, #tpu.memory_space<hbm>> -> memref<128x128xf32, #tpu.memory_space<hbm>>
          %dma_wait3A_209 = arith.constant 0 : i32
          %dma_wait3A_210 = arith.constant 0 : i32
          %dma_wait3A_211 = tpu.memref_slice %arg9[%rem3A_135, %dma_wait3A_209, %dma_wait3A_210] : memref<2x128x128xf32, #tpu.memory_space<vmem>> -> memref<1x128x128xf32, #tpu.memory_space<vmem>>
          %dma_wait3A_212 = tpu.memref_squeeze %dma_wait3A_211 : memref<1x128x128xf32, #tpu.memory_space<vmem>> -> memref<128x128xf32, #tpu.memory_space<vmem>>
          tpu.wait_dma2 semaphore(%run_scoped3A : memref<!tpu.dma_semaphore, #tpu.memory_space<semaphore_mem>>) src(%dma_wait3A_212 : memref<128x128xf32, #tpu.memory_space<vmem>>) dst(%dma_wait3A_208 : memref<128x128xf32, #tpu.memory_space<hbm>>)
          tpu.yield
        }) : () -> ()
      } else {
      }
      %ge3A = arith.constant 20 : i32
      %ge3A_156 = arith.cmpi sge, %scan3A_129, %ge3A : i32
      %lt3A_157 = arith.constant 24 : i32
      %lt3A_158 = arith.cmpi slt, %scan3A_129, %lt3A_157 : i32
      %and3A = arith.andi %ge3A_156, %lt3A_158 : i1
      %convert_element_type3A_159 = arith.extui %and3A : i1 to i32
      %cond3A_160 = arith.constant 0 : i32
      %cond3A_161 = arith.cmpi ne, %convert_element_type3A_159, %cond3A_160 : i32
      scf.if %cond3A_161 {
        "tpu.region"() ({
          %run_scoped3A = tpu.sem_alloc : memref<!tpu.dma_semaphore, #tpu.memory_space<semaphore_mem>>
          %dma_start3A_167 = arith.constant 0 : i32
          %dma_start3A_168 = arith.constant 0 : i32
          %dma_start3A_169 = tpu.memref_slice %arg9[%rem3A_135, %dma_start3A_167, %dma_start3A_168] : memref<2x128x128xf32, #tpu.memory_space<vmem>> -> memref<1x128x128xf32, #tpu.memory_space<vmem>>
          %dma_start3A_170 = tpu.memref_squeeze %dma_start3A_169 : memref<1x128x128xf32, #tpu.memory_space<vmem>> -> memref<128x128xf32, #tpu.memory_space<vmem>>
          %dma_start3A_171 = arith.constant 0 : i32
          %dma_start3A_172 = tpu.memref_slice %arg6[%add3A_150, %dma_start3A_171] : memref<16384x128xf32, #tpu.memory_space<hbm>> -> memref<128x128xf32, #tpu.memory_space<hbm>>
          %dma_start3A_173 = arith.constant 0 : i32
          %dma_start3A_174 = tpu.memref_slice %arg6[%add3A_150, %dma_start3A_173] : memref<16384x128xf32, #tpu.memory_space<hbm>> -> memref<128x128xf32, #tpu.memory_space<hbm>>
          %dma_start3A_175 = arith.constant 0 : i32
          %dma_start3A_176 = arith.constant 0 : i32
          %dma_start3A_177 = tpu.memref_slice %arg9[%rem3A_135, %dma_start3A_175, %dma_start3A_176] : memref<2x128x128xf32, #tpu.memory_space<vmem>> -> memref<1x128x128xf32, #tpu.memory_space<vmem>>
          %dma_start3A_178 = tpu.memref_squeeze %dma_start3A_177 : memref<1x128x128xf32, #tpu.memory_space<vmem>> -> memref<128x128xf32, #tpu.memory_space<vmem>>
          tpu.enqueue_dma source(%dma_start3A_178 : memref<128x128xf32, #tpu.memory_space<vmem>>) target(%dma_start3A_174 : memref<128x128xf32, #tpu.memory_space<hbm>>) target_semaphore(%run_scoped3A : memref<!tpu.dma_semaphore, #tpu.memory_space<semaphore_mem>>)
          %dma_wait3A_179 = arith.constant 0 : i32
          %dma_wait3A_180 = arith.constant 0 : i32
          %dma_wait3A_181 = tpu.memref_slice %arg9[%rem3A_135, %dma_wait3A_179, %dma_wait3A_180] : memref<2x128x128xf32, #tpu.memory_space<vmem>> -> memref<1x128x128xf32, #tpu.memory_space<vmem>>
          %dma_wait3A_182 = tpu.memref_squeeze %dma_wait3A_181 : memref<1x128x128xf32, #tpu.memory_space<vmem>> -> memref<128x128xf32, #tpu.memory_space<vmem>>
          %dma_wait3A_183 = arith.constant 0 : i32
          %dma_wait3A_184 = tpu.memref_slice %arg6[%add3A_150, %dma_wait3A_183] : memref<16384x128xf32, #tpu.memory_space<hbm>> -> memref<128x128xf32, #tpu.memory_space<hbm>>
          %dma_wait3A_185 = arith.constant 0 : i32
          %dma_wait3A_186 = tpu.memref_slice %arg6[%add3A_150, %dma_wait3A_185] : memref<16384x128xf32, #tpu.memory_space<hbm>> -> memref<128x128xf32, #tpu.memory_space<hbm>>
          %dma_wait3A_187 = arith.constant 0 : i32
          %dma_wait3A_188 = arith.constant 0 : i32
          %dma_wait3A_189 = tpu.memref_slice %arg9[%rem3A_135, %dma_wait3A_187, %dma_wait3A_188] : memref<2x128x128xf32, #tpu.memory_space<vmem>> -> memref<1x128x128xf32, #tpu.memory_space<vmem>>
          %dma_wait3A_190 = tpu.memref_squeeze %dma_wait3A_189 : memref<1x128x128xf32, #tpu.memory_space<vmem>> -> memref<128x128xf32, #tpu.memory_space<vmem>>
          tpu.wait_dma2 semaphore(%run_scoped3A : memref<!tpu.dma_semaphore, #tpu.memory_space<semaphore_mem>>) src(%dma_wait3A_190 : memref<128x128xf32, #tpu.memory_space<vmem>>) dst(%dma_wait3A_186 : memref<128x128xf32, #tpu.memory_space<hbm>>)
          tpu.yield
        }) : () -> ()
      } else {
      }
      %ge3A_162 = arith.constant 24 : i32
      %ge3A_163 = arith.cmpi sge, %scan3A_129, %ge3A_162 : i32
      %convert_element_type3A_164 = arith.extui %ge3A_163 : i1 to i32
      %cond3A_165 = arith.constant 0 : i32
      %cond3A_166 = arith.cmpi ne, %convert_element_type3A_164, %cond3A_165 : i32
      scf.if %cond3A_166 {
        "tpu.region"() ({
          %run_scoped3A = tpu.sem_alloc : memref<!tpu.dma_semaphore, #tpu.memory_space<semaphore_mem>>
          %dma_start3A_167 = arith.constant 0 : i32
          %dma_start3A_168 = arith.constant 0 : i32
          %dma_start3A_169 = tpu.memref_slice %arg9[%rem3A_135, %dma_start3A_167, %dma_start3A_168] : memref<2x128x128xf32, #tpu.memory_space<vmem>> -> memref<1x128x128xf32, #tpu.memory_space<vmem>>
          %dma_start3A_170 = tpu.memref_squeeze %dma_start3A_169 : memref<1x128x128xf32, #tpu.memory_space<vmem>> -> memref<128x128xf32, #tpu.memory_space<vmem>>
          %dma_start3A_171 = arith.constant 0 : i32
          %dma_start3A_172 = tpu.memref_slice %arg7[%add3A_150, %dma_start3A_171] : memref<16384x128xf32, #tpu.memory_space<hbm>> -> memref<128x128xf32, #tpu.memory_space<hbm>>
          %dma_start3A_173 = arith.constant 0 : i32
          %dma_start3A_174 = tpu.memref_slice %arg7[%add3A_150, %dma_start3A_173] : memref<16384x128xf32, #tpu.memory_space<hbm>> -> memref<128x128xf32, #tpu.memory_space<hbm>>
          %dma_start3A_175 = arith.constant 0 : i32
          %dma_start3A_176 = arith.constant 0 : i32
          %dma_start3A_177 = tpu.memref_slice %arg9[%rem3A_135, %dma_start3A_175, %dma_start3A_176] : memref<2x128x128xf32, #tpu.memory_space<vmem>> -> memref<1x128x128xf32, #tpu.memory_space<vmem>>
          %dma_start3A_178 = tpu.memref_squeeze %dma_start3A_177 : memref<1x128x128xf32, #tpu.memory_space<vmem>> -> memref<128x128xf32, #tpu.memory_space<vmem>>
          tpu.enqueue_dma source(%dma_start3A_178 : memref<128x128xf32, #tpu.memory_space<vmem>>) target(%dma_start3A_174 : memref<128x128xf32, #tpu.memory_space<hbm>>) target_semaphore(%run_scoped3A : memref<!tpu.dma_semaphore, #tpu.memory_space<semaphore_mem>>)
          %dma_wait3A_179 = arith.constant 0 : i32
          %dma_wait3A_180 = arith.constant 0 : i32
          %dma_wait3A_181 = tpu.memref_slice %arg9[%rem3A_135, %dma_wait3A_179, %dma_wait3A_180] : memref<2x128x128xf32, #tpu.memory_space<vmem>> -> memref<1x128x128xf32, #tpu.memory_space<vmem>>
          %dma_wait3A_182 = tpu.memref_squeeze %dma_wait3A_181 : memref<1x128x128xf32, #tpu.memory_space<vmem>> -> memref<128x128xf32, #tpu.memory_space<vmem>>
          %dma_wait3A_183 = arith.constant 0 : i32
          %dma_wait3A_184 = tpu.memref_slice %arg7[%add3A_150, %dma_wait3A_183] : memref<16384x128xf32, #tpu.memory_space<hbm>> -> memref<128x128xf32, #tpu.memory_space<hbm>>
          %dma_wait3A_185 = arith.constant 0 : i32
          %dma_wait3A_186 = tpu.memref_slice %arg7[%add3A_150, %dma_wait3A_185] : memref<16384x128xf32, #tpu.memory_space<hbm>> -> memref<128x128xf32, #tpu.memory_space<hbm>>
          %dma_wait3A_187 = arith.constant 0 : i32
          %dma_wait3A_188 = arith.constant 0 : i32
          %dma_wait3A_189 = tpu.memref_slice %arg9[%rem3A_135, %dma_wait3A_187, %dma_wait3A_188] : memref<2x128x128xf32, #tpu.memory_space<vmem>> -> memref<1x128x128xf32, #tpu.memory_space<vmem>>
          %dma_wait3A_190 = tpu.memref_squeeze %dma_wait3A_189 : memref<1x128x128xf32, #tpu.memory_space<vmem>> -> memref<128x128xf32, #tpu.memory_space<vmem>>
          tpu.wait_dma2 semaphore(%run_scoped3A : memref<!tpu.dma_semaphore, #tpu.memory_space<semaphore_mem>>) src(%dma_wait3A_190 : memref<128x128xf32, #tpu.memory_space<vmem>>) dst(%dma_wait3A_186 : memref<128x128xf32, #tpu.memory_space<hbm>>)
          tpu.yield
        }) : () -> ()
      } else {
      }
    }
    %scan3A_128 = arith.constant 28 : i32
    return
  }
}

#map = affine_map<(d0, d1) -> (0)>
#map1 = affine_map<(d0, d1) -> (0, 0)>
#map2 = affine_map<(d0, d1) -> (0, 0, 0)>
module attributes {stable_mosaic.version = 14 : i64} {
  func.func @_sc_gather_body(%arg0: i32, %arg1: i32, %arg2: memref<81920xi32, #tpu.memory_space<hbm>>, %arg3: memref<32768xi32, #tpu.memory_space<hbm>>, %arg4: memref<100000x128xf32, #tpu.memory_space<hbm>>, %arg5: memref<5x16384x128xf32, #tpu.memory_space<hbm>>, %arg6: memref<16384x128xf32, #tpu.memory_space<hbm>>, %arg7: memref<16384x128xf32, #tpu.memory_space<hbm>>, %arg8: memref<3584xi32, #tpu.memory_space<vmem>>, %arg9: memref<2x128x128xf32, #tpu.memory_space<vmem>>, %arg10: memref<!tpu.dma_semaphore, #tpu.memory_space<semaphore_mem>>, %arg11: memref<!tpu.dma_semaphore, #tpu.memory_space<semaphore_mem>>) attributes {dimension_semantics = [#tpu.dimension_semantics<core_parallel>, #tpu.dimension_semantics<subcore_parallel>], iteration_bounds = array<i64: 2, 16>, scalar_prefetch = 0 : i64, scratch_operands = 4 : i64, tpu.core_type = #tpu.core_type<sc_vector_subcore>, window_params = [{transform_indices = #map}, {transform_indices = #map}, {transform_indices = #map1}, {transform_indices = #map2}, {transform_indices = #map1}, {transform_indices = #map1}]} {
    %mul3A = arith.constant 2 : i32
    %mul3A_0 = arith.muli %arg1, %mul3A : i32
    %add3A = arith.addi %mul3A_0, %arg0 : i32
    %mul3A_1 = arith.constant 512 : i32
    %mul3A_2 = arith.muli %add3A, %mul3A_1 : i32
    %add3A_3 = arith.constant 0 : i32
    %add3A_4 = arith.addi %add3A_3, %mul3A_2 : i32
    %dma_start3A = arith.constant 0 : i32
    %dma_start3A_5 = tpu.memref_slice %arg8[%dma_start3A] : memref<3584xi32, #tpu.memory_space<vmem>> -> memref<512xi32, #tpu.memory_space<vmem>>
    %dma_start3A_6 = tpu.memref_slice %arg2[%add3A_4] : memref<81920xi32, #tpu.memory_space<hbm>> -> memref<512xi32, #tpu.memory_space<hbm>>
    %dma_start3A_7 = arith.constant 0 : i32
    %dma_start3A_8 = tpu.memref_slice %arg8[%dma_start3A_7] : memref<3584xi32, #tpu.memory_space<vmem>> -> memref<512xi32, #tpu.memory_space<vmem>>
    %dma_start3A_9 = tpu.memref_slice %arg2[%add3A_4] : memref<81920xi32, #tpu.memory_space<hbm>> -> memref<512xi32, #tpu.memory_space<hbm>>
    tpu.enqueue_dma source(%dma_start3A_9 : memref<512xi32, #tpu.memory_space<hbm>>) target(%dma_start3A_8 : memref<512xi32, #tpu.memory_space<vmem>>) target_semaphore(%arg11 : memref<!tpu.dma_semaphore, #tpu.memory_space<semaphore_mem>>)
    %add3A_10 = arith.constant 16384 : i32
    %add3A_11 = arith.addi %add3A_10, %mul3A_2 : i32
    %dma_start3A_12 = arith.constant 512 : i32
    %dma_start3A_13 = tpu.memref_slice %arg8[%dma_start3A_12] : memref<3584xi32, #tpu.memory_space<vmem>> -> memref<512xi32, #tpu.memory_space<vmem>>
    %dma_start3A_14 = tpu.memref_slice %arg2[%add3A_11] : memref<81920xi32, #tpu.memory_space<hbm>> -> memref<512xi32, #tpu.memory_space<hbm>>
    %dma_start3A_15 = arith.constant 512 : i32
    %dma_start3A_16 = tpu.memref_slice %arg8[%dma_start3A_15] : memref<3584xi32, #tpu.memory_space<vmem>> -> memref<512xi32, #tpu.memory_space<vmem>>
    %dma_start3A_17 = tpu.memref_slice %arg2[%add3A_11] : memref<81920xi32, #tpu.memory_space<hbm>> -> memref<512xi32, #tpu.memory_space<hbm>>
    tpu.enqueue_dma source(%dma_start3A_17 : memref<512xi32, #tpu.memory_space<hbm>>) target(%dma_start3A_16 : memref<512xi32, #tpu.memory_space<vmem>>) target_semaphore(%arg11 : memref<!tpu.dma_semaphore, #tpu.memory_space<semaphore_mem>>)
    %add3A_18 = arith.constant 32768 : i32
    %add3A_19 = arith.addi %add3A_18, %mul3A_2 : i32
    %dma_start3A_20 = arith.constant 1024 : i32
    %dma_start3A_21 = tpu.memref_slice %arg8[%dma_start3A_20] : memref<3584xi32, #tpu.memory_space<vmem>> -> memref<512xi32, #tpu.memory_space<vmem>>
    %dma_start3A_22 = tpu.memref_slice %arg2[%add3A_19] : memref<81920xi32, #tpu.memory_space<hbm>> -> memref<512xi32, #tpu.memory_space<hbm>>
    %dma_start3A_23 = arith.constant 1024 : i32
    %dma_start3A_24 = tpu.memref_slice %arg8[%dma_start3A_23] : memref<3584xi32, #tpu.memory_space<vmem>> -> memref<512xi32, #tpu.memory_space<vmem>>
    %dma_start3A_25 = tpu.memref_slice %arg2[%add3A_19] : memref<81920xi32, #tpu.memory_space<hbm>> -> memref<512xi32, #tpu.memory_space<hbm>>
    tpu.enqueue_dma source(%dma_start3A_25 : memref<512xi32, #tpu.memory_space<hbm>>) target(%dma_start3A_24 : memref<512xi32, #tpu.memory_space<vmem>>) target_semaphore(%arg11 : memref<!tpu.dma_semaphore, #tpu.memory_space<semaphore_mem>>)
    %add3A_26 = arith.constant 49152 : i32
    %add3A_27 = arith.addi %add3A_26, %mul3A_2 : i32
    %dma_start3A_28 = arith.constant 1536 : i32
    %dma_start3A_29 = tpu.memref_slice %arg8[%dma_start3A_28] : memref<3584xi32, #tpu.memory_space<vmem>> -> memref<512xi32, #tpu.memory_space<vmem>>
    %dma_start3A_30 = tpu.memref_slice %arg2[%add3A_27] : memref<81920xi32, #tpu.memory_space<hbm>> -> memref<512xi32, #tpu.memory_space<hbm>>
    %dma_start3A_31 = arith.constant 1536 : i32
    %dma_start3A_32 = tpu.memref_slice %arg8[%dma_start3A_31] : memref<3584xi32, #tpu.memory_space<vmem>> -> memref<512xi32, #tpu.memory_space<vmem>>
    %dma_start3A_33 = tpu.memref_slice %arg2[%add3A_27] : memref<81920xi32, #tpu.memory_space<hbm>> -> memref<512xi32, #tpu.memory_space<hbm>>
    tpu.enqueue_dma source(%dma_start3A_33 : memref<512xi32, #tpu.memory_space<hbm>>) target(%dma_start3A_32 : memref<512xi32, #tpu.memory_space<vmem>>) target_semaphore(%arg11 : memref<!tpu.dma_semaphore, #tpu.memory_space<semaphore_mem>>)
    %add3A_34 = arith.constant 65536 : i32
    %add3A_35 = arith.addi %add3A_34, %mul3A_2 : i32
    %dma_start3A_36 = arith.constant 2048 : i32
    %dma_start3A_37 = tpu.memref_slice %arg8[%dma_start3A_36] : memref<3584xi32, #tpu.memory_space<vmem>> -> memref<512xi32, #tpu.memory_space<vmem>>
    %dma_start3A_38 = tpu.memref_slice %arg2[%add3A_35] : memref<81920xi32, #tpu.memory_space<hbm>> -> memref<512xi32, #tpu.memory_space<hbm>>
    %dma_start3A_39 = arith.constant 2048 : i32
    %dma_start3A_40 = tpu.memref_slice %arg8[%dma_start3A_39] : memref<3584xi32, #tpu.memory_space<vmem>> -> memref<512xi32, #tpu.memory_space<vmem>>
    %dma_start3A_41 = tpu.memref_slice %arg2[%add3A_35] : memref<81920xi32, #tpu.memory_space<hbm>> -> memref<512xi32, #tpu.memory_space<hbm>>
    tpu.enqueue_dma source(%dma_start3A_41 : memref<512xi32, #tpu.memory_space<hbm>>) target(%dma_start3A_40 : memref<512xi32, #tpu.memory_space<vmem>>) target_semaphore(%arg11 : memref<!tpu.dma_semaphore, #tpu.memory_space<semaphore_mem>>)
    %add3A_42 = arith.constant 0 : i32
    %add3A_43 = arith.addi %add3A_42, %mul3A_2 : i32
    %dma_start3A_44 = arith.constant 2560 : i32
    %dma_start3A_45 = tpu.memref_slice %arg8[%dma_start3A_44] : memref<3584xi32, #tpu.memory_space<vmem>> -> memref<512xi32, #tpu.memory_space<vmem>>
    %dma_start3A_46 = tpu.memref_slice %arg3[%add3A_43] : memref<32768xi32, #tpu.memory_space<hbm>> -> memref<512xi32, #tpu.memory_space<hbm>>
    %dma_start3A_47 = arith.constant 2560 : i32
    %dma_start3A_48 = tpu.memref_slice %arg8[%dma_start3A_47] : memref<3584xi32, #tpu.memory_space<vmem>> -> memref<512xi32, #tpu.memory_space<vmem>>
    %dma_start3A_49 = tpu.memref_slice %arg3[%add3A_43] : memref<32768xi32, #tpu.memory_space<hbm>> -> memref<512xi32, #tpu.memory_space<hbm>>
    tpu.enqueue_dma source(%dma_start3A_49 : memref<512xi32, #tpu.memory_space<hbm>>) target(%dma_start3A_48 : memref<512xi32, #tpu.memory_space<vmem>>) target_semaphore(%arg11 : memref<!tpu.dma_semaphore, #tpu.memory_space<semaphore_mem>>)
    %add3A_50 = arith.constant 16384 : i32
    %add3A_51 = arith.addi %add3A_50, %mul3A_2 : i32
    %dma_start3A_52 = arith.constant 3072 : i32
    %dma_start3A_53 = tpu.memref_slice %arg8[%dma_start3A_52] : memref<3584xi32, #tpu.memory_space<vmem>> -> memref<512xi32, #tpu.memory_space<vmem>>
    %dma_start3A_54 = tpu.memref_slice %arg3[%add3A_51] : memref<32768xi32, #tpu.memory_space<hbm>> -> memref<512xi32, #tpu.memory_space<hbm>>
    %dma_start3A_55 = arith.constant 3072 : i32
    %dma_start3A_56 = tpu.memref_slice %arg8[%dma_start3A_55] : memref<3584xi32, #tpu.memory_space<vmem>> -> memref<512xi32, #tpu.memory_space<vmem>>
    %dma_start3A_57 = tpu.memref_slice %arg3[%add3A_51] : memref<32768xi32, #tpu.memory_space<hbm>> -> memref<512xi32, #tpu.memory_space<hbm>>
    tpu.enqueue_dma source(%dma_start3A_57 : memref<512xi32, #tpu.memory_space<hbm>>) target(%dma_start3A_56 : memref<512xi32, #tpu.memory_space<vmem>>) target_semaphore(%arg11 : memref<!tpu.dma_semaphore, #tpu.memory_space<semaphore_mem>>)
    %add3A_58 = arith.constant 0 : i32
    %add3A_59 = arith.addi %add3A_58, %mul3A_2 : i32
    %dma_wait3A = arith.constant 0 : i32
    %dma_wait3A_60 = tpu.memref_slice %arg8[%dma_wait3A] : memref<3584xi32, #tpu.memory_space<vmem>> -> memref<512xi32, #tpu.memory_space<vmem>>
    %dma_wait3A_61 = tpu.memref_slice %arg2[%add3A_59] : memref<81920xi32, #tpu.memory_space<hbm>> -> memref<512xi32, #tpu.memory_space<hbm>>
    %dma_wait3A_62 = arith.constant 0 : i32
    %dma_wait3A_63 = tpu.memref_slice %arg8[%dma_wait3A_62] : memref<3584xi32, #tpu.memory_space<vmem>> -> memref<512xi32, #tpu.memory_space<vmem>>
    %dma_wait3A_64 = tpu.memref_slice %arg2[%add3A_59] : memref<81920xi32, #tpu.memory_space<hbm>> -> memref<512xi32, #tpu.memory_space<hbm>>
    tpu.wait_dma2 semaphore(%arg11 : memref<!tpu.dma_semaphore, #tpu.memory_space<semaphore_mem>>) src(%dma_wait3A_64 : memref<512xi32, #tpu.memory_space<hbm>>) dst(%dma_wait3A_63 : memref<512xi32, #tpu.memory_space<vmem>>)
    %add3A_65 = arith.constant 16384 : i32
    %add3A_66 = arith.addi %add3A_65, %mul3A_2 : i32
    %dma_wait3A_67 = arith.constant 512 : i32
    %dma_wait3A_68 = tpu.memref_slice %arg8[%dma_wait3A_67] : memref<3584xi32, #tpu.memory_space<vmem>> -> memref<512xi32, #tpu.memory_space<vmem>>
    %dma_wait3A_69 = tpu.memref_slice %arg2[%add3A_66] : memref<81920xi32, #tpu.memory_space<hbm>> -> memref<512xi32, #tpu.memory_space<hbm>>
    %dma_wait3A_70 = arith.constant 512 : i32
    %dma_wait3A_71 = tpu.memref_slice %arg8[%dma_wait3A_70] : memref<3584xi32, #tpu.memory_space<vmem>> -> memref<512xi32, #tpu.memory_space<vmem>>
    %dma_wait3A_72 = tpu.memref_slice %arg2[%add3A_66] : memref<81920xi32, #tpu.memory_space<hbm>> -> memref<512xi32, #tpu.memory_space<hbm>>
    tpu.wait_dma2 semaphore(%arg11 : memref<!tpu.dma_semaphore, #tpu.memory_space<semaphore_mem>>) src(%dma_wait3A_72 : memref<512xi32, #tpu.memory_space<hbm>>) dst(%dma_wait3A_71 : memref<512xi32, #tpu.memory_space<vmem>>)
    %add3A_73 = arith.constant 32768 : i32
    %add3A_74 = arith.addi %add3A_73, %mul3A_2 : i32
    %dma_wait3A_75 = arith.constant 1024 : i32
    %dma_wait3A_76 = tpu.memref_slice %arg8[%dma_wait3A_75] : memref<3584xi32, #tpu.memory_space<vmem>> -> memref<512xi32, #tpu.memory_space<vmem>>
    %dma_wait3A_77 = tpu.memref_slice %arg2[%add3A_74] : memref<81920xi32, #tpu.memory_space<hbm>> -> memref<512xi32, #tpu.memory_space<hbm>>
    %dma_wait3A_78 = arith.constant 1024 : i32
    %dma_wait3A_79 = tpu.memref_slice %arg8[%dma_wait3A_78] : memref<3584xi32, #tpu.memory_space<vmem>> -> memref<512xi32, #tpu.memory_space<vmem>>
    %dma_wait3A_80 = tpu.memref_slice %arg2[%add3A_74] : memref<81920xi32, #tpu.memory_space<hbm>> -> memref<512xi32, #tpu.memory_space<hbm>>
    tpu.wait_dma2 semaphore(%arg11 : memref<!tpu.dma_semaphore, #tpu.memory_space<semaphore_mem>>) src(%dma_wait3A_80 : memref<512xi32, #tpu.memory_space<hbm>>) dst(%dma_wait3A_79 : memref<512xi32, #tpu.memory_space<vmem>>)
    %add3A_81 = arith.constant 49152 : i32
    %add3A_82 = arith.addi %add3A_81, %mul3A_2 : i32
    %dma_wait3A_83 = arith.constant 1536 : i32
    %dma_wait3A_84 = tpu.memref_slice %arg8[%dma_wait3A_83] : memref<3584xi32, #tpu.memory_space<vmem>> -> memref<512xi32, #tpu.memory_space<vmem>>
    %dma_wait3A_85 = tpu.memref_slice %arg2[%add3A_82] : memref<81920xi32, #tpu.memory_space<hbm>> -> memref<512xi32, #tpu.memory_space<hbm>>
    %dma_wait3A_86 = arith.constant 1536 : i32
    %dma_wait3A_87 = tpu.memref_slice %arg8[%dma_wait3A_86] : memref<3584xi32, #tpu.memory_space<vmem>> -> memref<512xi32, #tpu.memory_space<vmem>>
    %dma_wait3A_88 = tpu.memref_slice %arg2[%add3A_82] : memref<81920xi32, #tpu.memory_space<hbm>> -> memref<512xi32, #tpu.memory_space<hbm>>
    tpu.wait_dma2 semaphore(%arg11 : memref<!tpu.dma_semaphore, #tpu.memory_space<semaphore_mem>>) src(%dma_wait3A_88 : memref<512xi32, #tpu.memory_space<hbm>>) dst(%dma_wait3A_87 : memref<512xi32, #tpu.memory_space<vmem>>)
    %add3A_89 = arith.constant 65536 : i32
    %add3A_90 = arith.addi %add3A_89, %mul3A_2 : i32
    %dma_wait3A_91 = arith.constant 2048 : i32
    %dma_wait3A_92 = tpu.memref_slice %arg8[%dma_wait3A_91] : memref<3584xi32, #tpu.memory_space<vmem>> -> memref<512xi32, #tpu.memory_space<vmem>>
    %dma_wait3A_93 = tpu.memref_slice %arg2[%add3A_90] : memref<81920xi32, #tpu.memory_space<hbm>> -> memref<512xi32, #tpu.memory_space<hbm>>
    %dma_wait3A_94 = arith.constant 2048 : i32
    %dma_wait3A_95 = tpu.memref_slice %arg8[%dma_wait3A_94] : memref<3584xi32, #tpu.memory_space<vmem>> -> memref<512xi32, #tpu.memory_space<vmem>>
    %dma_wait3A_96 = tpu.memref_slice %arg2[%add3A_90] : memref<81920xi32, #tpu.memory_space<hbm>> -> memref<512xi32, #tpu.memory_space<hbm>>
    tpu.wait_dma2 semaphore(%arg11 : memref<!tpu.dma_semaphore, #tpu.memory_space<semaphore_mem>>) src(%dma_wait3A_96 : memref<512xi32, #tpu.memory_space<hbm>>) dst(%dma_wait3A_95 : memref<512xi32, #tpu.memory_space<vmem>>)
    %add3A_97 = arith.constant 0 : i32
    %add3A_98 = arith.addi %add3A_97, %mul3A_2 : i32
    %dma_wait3A_99 = arith.constant 2560 : i32
    %dma_wait3A_100 = tpu.memref_slice %arg8[%dma_wait3A_99] : memref<3584xi32, #tpu.memory_space<vmem>> -> memref<512xi32, #tpu.memory_space<vmem>>
    %dma_wait3A_101 = tpu.memref_slice %arg3[%add3A_98] : memref<32768xi32, #tpu.memory_space<hbm>> -> memref<512xi32, #tpu.memory_space<hbm>>
    %dma_wait3A_102 = arith.constant 2560 : i32
    %dma_wait3A_103 = tpu.memref_slice %arg8[%dma_wait3A_102] : memref<3584xi32, #tpu.memory_space<vmem>> -> memref<512xi32, #tpu.memory_space<vmem>>
    %dma_wait3A_104 = tpu.memref_slice %arg3[%add3A_98] : memref<32768xi32, #tpu.memory_space<hbm>> -> memref<512xi32, #tpu.memory_space<hbm>>
    tpu.wait_dma2 semaphore(%arg11 : memref<!tpu.dma_semaphore, #tpu.memory_space<semaphore_mem>>) src(%dma_wait3A_104 : memref<512xi32, #tpu.memory_space<hbm>>) dst(%dma_wait3A_103 : memref<512xi32, #tpu.memory_space<vmem>>)
    %add3A_105 = arith.constant 16384 : i32
    %add3A_106 = arith.addi %add3A_105, %mul3A_2 : i32
    %dma_wait3A_107 = arith.constant 3072 : i32
    %dma_wait3A_108 = tpu.memref_slice %arg8[%dma_wait3A_107] : memref<3584xi32, #tpu.memory_space<vmem>> -> memref<512xi32, #tpu.memory_space<vmem>>
    %dma_wait3A_109 = tpu.memref_slice %arg3[%add3A_106] : memref<32768xi32, #tpu.memory_space<hbm>> -> memref<512xi32, #tpu.memory_space<hbm>>
    %dma_wait3A_110 = arith.constant 3072 : i32
    %dma_wait3A_111 = tpu.memref_slice %arg8[%dma_wait3A_110] : memref<3584xi32, #tpu.memory_space<vmem>> -> memref<512xi32, #tpu.memory_space<vmem>>
    %dma_wait3A_112 = tpu.memref_slice %arg3[%add3A_106] : memref<32768xi32, #tpu.memory_space<hbm>> -> memref<512xi32, #tpu.memory_space<hbm>>
    tpu.wait_dma2 semaphore(%arg11 : memref<!tpu.dma_semaphore, #tpu.memory_space<semaphore_mem>>) src(%dma_wait3A_112 : memref<512xi32, #tpu.memory_space<hbm>>) dst(%dma_wait3A_111 : memref<512xi32, #tpu.memory_space<vmem>>)
    %rem3A = arith.constant 0 : i32
    %rem3A_113 = arith.constant 2 : i32
    %rem3A_114 = arith.remsi %rem3A, %rem3A_113 : i32
    %dma_start3A_115 = arith.constant 0 : i32
    %dma_start3A_116 = arith.constant 0 : i32
    %dma_start3A_117 = tpu.memref_slice %arg9[%rem3A_114, %dma_start3A_115, %dma_start3A_116] : memref<2x128x128xf32, #tpu.memory_space<vmem>> -> memref<1x128x128xf32, #tpu.memory_space<vmem>>
    %dma_start3A_118 = tpu.memref_squeeze %dma_start3A_117 : memref<1x128x128xf32, #tpu.memory_space<vmem>> -> memref<128x128xf32, #tpu.memory_space<vmem>>
    %dma_start3A_119 = arith.constant 0 : i32
    %dma_start3A_120 = tpu.memref_slice %arg8[%dma_start3A_119] : memref<3584xi32, #tpu.memory_space<vmem>> -> memref<128xi32, #tpu.memory_space<vmem>>
    %dma_start3A_121 = arith.constant 0 : i32
    %dma_start3A_122 = arith.constant 0 : i32
    %dma_start3A_123 = tpu.memref_slice %arg4[%dma_start3A_121, %dma_start3A_122] : memref<100000x128xf32, #tpu.memory_space<hbm>> -> memref<100000x128xf32, #tpu.memory_space<hbm>>
    tpu.enqueue_indirect_dma source(%dma_start3A_123 : memref<100000x128xf32, #tpu.memory_space<hbm>>) target(%dma_start3A_118 : memref<128x128xf32, #tpu.memory_space<vmem>>) offsets(%dma_start3A_120 : memref<128xi32, #tpu.memory_space<vmem>>) semaphore(%arg10 : memref<!tpu.dma_semaphore, #tpu.memory_space<semaphore_mem>>)
    %scan3A = arith.constant 0 : i32
    %scan3A_124 = arith.constant 0 : i32
    %scan3A_125 = arith.constant 28 : i32
    %scan3A_126 = arith.addi %scan3A_124, %scan3A_125 : i32
    %scan3A_127 = arith.constant 1 : i32
    scf.for %scan3A_129 = %scan3A_124 to %scan3A_126 step %scan3A_127  : i32 {
      %add3A_130 = arith.constant 1 : i32
      %add3A_131 = arith.addi %scan3A_129, %add3A_130 : i32
      %lt3A = arith.constant 28 : i32
      %lt3A_132 = arith.cmpi slt, %add3A_131, %lt3A : i32
      %convert_element_type3A = arith.extui %lt3A_132 : i1 to i32
      %cond3A = arith.constant 0 : i32
      %cond3A_133 = arith.cmpi ne, %convert_element_type3A, %cond3A : i32
      scf.if %cond3A_133 {
        %add3A_167 = arith.constant 1 : i32
        %add3A_168 = arith.addi %scan3A_129, %add3A_167 : i32
        %rem3A_169 = arith.constant 2 : i32
        %rem3A_170 = arith.remsi %add3A_168, %rem3A_169 : i32
        %mul3A_171 = arith.constant 128 : i32
        %mul3A_172 = arith.muli %add3A_168, %mul3A_171 : i32
        %dma_start3A_173 = arith.constant 0 : i32
        %dma_start3A_174 = arith.constant 0 : i32
        %dma_start3A_175 = tpu.memref_slice %arg9[%rem3A_170, %dma_start3A_173, %dma_start3A_174] : memref<2x128x128xf32, #tpu.memory_space<vmem>> -> memref<1x128x128xf32, #tpu.memory_space<vmem>>
        %dma_start3A_176 = tpu.memref_squeeze %dma_start3A_175 : memref<1x128x128xf32, #tpu.memory_space<vmem>> -> memref<128x128xf32, #tpu.memory_space<vmem>>
        %dma_start3A_177 = tpu.memref_slice %arg8[%mul3A_172] : memref<3584xi32, #tpu.memory_space<vmem>> -> memref<128xi32, #tpu.memory_space<vmem>>
        %dma_start3A_178 = arith.constant 0 : i32
        %dma_start3A_179 = arith.constant 0 : i32
        %dma_start3A_180 = tpu.memref_slice %arg4[%dma_start3A_178, %dma_start3A_179] : memref<100000x128xf32, #tpu.memory_space<hbm>> -> memref<100000x128xf32, #tpu.memory_space<hbm>>
        tpu.enqueue_indirect_dma source(%dma_start3A_180 : memref<100000x128xf32, #tpu.memory_space<hbm>>) target(%dma_start3A_176 : memref<128x128xf32, #tpu.memory_space<vmem>>) offsets(%dma_start3A_177 : memref<128xi32, #tpu.memory_space<vmem>>) semaphore(%arg10 : memref<!tpu.dma_semaphore, #tpu.memory_space<semaphore_mem>>)
      } else {
      }
      %rem3A_134 = arith.constant 2 : i32
      %rem3A_135 = arith.remsi %scan3A_129, %rem3A_134 : i32
      %mul3A_136 = arith.constant 128 : i32
      %mul3A_137 = arith.muli %scan3A_129, %mul3A_136 : i32
      %dma_wait3A_138 = arith.constant 0 : i32
      %dma_wait3A_139 = arith.constant 0 : i32
      %dma_wait3A_140 = tpu.memref_slice %arg9[%rem3A_135, %dma_wait3A_138, %dma_wait3A_139] : memref<2x128x128xf32, #tpu.memory_space<vmem>> -> memref<1x128x128xf32, #tpu.memory_space<vmem>>
      %dma_wait3A_141 = tpu.memref_squeeze %dma_wait3A_140 : memref<1x128x128xf32, #tpu.memory_space<vmem>> -> memref<128x128xf32, #tpu.memory_space<vmem>>
      %dma_wait3A_142 = tpu.memref_slice %arg8[%mul3A_137] : memref<3584xi32, #tpu.memory_space<vmem>> -> memref<128xi32, #tpu.memory_space<vmem>>
      %dma_wait3A_143 = arith.constant 0 : i32
      %dma_wait3A_144 = arith.constant 0 : i32
      %dma_wait3A_145 = tpu.memref_slice %arg4[%dma_wait3A_143, %dma_wait3A_144] : memref<100000x128xf32, #tpu.memory_space<hbm>> -> memref<100000x128xf32, #tpu.memory_space<hbm>>
      tpu.wait_indirect_dma semaphore(%arg10 : memref<!tpu.dma_semaphore, #tpu.memory_space<semaphore_mem>>) src(%dma_wait3A_145 : memref<100000x128xf32, #tpu.memory_space<hbm>>) dst(%dma_wait3A_141 : memref<128x128xf32, #tpu.memory_space<vmem>>)
      %rem3A_146 = arith.constant 4 : i32
      %rem3A_147 = arith.remsi %scan3A_129, %rem3A_146 : i32
      %mul3A_148 = arith.constant 128 : i32
      %mul3A_149 = arith.muli %rem3A_147, %mul3A_148 : i32
      %add3A_150 = arith.addi %mul3A_2, %mul3A_149 : i32
      %lt3A_151 = arith.constant 20 : i32
      %lt3A_152 = arith.cmpi slt, %scan3A_129, %lt3A_151 : i32
      %convert_element_type3A_153 = arith.extui %lt3A_152 : i1 to i32
      %cond3A_154 = arith.constant 0 : i32
      %cond3A_155 = arith.cmpi ne, %convert_element_type3A_153, %cond3A_154 : i32
      scf.if %cond3A_155 {
        %jit3A = arith.constant 4 : i32
        %div3A = arith.divsi %scan3A_129, %jit3A : i32
        %sign3A = arith.constant 0 : i32
        %sign3A_167 = arith.cmpi sgt, %scan3A_129, %sign3A : i32
        %sign3A_168 = arith.extui %sign3A_167 : i1 to i32
        %sign3A_169 = arith.constant 0 : i32
        %sign3A_170 = arith.cmpi slt, %scan3A_129, %sign3A_169 : i32
        %sign3A_171 = arith.extui %sign3A_170 : i1 to i32
        %sign3A_172 = arith.subi %sign3A_168, %sign3A_171 : i32
        %sign3A_173 = arith.constant 0 : i32
        %sign3A_174 = arith.cmpi sgt, %jit3A, %sign3A_173 : i32
        %sign3A_175 = arith.extui %sign3A_174 : i1 to i32
        %sign3A_176 = arith.constant 0 : i32
        %sign3A_177 = arith.cmpi slt, %jit3A, %sign3A_176 : i32
        %sign3A_178 = arith.extui %sign3A_177 : i1 to i32
        %sign3A_179 = arith.subi %sign3A_175, %sign3A_178 : i32
        %ne3A = arith.cmpi ne, %sign3A_172, %sign3A_179 : i32
        %rem3A_180 = arith.remsi %scan3A_129, %jit3A : i32
        %ne3A_181 = arith.constant 0 : i32
        %ne3A_182 = arith.cmpi ne, %rem3A_180, %ne3A_181 : i32
        %and3A_183 = arith.andi %ne3A, %ne3A_182 : i1
        %sub3A = arith.constant 1 : i32
        %sub3A_184 = arith.subi %div3A, %sub3A : i32
        %select_n3A = arith.select %and3A_183, %sub3A_184, %div3A : i32
        "tpu.region"() ({
          %run_scoped3A = tpu.sem_alloc : memref<!tpu.dma_semaphore, #tpu.memory_space<semaphore_mem>>
          %dma_start3A_185 = arith.constant 0 : i32
          %dma_start3A_186 = arith.constant 0 : i32
          %dma_start3A_187 = tpu.memref_slice %arg9[%rem3A_135, %dma_start3A_185, %dma_start3A_186] : memref<2x128x128xf32, #tpu.memory_space<vmem>> -> memref<1x128x128xf32, #tpu.memory_space<vmem>>
          %dma_start3A_188 = tpu.memref_squeeze %dma_start3A_187 : memref<1x128x128xf32, #tpu.memory_space<vmem>> -> memref<128x128xf32, #tpu.memory_space<vmem>>
          %dma_start3A_189 = arith.constant 0 : i32
          %dma_start3A_190 = tpu.memref_slice %arg5[%select_n3A, %add3A_150, %dma_start3A_189] : memref<5x16384x128xf32, #tpu.memory_space<hbm>> -> memref<1x128x128xf32, #tpu.memory_space<hbm>>
          %dma_start3A_191 = tpu.memref_squeeze %dma_start3A_190 : memref<1x128x128xf32, #tpu.memory_space<hbm>> -> memref<128x128xf32, #tpu.memory_space<hbm>>
          %dma_start3A_192 = arith.constant 0 : i32
          %dma_start3A_193 = tpu.memref_slice %arg5[%select_n3A, %add3A_150, %dma_start3A_192] : memref<5x16384x128xf32, #tpu.memory_space<hbm>> -> memref<1x128x128xf32, #tpu.memory_space<hbm>>
          %dma_start3A_194 = tpu.memref_squeeze %dma_start3A_193 : memref<1x128x128xf32, #tpu.memory_space<hbm>> -> memref<128x128xf32, #tpu.memory_space<hbm>>
          %dma_start3A_195 = arith.constant 0 : i32
          %dma_start3A_196 = arith.constant 0 : i32
          %dma_start3A_197 = tpu.memref_slice %arg9[%rem3A_135, %dma_start3A_195, %dma_start3A_196] : memref<2x128x128xf32, #tpu.memory_space<vmem>> -> memref<1x128x128xf32, #tpu.memory_space<vmem>>
          %dma_start3A_198 = tpu.memref_squeeze %dma_start3A_197 : memref<1x128x128xf32, #tpu.memory_space<vmem>> -> memref<128x128xf32, #tpu.memory_space<vmem>>
          tpu.enqueue_dma source(%dma_start3A_198 : memref<128x128xf32, #tpu.memory_space<vmem>>) target(%dma_start3A_194 : memref<128x128xf32, #tpu.memory_space<hbm>>) target_semaphore(%run_scoped3A : memref<!tpu.dma_semaphore, #tpu.memory_space<semaphore_mem>>)
          %dma_wait3A_199 = arith.constant 0 : i32
          %dma_wait3A_200 = arith.constant 0 : i32
          %dma_wait3A_201 = tpu.memref_slice %arg9[%rem3A_135, %dma_wait3A_199, %dma_wait3A_200] : memref<2x128x128xf32, #tpu.memory_space<vmem>> -> memref<1x128x128xf32, #tpu.memory_space<vmem>>
          %dma_wait3A_202 = tpu.memref_squeeze %dma_wait3A_201 : memref<1x128x128xf32, #tpu.memory_space<vmem>> -> memref<128x128xf32, #tpu.memory_space<vmem>>
          %dma_wait3A_203 = arith.constant 0 : i32
          %dma_wait3A_204 = tpu.memref_slice %arg5[%select_n3A, %add3A_150, %dma_wait3A_203] : memref<5x16384x128xf32, #tpu.memory_space<hbm>> -> memref<1x128x128xf32, #tpu.memory_space<hbm>>
          %dma_wait3A_205 = tpu.memref_squeeze %dma_wait3A_204 : memref<1x128x128xf32, #tpu.memory_space<hbm>> -> memref<128x128xf32, #tpu.memory_space<hbm>>
          %dma_wait3A_206 = arith.constant 0 : i32
          %dma_wait3A_207 = tpu.memref_slice %arg5[%select_n3A, %add3A_150, %dma_wait3A_206] : memref<5x16384x128xf32, #tpu.memory_space<hbm>> -> memref<1x128x128xf32, #tpu.memory_space<hbm>>
          %dma_wait3A_208 = tpu.memref_squeeze %dma_wait3A_207 : memref<1x128x128xf32, #tpu.memory_space<hbm>> -> memref<128x128xf32, #tpu.memory_space<hbm>>
          %dma_wait3A_209 = arith.constant 0 : i32
          %dma_wait3A_210 = arith.constant 0 : i32
          %dma_wait3A_211 = tpu.memref_slice %arg9[%rem3A_135, %dma_wait3A_209, %dma_wait3A_210] : memref<2x128x128xf32, #tpu.memory_space<vmem>> -> memref<1x128x128xf32, #tpu.memory_space<vmem>>
          %dma_wait3A_212 = tpu.memref_squeeze %dma_wait3A_211 : memref<1x128x128xf32, #tpu.memory_space<vmem>> -> memref<128x128xf32, #tpu.memory_space<vmem>>
          tpu.wait_dma2 semaphore(%run_scoped3A : memref<!tpu.dma_semaphore, #tpu.memory_space<semaphore_mem>>) src(%dma_wait3A_212 : memref<128x128xf32, #tpu.memory_space<vmem>>) dst(%dma_wait3A_208 : memref<128x128xf32, #tpu.memory_space<hbm>>)
          tpu.yield
        }) : () -> ()
      } else {
      }
      %ge3A = arith.constant 20 : i32
      %ge3A_156 = arith.cmpi sge, %scan3A_129, %ge3A : i32
      %lt3A_157 = arith.constant 24 : i32
      %lt3A_158 = arith.cmpi slt, %scan3A_129, %lt3A_157 : i32
      %and3A = arith.andi %ge3A_156, %lt3A_158 : i1
      %convert_element_type3A_159 = arith.extui %and3A : i1 to i32
      %cond3A_160 = arith.constant 0 : i32
      %cond3A_161 = arith.cmpi ne, %convert_element_type3A_159, %cond3A_160 : i32
      scf.if %cond3A_161 {
        "tpu.region"() ({
          %run_scoped3A = tpu.sem_alloc : memref<!tpu.dma_semaphore, #tpu.memory_space<semaphore_mem>>
          %dma_start3A_167 = arith.constant 0 : i32
          %dma_start3A_168 = arith.constant 0 : i32
          %dma_start3A_169 = tpu.memref_slice %arg9[%rem3A_135, %dma_start3A_167, %dma_start3A_168] : memref<2x128x128xf32, #tpu.memory_space<vmem>> -> memref<1x128x128xf32, #tpu.memory_space<vmem>>
          %dma_start3A_170 = tpu.memref_squeeze %dma_start3A_169 : memref<1x128x128xf32, #tpu.memory_space<vmem>> -> memref<128x128xf32, #tpu.memory_space<vmem>>
          %dma_start3A_171 = arith.constant 0 : i32
          %dma_start3A_172 = tpu.memref_slice %arg6[%add3A_150, %dma_start3A_171] : memref<16384x128xf32, #tpu.memory_space<hbm>> -> memref<128x128xf32, #tpu.memory_space<hbm>>
          %dma_start3A_173 = arith.constant 0 : i32
          %dma_start3A_174 = tpu.memref_slice %arg6[%add3A_150, %dma_start3A_173] : memref<16384x128xf32, #tpu.memory_space<hbm>> -> memref<128x128xf32, #tpu.memory_space<hbm>>
          %dma_start3A_175 = arith.constant 0 : i32
          %dma_start3A_176 = arith.constant 0 : i32
          %dma_start3A_177 = tpu.memref_slice %arg9[%rem3A_135, %dma_start3A_175, %dma_start3A_176] : memref<2x128x128xf32, #tpu.memory_space<vmem>> -> memref<1x128x128xf32, #tpu.memory_space<vmem>>
          %dma_start3A_178 = tpu.memref_squeeze %dma_start3A_177 : memref<1x128x128xf32, #tpu.memory_space<vmem>> -> memref<128x128xf32, #tpu.memory_space<vmem>>
          tpu.enqueue_dma source(%dma_start3A_178 : memref<128x128xf32, #tpu.memory_space<vmem>>) target(%dma_start3A_174 : memref<128x128xf32, #tpu.memory_space<hbm>>) target_semaphore(%run_scoped3A : memref<!tpu.dma_semaphore, #tpu.memory_space<semaphore_mem>>)
          %dma_wait3A_179 = arith.constant 0 : i32
          %dma_wait3A_180 = arith.constant 0 : i32
          %dma_wait3A_181 = tpu.memref_slice %arg9[%rem3A_135, %dma_wait3A_179, %dma_wait3A_180] : memref<2x128x128xf32, #tpu.memory_space<vmem>> -> memref<1x128x128xf32, #tpu.memory_space<vmem>>
          %dma_wait3A_182 = tpu.memref_squeeze %dma_wait3A_181 : memref<1x128x128xf32, #tpu.memory_space<vmem>> -> memref<128x128xf32, #tpu.memory_space<vmem>>
          %dma_wait3A_183 = arith.constant 0 : i32
          %dma_wait3A_184 = tpu.memref_slice %arg6[%add3A_150, %dma_wait3A_183] : memref<16384x128xf32, #tpu.memory_space<hbm>> -> memref<128x128xf32, #tpu.memory_space<hbm>>
          %dma_wait3A_185 = arith.constant 0 : i32
          %dma_wait3A_186 = tpu.memref_slice %arg6[%add3A_150, %dma_wait3A_185] : memref<16384x128xf32, #tpu.memory_space<hbm>> -> memref<128x128xf32, #tpu.memory_space<hbm>>
          %dma_wait3A_187 = arith.constant 0 : i32
          %dma_wait3A_188 = arith.constant 0 : i32
          %dma_wait3A_189 = tpu.memref_slice %arg9[%rem3A_135, %dma_wait3A_187, %dma_wait3A_188] : memref<2x128x128xf32, #tpu.memory_space<vmem>> -> memref<1x128x128xf32, #tpu.memory_space<vmem>>
          %dma_wait3A_190 = tpu.memref_squeeze %dma_wait3A_189 : memref<1x128x128xf32, #tpu.memory_space<vmem>> -> memref<128x128xf32, #tpu.memory_space<vmem>>
          tpu.wait_dma2 semaphore(%run_scoped3A : memref<!tpu.dma_semaphore, #tpu.memory_space<semaphore_mem>>) src(%dma_wait3A_190 : memref<128x128xf32, #tpu.memory_space<vmem>>) dst(%dma_wait3A_186 : memref<128x128xf32, #tpu.memory_space<hbm>>)
          tpu.yield
        }) : () -> ()
      } else {
      }
      %ge3A_162 = arith.constant 24 : i32
      %ge3A_163 = arith.cmpi sge, %scan3A_129, %ge3A_162 : i32
      %convert_element_type3A_164 = arith.extui %ge3A_163 : i1 to i32
      %cond3A_165 = arith.constant 0 : i32
      %cond3A_166 = arith.cmpi ne, %convert_element_type3A_164, %cond3A_165 : i32
      scf.if %cond3A_166 {
        "tpu.region"() ({
          %run_scoped3A = tpu.sem_alloc : memref<!tpu.dma_semaphore, #tpu.memory_space<semaphore_mem>>
          %dma_start3A_167 = arith.constant 0 : i32
          %dma_start3A_168 = arith.constant 0 : i32
          %dma_start3A_169 = tpu.memref_slice %arg9[%rem3A_135, %dma_start3A_167, %dma_start3A_168] : memref<2x128x128xf32, #tpu.memory_space<vmem>> -> memref<1x128x128xf32, #tpu.memory_space<vmem>>
          %dma_start3A_170 = tpu.memref_squeeze %dma_start3A_169 : memref<1x128x128xf32, #tpu.memory_space<vmem>> -> memref<128x128xf32, #tpu.memory_space<vmem>>
          %dma_start3A_171 = arith.constant 0 : i32
          %dma_start3A_172 = tpu.memref_slice %arg7[%add3A_150, %dma_start3A_171] : memref<16384x128xf32, #tpu.memory_space<hbm>> -> memref<128x128xf32, #tpu.memory_space<hbm>>
          %dma_start3A_173 = arith.constant 0 : i32
          %dma_start3A_174 = tpu.memref_slice %arg7[%add3A_150, %dma_start3A_173] : memref<16384x128xf32, #tpu.memory_space<hbm>> -> memref<128x128xf32, #tpu.memory_space<hbm>>
          %dma_start3A_175 = arith.constant 0 : i32
          %dma_start3A_176 = arith.constant 0 : i32
          %dma_start3A_177 = tpu.memref_slice %arg9[%rem3A_135, %dma_start3A_175, %dma_start3A_176] : memref<2x128x128xf32, #tpu.memory_space<vmem>> -> memref<1x128x128xf32, #tpu.memory_space<vmem>>
          %dma_start3A_178 = tpu.memref_squeeze %dma_start3A_177 : memref<1x128x128xf32, #tpu.memory_space<vmem>> -> memref<128x128xf32, #tpu.memory_space<vmem>>
          tpu.enqueue_dma source(%dma_start3A_178 : memref<128x128xf32, #tpu.memory_space<vmem>>) target(%dma_start3A_174 : memref<128x128xf32, #tpu.memory_space<hbm>>) target_semaphore(%run_scoped3A : memref<!tpu.dma_semaphore, #tpu.memory_space<semaphore_mem>>)
          %dma_wait3A_179 = arith.constant 0 : i32
          %dma_wait3A_180 = arith.constant 0 : i32
          %dma_wait3A_181 = tpu.memref_slice %arg9[%rem3A_135, %dma_wait3A_179, %dma_wait3A_180] : memref<2x128x128xf32, #tpu.memory_space<vmem>> -> memref<1x128x128xf32, #tpu.memory_space<vmem>>
          %dma_wait3A_182 = tpu.memref_squeeze %dma_wait3A_181 : memref<1x128x128xf32, #tpu.memory_space<vmem>> -> memref<128x128xf32, #tpu.memory_space<vmem>>
          %dma_wait3A_183 = arith.constant 0 : i32
          %dma_wait3A_184 = tpu.memref_slice %arg7[%add3A_150, %dma_wait3A_183] : memref<16384x128xf32, #tpu.memory_space<hbm>> -> memref<128x128xf32, #tpu.memory_space<hbm>>
          %dma_wait3A_185 = arith.constant 0 : i32
          %dma_wait3A_186 = tpu.memref_slice %arg7[%add3A_150, %dma_wait3A_185] : memref<16384x128xf32, #tpu.memory_space<hbm>> -> memref<128x128xf32, #tpu.memory_space<hbm>>
          %dma_wait3A_187 = arith.constant 0 : i32
          %dma_wait3A_188 = arith.constant 0 : i32
          %dma_wait3A_189 = tpu.memref_slice %arg9[%rem3A_135, %dma_wait3A_187, %dma_wait3A_188] : memref<2x128x128xf32, #tpu.memory_space<vmem>> -> memref<1x128x128xf32, #tpu.memory_space<vmem>>
          %dma_wait3A_190 = tpu.memref_squeeze %dma_wait3A_189 : memref<1x128x128xf32, #tpu.memory_space<vmem>> -> memref<128x128xf32, #tpu.memory_space<vmem>>
          tpu.wait_dma2 semaphore(%run_scoped3A : memref<!tpu.dma_semaphore, #tpu.memory_space<semaphore_mem>>) src(%dma_wait3A_190 : memref<128x128xf32, #tpu.memory_space<vmem>>) dst(%dma_wait3A_186 : memref<128x128xf32, #tpu.memory_space<hbm>>)
          tpu.yield
        }) : () -> ()
      } else {
      }
    }
    %scan3A_128 = arith.constant 28 : i32
    return
  }
}

#map = affine_map<(d0, d1) -> (0)>
#map1 = affine_map<(d0, d1) -> (0, 0)>
#map2 = affine_map<(d0, d1) -> (0, 0, 0)>
module attributes {stable_mosaic.version = 14 : i64} {
  func.func @_sc_gather_body(%arg0: i32, %arg1: i32, %arg2: memref<81920xi32, #tpu.memory_space<hbm>>, %arg3: memref<32768xi32, #tpu.memory_space<hbm>>, %arg4: memref<100000x128xf32, #tpu.memory_space<hbm>>, %arg5: memref<5x16384x128xf32, #tpu.memory_space<hbm>>, %arg6: memref<16384x128xf32, #tpu.memory_space<hbm>>, %arg7: memref<16384x128xf32, #tpu.memory_space<hbm>>, %arg8: memref<3584xi32, #tpu.memory_space<vmem>>, %arg9: memref<2x128x128xf32, #tpu.memory_space<vmem>>, %arg10: memref<!tpu.dma_semaphore, #tpu.memory_space<semaphore_mem>>, %arg11: memref<!tpu.dma_semaphore, #tpu.memory_space<semaphore_mem>>) attributes {dimension_semantics = [#tpu.dimension_semantics<core_parallel>, #tpu.dimension_semantics<subcore_parallel>], iteration_bounds = array<i64: 2, 16>, scalar_prefetch = 0 : i64, scratch_operands = 4 : i64, tpu.core_type = #tpu.core_type<sc_vector_subcore>, window_params = [{transform_indices = #map}, {transform_indices = #map}, {transform_indices = #map1}, {transform_indices = #map2}, {transform_indices = #map1}, {transform_indices = #map1}]} {
    %mul3A = arith.constant 2 : i32
    %mul3A_0 = arith.muli %arg1, %mul3A : i32
    %add3A = arith.addi %mul3A_0, %arg0 : i32
    %mul3A_1 = arith.constant 512 : i32
    %mul3A_2 = arith.muli %add3A, %mul3A_1 : i32
    %add3A_3 = arith.constant 0 : i32
    %add3A_4 = arith.addi %add3A_3, %mul3A_2 : i32
    %dma_start3A = arith.constant 0 : i32
    %dma_start3A_5 = tpu.memref_slice %arg8[%dma_start3A] : memref<3584xi32, #tpu.memory_space<vmem>> -> memref<512xi32, #tpu.memory_space<vmem>>
    %dma_start3A_6 = tpu.memref_slice %arg2[%add3A_4] : memref<81920xi32, #tpu.memory_space<hbm>> -> memref<512xi32, #tpu.memory_space<hbm>>
    %dma_start3A_7 = arith.constant 0 : i32
    %dma_start3A_8 = tpu.memref_slice %arg8[%dma_start3A_7] : memref<3584xi32, #tpu.memory_space<vmem>> -> memref<512xi32, #tpu.memory_space<vmem>>
    %dma_start3A_9 = tpu.memref_slice %arg2[%add3A_4] : memref<81920xi32, #tpu.memory_space<hbm>> -> memref<512xi32, #tpu.memory_space<hbm>>
    tpu.enqueue_dma source(%dma_start3A_9 : memref<512xi32, #tpu.memory_space<hbm>>) target(%dma_start3A_8 : memref<512xi32, #tpu.memory_space<vmem>>) target_semaphore(%arg11 : memref<!tpu.dma_semaphore, #tpu.memory_space<semaphore_mem>>)
    %add3A_10 = arith.constant 16384 : i32
    %add3A_11 = arith.addi %add3A_10, %mul3A_2 : i32
    %dma_start3A_12 = arith.constant 512 : i32
    %dma_start3A_13 = tpu.memref_slice %arg8[%dma_start3A_12] : memref<3584xi32, #tpu.memory_space<vmem>> -> memref<512xi32, #tpu.memory_space<vmem>>
    %dma_start3A_14 = tpu.memref_slice %arg2[%add3A_11] : memref<81920xi32, #tpu.memory_space<hbm>> -> memref<512xi32, #tpu.memory_space<hbm>>
    %dma_start3A_15 = arith.constant 512 : i32
    %dma_start3A_16 = tpu.memref_slice %arg8[%dma_start3A_15] : memref<3584xi32, #tpu.memory_space<vmem>> -> memref<512xi32, #tpu.memory_space<vmem>>
    %dma_start3A_17 = tpu.memref_slice %arg2[%add3A_11] : memref<81920xi32, #tpu.memory_space<hbm>> -> memref<512xi32, #tpu.memory_space<hbm>>
    tpu.enqueue_dma source(%dma_start3A_17 : memref<512xi32, #tpu.memory_space<hbm>>) target(%dma_start3A_16 : memref<512xi32, #tpu.memory_space<vmem>>) target_semaphore(%arg11 : memref<!tpu.dma_semaphore, #tpu.memory_space<semaphore_mem>>)
    %add3A_18 = arith.constant 32768 : i32
    %add3A_19 = arith.addi %add3A_18, %mul3A_2 : i32
    %dma_start3A_20 = arith.constant 1024 : i32
    %dma_start3A_21 = tpu.memref_slice %arg8[%dma_start3A_20] : memref<3584xi32, #tpu.memory_space<vmem>> -> memref<512xi32, #tpu.memory_space<vmem>>
    %dma_start3A_22 = tpu.memref_slice %arg2[%add3A_19] : memref<81920xi32, #tpu.memory_space<hbm>> -> memref<512xi32, #tpu.memory_space<hbm>>
    %dma_start3A_23 = arith.constant 1024 : i32
    %dma_start3A_24 = tpu.memref_slice %arg8[%dma_start3A_23] : memref<3584xi32, #tpu.memory_space<vmem>> -> memref<512xi32, #tpu.memory_space<vmem>>
    %dma_start3A_25 = tpu.memref_slice %arg2[%add3A_19] : memref<81920xi32, #tpu.memory_space<hbm>> -> memref<512xi32, #tpu.memory_space<hbm>>
    tpu.enqueue_dma source(%dma_start3A_25 : memref<512xi32, #tpu.memory_space<hbm>>) target(%dma_start3A_24 : memref<512xi32, #tpu.memory_space<vmem>>) target_semaphore(%arg11 : memref<!tpu.dma_semaphore, #tpu.memory_space<semaphore_mem>>)
    %add3A_26 = arith.constant 49152 : i32
    %add3A_27 = arith.addi %add3A_26, %mul3A_2 : i32
    %dma_start3A_28 = arith.constant 1536 : i32
    %dma_start3A_29 = tpu.memref_slice %arg8[%dma_start3A_28] : memref<3584xi32, #tpu.memory_space<vmem>> -> memref<512xi32, #tpu.memory_space<vmem>>
    %dma_start3A_30 = tpu.memref_slice %arg2[%add3A_27] : memref<81920xi32, #tpu.memory_space<hbm>> -> memref<512xi32, #tpu.memory_space<hbm>>
    %dma_start3A_31 = arith.constant 1536 : i32
    %dma_start3A_32 = tpu.memref_slice %arg8[%dma_start3A_31] : memref<3584xi32, #tpu.memory_space<vmem>> -> memref<512xi32, #tpu.memory_space<vmem>>
    %dma_start3A_33 = tpu.memref_slice %arg2[%add3A_27] : memref<81920xi32, #tpu.memory_space<hbm>> -> memref<512xi32, #tpu.memory_space<hbm>>
    tpu.enqueue_dma source(%dma_start3A_33 : memref<512xi32, #tpu.memory_space<hbm>>) target(%dma_start3A_32 : memref<512xi32, #tpu.memory_space<vmem>>) target_semaphore(%arg11 : memref<!tpu.dma_semaphore, #tpu.memory_space<semaphore_mem>>)
    %add3A_34 = arith.constant 65536 : i32
    %add3A_35 = arith.addi %add3A_34, %mul3A_2 : i32
    %dma_start3A_36 = arith.constant 2048 : i32
    %dma_start3A_37 = tpu.memref_slice %arg8[%dma_start3A_36] : memref<3584xi32, #tpu.memory_space<vmem>> -> memref<512xi32, #tpu.memory_space<vmem>>
    %dma_start3A_38 = tpu.memref_slice %arg2[%add3A_35] : memref<81920xi32, #tpu.memory_space<hbm>> -> memref<512xi32, #tpu.memory_space<hbm>>
    %dma_start3A_39 = arith.constant 2048 : i32
    %dma_start3A_40 = tpu.memref_slice %arg8[%dma_start3A_39] : memref<3584xi32, #tpu.memory_space<vmem>> -> memref<512xi32, #tpu.memory_space<vmem>>
    %dma_start3A_41 = tpu.memref_slice %arg2[%add3A_35] : memref<81920xi32, #tpu.memory_space<hbm>> -> memref<512xi32, #tpu.memory_space<hbm>>
    tpu.enqueue_dma source(%dma_start3A_41 : memref<512xi32, #tpu.memory_space<hbm>>) target(%dma_start3A_40 : memref<512xi32, #tpu.memory_space<vmem>>) target_semaphore(%arg11 : memref<!tpu.dma_semaphore, #tpu.memory_space<semaphore_mem>>)
    %add3A_42 = arith.constant 0 : i32
    %add3A_43 = arith.addi %add3A_42, %mul3A_2 : i32
    %dma_start3A_44 = arith.constant 2560 : i32
    %dma_start3A_45 = tpu.memref_slice %arg8[%dma_start3A_44] : memref<3584xi32, #tpu.memory_space<vmem>> -> memref<512xi32, #tpu.memory_space<vmem>>
    %dma_start3A_46 = tpu.memref_slice %arg3[%add3A_43] : memref<32768xi32, #tpu.memory_space<hbm>> -> memref<512xi32, #tpu.memory_space<hbm>>
    %dma_start3A_47 = arith.constant 2560 : i32
    %dma_start3A_48 = tpu.memref_slice %arg8[%dma_start3A_47] : memref<3584xi32, #tpu.memory_space<vmem>> -> memref<512xi32, #tpu.memory_space<vmem>>
    %dma_start3A_49 = tpu.memref_slice %arg3[%add3A_43] : memref<32768xi32, #tpu.memory_space<hbm>> -> memref<512xi32, #tpu.memory_space<hbm>>
    tpu.enqueue_dma source(%dma_start3A_49 : memref<512xi32, #tpu.memory_space<hbm>>) target(%dma_start3A_48 : memref<512xi32, #tpu.memory_space<vmem>>) target_semaphore(%arg11 : memref<!tpu.dma_semaphore, #tpu.memory_space<semaphore_mem>>)
    %add3A_50 = arith.constant 16384 : i32
    %add3A_51 = arith.addi %add3A_50, %mul3A_2 : i32
    %dma_start3A_52 = arith.constant 3072 : i32
    %dma_start3A_53 = tpu.memref_slice %arg8[%dma_start3A_52] : memref<3584xi32, #tpu.memory_space<vmem>> -> memref<512xi32, #tpu.memory_space<vmem>>
    %dma_start3A_54 = tpu.memref_slice %arg3[%add3A_51] : memref<32768xi32, #tpu.memory_space<hbm>> -> memref<512xi32, #tpu.memory_space<hbm>>
    %dma_start3A_55 = arith.constant 3072 : i32
    %dma_start3A_56 = tpu.memref_slice %arg8[%dma_start3A_55] : memref<3584xi32, #tpu.memory_space<vmem>> -> memref<512xi32, #tpu.memory_space<vmem>>
    %dma_start3A_57 = tpu.memref_slice %arg3[%add3A_51] : memref<32768xi32, #tpu.memory_space<hbm>> -> memref<512xi32, #tpu.memory_space<hbm>>
    tpu.enqueue_dma source(%dma_start3A_57 : memref<512xi32, #tpu.memory_space<hbm>>) target(%dma_start3A_56 : memref<512xi32, #tpu.memory_space<vmem>>) target_semaphore(%arg11 : memref<!tpu.dma_semaphore, #tpu.memory_space<semaphore_mem>>)
    %add3A_58 = arith.constant 0 : i32
    %add3A_59 = arith.addi %add3A_58, %mul3A_2 : i32
    %dma_wait3A = arith.constant 0 : i32
    %dma_wait3A_60 = tpu.memref_slice %arg8[%dma_wait3A] : memref<3584xi32, #tpu.memory_space<vmem>> -> memref<512xi32, #tpu.memory_space<vmem>>
    %dma_wait3A_61 = tpu.memref_slice %arg2[%add3A_59] : memref<81920xi32, #tpu.memory_space<hbm>> -> memref<512xi32, #tpu.memory_space<hbm>>
    %dma_wait3A_62 = arith.constant 0 : i32
    %dma_wait3A_63 = tpu.memref_slice %arg8[%dma_wait3A_62] : memref<3584xi32, #tpu.memory_space<vmem>> -> memref<512xi32, #tpu.memory_space<vmem>>
    %dma_wait3A_64 = tpu.memref_slice %arg2[%add3A_59] : memref<81920xi32, #tpu.memory_space<hbm>> -> memref<512xi32, #tpu.memory_space<hbm>>
    tpu.wait_dma2 semaphore(%arg11 : memref<!tpu.dma_semaphore, #tpu.memory_space<semaphore_mem>>) src(%dma_wait3A_64 : memref<512xi32, #tpu.memory_space<hbm>>) dst(%dma_wait3A_63 : memref<512xi32, #tpu.memory_space<vmem>>)
    %add3A_65 = arith.constant 16384 : i32
    %add3A_66 = arith.addi %add3A_65, %mul3A_2 : i32
    %dma_wait3A_67 = arith.constant 512 : i32
    %dma_wait3A_68 = tpu.memref_slice %arg8[%dma_wait3A_67] : memref<3584xi32, #tpu.memory_space<vmem>> -> memref<512xi32, #tpu.memory_space<vmem>>
    %dma_wait3A_69 = tpu.memref_slice %arg2[%add3A_66] : memref<81920xi32, #tpu.memory_space<hbm>> -> memref<512xi32, #tpu.memory_space<hbm>>
    %dma_wait3A_70 = arith.constant 512 : i32
    %dma_wait3A_71 = tpu.memref_slice %arg8[%dma_wait3A_70] : memref<3584xi32, #tpu.memory_space<vmem>> -> memref<512xi32, #tpu.memory_space<vmem>>
    %dma_wait3A_72 = tpu.memref_slice %arg2[%add3A_66] : memref<81920xi32, #tpu.memory_space<hbm>> -> memref<512xi32, #tpu.memory_space<hbm>>
    tpu.wait_dma2 semaphore(%arg11 : memref<!tpu.dma_semaphore, #tpu.memory_space<semaphore_mem>>) src(%dma_wait3A_72 : memref<512xi32, #tpu.memory_space<hbm>>) dst(%dma_wait3A_71 : memref<512xi32, #tpu.memory_space<vmem>>)
    %add3A_73 = arith.constant 32768 : i32
    %add3A_74 = arith.addi %add3A_73, %mul3A_2 : i32
    %dma_wait3A_75 = arith.constant 1024 : i32
    %dma_wait3A_76 = tpu.memref_slice %arg8[%dma_wait3A_75] : memref<3584xi32, #tpu.memory_space<vmem>> -> memref<512xi32, #tpu.memory_space<vmem>>
    %dma_wait3A_77 = tpu.memref_slice %arg2[%add3A_74] : memref<81920xi32, #tpu.memory_space<hbm>> -> memref<512xi32, #tpu.memory_space<hbm>>
    %dma_wait3A_78 = arith.constant 1024 : i32
    %dma_wait3A_79 = tpu.memref_slice %arg8[%dma_wait3A_78] : memref<3584xi32, #tpu.memory_space<vmem>> -> memref<512xi32, #tpu.memory_space<vmem>>
    %dma_wait3A_80 = tpu.memref_slice %arg2[%add3A_74] : memref<81920xi32, #tpu.memory_space<hbm>> -> memref<512xi32, #tpu.memory_space<hbm>>
    tpu.wait_dma2 semaphore(%arg11 : memref<!tpu.dma_semaphore, #tpu.memory_space<semaphore_mem>>) src(%dma_wait3A_80 : memref<512xi32, #tpu.memory_space<hbm>>) dst(%dma_wait3A_79 : memref<512xi32, #tpu.memory_space<vmem>>)
    %add3A_81 = arith.constant 49152 : i32
    %add3A_82 = arith.addi %add3A_81, %mul3A_2 : i32
    %dma_wait3A_83 = arith.constant 1536 : i32
    %dma_wait3A_84 = tpu.memref_slice %arg8[%dma_wait3A_83] : memref<3584xi32, #tpu.memory_space<vmem>> -> memref<512xi32, #tpu.memory_space<vmem>>
    %dma_wait3A_85 = tpu.memref_slice %arg2[%add3A_82] : memref<81920xi32, #tpu.memory_space<hbm>> -> memref<512xi32, #tpu.memory_space<hbm>>
    %dma_wait3A_86 = arith.constant 1536 : i32
    %dma_wait3A_87 = tpu.memref_slice %arg8[%dma_wait3A_86] : memref<3584xi32, #tpu.memory_space<vmem>> -> memref<512xi32, #tpu.memory_space<vmem>>
    %dma_wait3A_88 = tpu.memref_slice %arg2[%add3A_82] : memref<81920xi32, #tpu.memory_space<hbm>> -> memref<512xi32, #tpu.memory_space<hbm>>
    tpu.wait_dma2 semaphore(%arg11 : memref<!tpu.dma_semaphore, #tpu.memory_space<semaphore_mem>>) src(%dma_wait3A_88 : memref<512xi32, #tpu.memory_space<hbm>>) dst(%dma_wait3A_87 : memref<512xi32, #tpu.memory_space<vmem>>)
    %add3A_89 = arith.constant 65536 : i32
    %add3A_90 = arith.addi %add3A_89, %mul3A_2 : i32
    %dma_wait3A_91 = arith.constant 2048 : i32
    %dma_wait3A_92 = tpu.memref_slice %arg8[%dma_wait3A_91] : memref<3584xi32, #tpu.memory_space<vmem>> -> memref<512xi32, #tpu.memory_space<vmem>>
    %dma_wait3A_93 = tpu.memref_slice %arg2[%add3A_90] : memref<81920xi32, #tpu.memory_space<hbm>> -> memref<512xi32, #tpu.memory_space<hbm>>
    %dma_wait3A_94 = arith.constant 2048 : i32
    %dma_wait3A_95 = tpu.memref_slice %arg8[%dma_wait3A_94] : memref<3584xi32, #tpu.memory_space<vmem>> -> memref<512xi32, #tpu.memory_space<vmem>>
    %dma_wait3A_96 = tpu.memref_slice %arg2[%add3A_90] : memref<81920xi32, #tpu.memory_space<hbm>> -> memref<512xi32, #tpu.memory_space<hbm>>
    tpu.wait_dma2 semaphore(%arg11 : memref<!tpu.dma_semaphore, #tpu.memory_space<semaphore_mem>>) src(%dma_wait3A_96 : memref<512xi32, #tpu.memory_space<hbm>>) dst(%dma_wait3A_95 : memref<512xi32, #tpu.memory_space<vmem>>)
    %add3A_97 = arith.constant 0 : i32
    %add3A_98 = arith.addi %add3A_97, %mul3A_2 : i32
    %dma_wait3A_99 = arith.constant 2560 : i32
    %dma_wait3A_100 = tpu.memref_slice %arg8[%dma_wait3A_99] : memref<3584xi32, #tpu.memory_space<vmem>> -> memref<512xi32, #tpu.memory_space<vmem>>
    %dma_wait3A_101 = tpu.memref_slice %arg3[%add3A_98] : memref<32768xi32, #tpu.memory_space<hbm>> -> memref<512xi32, #tpu.memory_space<hbm>>
    %dma_wait3A_102 = arith.constant 2560 : i32
    %dma_wait3A_103 = tpu.memref_slice %arg8[%dma_wait3A_102] : memref<3584xi32, #tpu.memory_space<vmem>> -> memref<512xi32, #tpu.memory_space<vmem>>
    %dma_wait3A_104 = tpu.memref_slice %arg3[%add3A_98] : memref<32768xi32, #tpu.memory_space<hbm>> -> memref<512xi32, #tpu.memory_space<hbm>>
    tpu.wait_dma2 semaphore(%arg11 : memref<!tpu.dma_semaphore, #tpu.memory_space<semaphore_mem>>) src(%dma_wait3A_104 : memref<512xi32, #tpu.memory_space<hbm>>) dst(%dma_wait3A_103 : memref<512xi32, #tpu.memory_space<vmem>>)
    %add3A_105 = arith.constant 16384 : i32
    %add3A_106 = arith.addi %add3A_105, %mul3A_2 : i32
    %dma_wait3A_107 = arith.constant 3072 : i32
    %dma_wait3A_108 = tpu.memref_slice %arg8[%dma_wait3A_107] : memref<3584xi32, #tpu.memory_space<vmem>> -> memref<512xi32, #tpu.memory_space<vmem>>
    %dma_wait3A_109 = tpu.memref_slice %arg3[%add3A_106] : memref<32768xi32, #tpu.memory_space<hbm>> -> memref<512xi32, #tpu.memory_space<hbm>>
    %dma_wait3A_110 = arith.constant 3072 : i32
    %dma_wait3A_111 = tpu.memref_slice %arg8[%dma_wait3A_110] : memref<3584xi32, #tpu.memory_space<vmem>> -> memref<512xi32, #tpu.memory_space<vmem>>
    %dma_wait3A_112 = tpu.memref_slice %arg3[%add3A_106] : memref<32768xi32, #tpu.memory_space<hbm>> -> memref<512xi32, #tpu.memory_space<hbm>>
    tpu.wait_dma2 semaphore(%arg11 : memref<!tpu.dma_semaphore, #tpu.memory_space<semaphore_mem>>) src(%dma_wait3A_112 : memref<512xi32, #tpu.memory_space<hbm>>) dst(%dma_wait3A_111 : memref<512xi32, #tpu.memory_space<vmem>>)
    %rem3A = arith.constant 0 : i32
    %rem3A_113 = arith.constant 2 : i32
    %rem3A_114 = arith.remsi %rem3A, %rem3A_113 : i32
    %dma_start3A_115 = arith.constant 0 : i32
    %dma_start3A_116 = arith.constant 0 : i32
    %dma_start3A_117 = tpu.memref_slice %arg9[%rem3A_114, %dma_start3A_115, %dma_start3A_116] : memref<2x128x128xf32, #tpu.memory_space<vmem>> -> memref<1x128x128xf32, #tpu.memory_space<vmem>>
    %dma_start3A_118 = tpu.memref_squeeze %dma_start3A_117 : memref<1x128x128xf32, #tpu.memory_space<vmem>> -> memref<128x128xf32, #tpu.memory_space<vmem>>
    %dma_start3A_119 = arith.constant 0 : i32
    %dma_start3A_120 = tpu.memref_slice %arg8[%dma_start3A_119] : memref<3584xi32, #tpu.memory_space<vmem>> -> memref<128xi32, #tpu.memory_space<vmem>>
    %dma_start3A_121 = arith.constant 0 : i32
    %dma_start3A_122 = arith.constant 0 : i32
    %dma_start3A_123 = tpu.memref_slice %arg4[%dma_start3A_121, %dma_start3A_122] : memref<100000x128xf32, #tpu.memory_space<hbm>> -> memref<100000x128xf32, #tpu.memory_space<hbm>>
    tpu.enqueue_indirect_dma source(%dma_start3A_123 : memref<100000x128xf32, #tpu.memory_space<hbm>>) target(%dma_start3A_118 : memref<128x128xf32, #tpu.memory_space<vmem>>) offsets(%dma_start3A_120 : memref<128xi32, #tpu.memory_space<vmem>>) semaphore(%arg10 : memref<!tpu.dma_semaphore, #tpu.memory_space<semaphore_mem>>)
    %scan3A = arith.constant 0 : i32
    %scan3A_124 = arith.constant 0 : i32
    %scan3A_125 = arith.constant 28 : i32
    %scan3A_126 = arith.addi %scan3A_124, %scan3A_125 : i32
    %scan3A_127 = arith.constant 1 : i32
    scf.for %scan3A_129 = %scan3A_124 to %scan3A_126 step %scan3A_127  : i32 {
      %add3A_130 = arith.constant 1 : i32
      %add3A_131 = arith.addi %scan3A_129, %add3A_130 : i32
      %lt3A = arith.constant 28 : i32
      %lt3A_132 = arith.cmpi slt, %add3A_131, %lt3A : i32
      %convert_element_type3A = arith.extui %lt3A_132 : i1 to i32
      %cond3A = arith.constant 0 : i32
      %cond3A_133 = arith.cmpi ne, %convert_element_type3A, %cond3A : i32
      scf.if %cond3A_133 {
        %add3A_167 = arith.constant 1 : i32
        %add3A_168 = arith.addi %scan3A_129, %add3A_167 : i32
        %rem3A_169 = arith.constant 2 : i32
        %rem3A_170 = arith.remsi %add3A_168, %rem3A_169 : i32
        %mul3A_171 = arith.constant 128 : i32
        %mul3A_172 = arith.muli %add3A_168, %mul3A_171 : i32
        %dma_start3A_173 = arith.constant 0 : i32
        %dma_start3A_174 = arith.constant 0 : i32
        %dma_start3A_175 = tpu.memref_slice %arg9[%rem3A_170, %dma_start3A_173, %dma_start3A_174] : memref<2x128x128xf32, #tpu.memory_space<vmem>> -> memref<1x128x128xf32, #tpu.memory_space<vmem>>
        %dma_start3A_176 = tpu.memref_squeeze %dma_start3A_175 : memref<1x128x128xf32, #tpu.memory_space<vmem>> -> memref<128x128xf32, #tpu.memory_space<vmem>>
        %dma_start3A_177 = tpu.memref_slice %arg8[%mul3A_172] : memref<3584xi32, #tpu.memory_space<vmem>> -> memref<128xi32, #tpu.memory_space<vmem>>
        %dma_start3A_178 = arith.constant 0 : i32
        %dma_start3A_179 = arith.constant 0 : i32
        %dma_start3A_180 = tpu.memref_slice %arg4[%dma_start3A_178, %dma_start3A_179] : memref<100000x128xf32, #tpu.memory_space<hbm>> -> memref<100000x128xf32, #tpu.memory_space<hbm>>
        tpu.enqueue_indirect_dma source(%dma_start3A_180 : memref<100000x128xf32, #tpu.memory_space<hbm>>) target(%dma_start3A_176 : memref<128x128xf32, #tpu.memory_space<vmem>>) offsets(%dma_start3A_177 : memref<128xi32, #tpu.memory_space<vmem>>) semaphore(%arg10 : memref<!tpu.dma_semaphore, #tpu.memory_space<semaphore_mem>>)
      } else {
      }
      %rem3A_134 = arith.constant 2 : i32
      %rem3A_135 = arith.remsi %scan3A_129, %rem3A_134 : i32
      %mul3A_136 = arith.constant 128 : i32
      %mul3A_137 = arith.muli %scan3A_129, %mul3A_136 : i32
      %dma_wait3A_138 = arith.constant 0 : i32
      %dma_wait3A_139 = arith.constant 0 : i32
      %dma_wait3A_140 = tpu.memref_slice %arg9[%rem3A_135, %dma_wait3A_138, %dma_wait3A_139] : memref<2x128x128xf32, #tpu.memory_space<vmem>> -> memref<1x128x128xf32, #tpu.memory_space<vmem>>
      %dma_wait3A_141 = tpu.memref_squeeze %dma_wait3A_140 : memref<1x128x128xf32, #tpu.memory_space<vmem>> -> memref<128x128xf32, #tpu.memory_space<vmem>>
      %dma_wait3A_142 = tpu.memref_slice %arg8[%mul3A_137] : memref<3584xi32, #tpu.memory_space<vmem>> -> memref<128xi32, #tpu.memory_space<vmem>>
      %dma_wait3A_143 = arith.constant 0 : i32
      %dma_wait3A_144 = arith.constant 0 : i32
      %dma_wait3A_145 = tpu.memref_slice %arg4[%dma_wait3A_143, %dma_wait3A_144] : memref<100000x128xf32, #tpu.memory_space<hbm>> -> memref<100000x128xf32, #tpu.memory_space<hbm>>
      tpu.wait_indirect_dma semaphore(%arg10 : memref<!tpu.dma_semaphore, #tpu.memory_space<semaphore_mem>>) src(%dma_wait3A_145 : memref<100000x128xf32, #tpu.memory_space<hbm>>) dst(%dma_wait3A_141 : memref<128x128xf32, #tpu.memory_space<vmem>>)
      %rem3A_146 = arith.constant 4 : i32
      %rem3A_147 = arith.remsi %scan3A_129, %rem3A_146 : i32
      %mul3A_148 = arith.constant 128 : i32
      %mul3A_149 = arith.muli %rem3A_147, %mul3A_148 : i32
      %add3A_150 = arith.addi %mul3A_2, %mul3A_149 : i32
      %lt3A_151 = arith.constant 20 : i32
      %lt3A_152 = arith.cmpi slt, %scan3A_129, %lt3A_151 : i32
      %convert_element_type3A_153 = arith.extui %lt3A_152 : i1 to i32
      %cond3A_154 = arith.constant 0 : i32
      %cond3A_155 = arith.cmpi ne, %convert_element_type3A_153, %cond3A_154 : i32
      scf.if %cond3A_155 {
        %jit3A = arith.constant 4 : i32
        %div3A = arith.divsi %scan3A_129, %jit3A : i32
        %sign3A = arith.constant 0 : i32
        %sign3A_167 = arith.cmpi sgt, %scan3A_129, %sign3A : i32
        %sign3A_168 = arith.extui %sign3A_167 : i1 to i32
        %sign3A_169 = arith.constant 0 : i32
        %sign3A_170 = arith.cmpi slt, %scan3A_129, %sign3A_169 : i32
        %sign3A_171 = arith.extui %sign3A_170 : i1 to i32
        %sign3A_172 = arith.subi %sign3A_168, %sign3A_171 : i32
        %sign3A_173 = arith.constant 0 : i32
        %sign3A_174 = arith.cmpi sgt, %jit3A, %sign3A_173 : i32
        %sign3A_175 = arith.extui %sign3A_174 : i1 to i32
        %sign3A_176 = arith.constant 0 : i32
        %sign3A_177 = arith.cmpi slt, %jit3A, %sign3A_176 : i32
        %sign3A_178 = arith.extui %sign3A_177 : i1 to i32
        %sign3A_179 = arith.subi %sign3A_175, %sign3A_178 : i32
        %ne3A = arith.cmpi ne, %sign3A_172, %sign3A_179 : i32
        %rem3A_180 = arith.remsi %scan3A_129, %jit3A : i32
        %ne3A_181 = arith.constant 0 : i32
        %ne3A_182 = arith.cmpi ne, %rem3A_180, %ne3A_181 : i32
        %and3A_183 = arith.andi %ne3A, %ne3A_182 : i1
        %sub3A = arith.constant 1 : i32
        %sub3A_184 = arith.subi %div3A, %sub3A : i32
        %select_n3A = arith.select %and3A_183, %sub3A_184, %div3A : i32
        "tpu.region"() ({
          %run_scoped3A = tpu.sem_alloc : memref<!tpu.dma_semaphore, #tpu.memory_space<semaphore_mem>>
          %dma_start3A_185 = arith.constant 0 : i32
          %dma_start3A_186 = arith.constant 0 : i32
          %dma_start3A_187 = tpu.memref_slice %arg9[%rem3A_135, %dma_start3A_185, %dma_start3A_186] : memref<2x128x128xf32, #tpu.memory_space<vmem>> -> memref<1x128x128xf32, #tpu.memory_space<vmem>>
          %dma_start3A_188 = tpu.memref_squeeze %dma_start3A_187 : memref<1x128x128xf32, #tpu.memory_space<vmem>> -> memref<128x128xf32, #tpu.memory_space<vmem>>
          %dma_start3A_189 = arith.constant 0 : i32
          %dma_start3A_190 = tpu.memref_slice %arg5[%select_n3A, %add3A_150, %dma_start3A_189] : memref<5x16384x128xf32, #tpu.memory_space<hbm>> -> memref<1x128x128xf32, #tpu.memory_space<hbm>>
          %dma_start3A_191 = tpu.memref_squeeze %dma_start3A_190 : memref<1x128x128xf32, #tpu.memory_space<hbm>> -> memref<128x128xf32, #tpu.memory_space<hbm>>
          %dma_start3A_192 = arith.constant 0 : i32
          %dma_start3A_193 = tpu.memref_slice %arg5[%select_n3A, %add3A_150, %dma_start3A_192] : memref<5x16384x128xf32, #tpu.memory_space<hbm>> -> memref<1x128x128xf32, #tpu.memory_space<hbm>>
          %dma_start3A_194 = tpu.memref_squeeze %dma_start3A_193 : memref<1x128x128xf32, #tpu.memory_space<hbm>> -> memref<128x128xf32, #tpu.memory_space<hbm>>
          %dma_start3A_195 = arith.constant 0 : i32
          %dma_start3A_196 = arith.constant 0 : i32
          %dma_start3A_197 = tpu.memref_slice %arg9[%rem3A_135, %dma_start3A_195, %dma_start3A_196] : memref<2x128x128xf32, #tpu.memory_space<vmem>> -> memref<1x128x128xf32, #tpu.memory_space<vmem>>
          %dma_start3A_198 = tpu.memref_squeeze %dma_start3A_197 : memref<1x128x128xf32, #tpu.memory_space<vmem>> -> memref<128x128xf32, #tpu.memory_space<vmem>>
          tpu.enqueue_dma source(%dma_start3A_198 : memref<128x128xf32, #tpu.memory_space<vmem>>) target(%dma_start3A_194 : memref<128x128xf32, #tpu.memory_space<hbm>>) target_semaphore(%run_scoped3A : memref<!tpu.dma_semaphore, #tpu.memory_space<semaphore_mem>>)
          %dma_wait3A_199 = arith.constant 0 : i32
          %dma_wait3A_200 = arith.constant 0 : i32
          %dma_wait3A_201 = tpu.memref_slice %arg9[%rem3A_135, %dma_wait3A_199, %dma_wait3A_200] : memref<2x128x128xf32, #tpu.memory_space<vmem>> -> memref<1x128x128xf32, #tpu.memory_space<vmem>>
          %dma_wait3A_202 = tpu.memref_squeeze %dma_wait3A_201 : memref<1x128x128xf32, #tpu.memory_space<vmem>> -> memref<128x128xf32, #tpu.memory_space<vmem>>
          %dma_wait3A_203 = arith.constant 0 : i32
          %dma_wait3A_204 = tpu.memref_slice %arg5[%select_n3A, %add3A_150, %dma_wait3A_203] : memref<5x16384x128xf32, #tpu.memory_space<hbm>> -> memref<1x128x128xf32, #tpu.memory_space<hbm>>
          %dma_wait3A_205 = tpu.memref_squeeze %dma_wait3A_204 : memref<1x128x128xf32, #tpu.memory_space<hbm>> -> memref<128x128xf32, #tpu.memory_space<hbm>>
          %dma_wait3A_206 = arith.constant 0 : i32
          %dma_wait3A_207 = tpu.memref_slice %arg5[%select_n3A, %add3A_150, %dma_wait3A_206] : memref<5x16384x128xf32, #tpu.memory_space<hbm>> -> memref<1x128x128xf32, #tpu.memory_space<hbm>>
          %dma_wait3A_208 = tpu.memref_squeeze %dma_wait3A_207 : memref<1x128x128xf32, #tpu.memory_space<hbm>> -> memref<128x128xf32, #tpu.memory_space<hbm>>
          %dma_wait3A_209 = arith.constant 0 : i32
          %dma_wait3A_210 = arith.constant 0 : i32
          %dma_wait3A_211 = tpu.memref_slice %arg9[%rem3A_135, %dma_wait3A_209, %dma_wait3A_210] : memref<2x128x128xf32, #tpu.memory_space<vmem>> -> memref<1x128x128xf32, #tpu.memory_space<vmem>>
          %dma_wait3A_212 = tpu.memref_squeeze %dma_wait3A_211 : memref<1x128x128xf32, #tpu.memory_space<vmem>> -> memref<128x128xf32, #tpu.memory_space<vmem>>
          tpu.wait_dma2 semaphore(%run_scoped3A : memref<!tpu.dma_semaphore, #tpu.memory_space<semaphore_mem>>) src(%dma_wait3A_212 : memref<128x128xf32, #tpu.memory_space<vmem>>) dst(%dma_wait3A_208 : memref<128x128xf32, #tpu.memory_space<hbm>>)
          tpu.yield
        }) : () -> ()
      } else {
      }
      %ge3A = arith.constant 20 : i32
      %ge3A_156 = arith.cmpi sge, %scan3A_129, %ge3A : i32
      %lt3A_157 = arith.constant 24 : i32
      %lt3A_158 = arith.cmpi slt, %scan3A_129, %lt3A_157 : i32
      %and3A = arith.andi %ge3A_156, %lt3A_158 : i1
      %convert_element_type3A_159 = arith.extui %and3A : i1 to i32
      %cond3A_160 = arith.constant 0 : i32
      %cond3A_161 = arith.cmpi ne, %convert_element_type3A_159, %cond3A_160 : i32
      scf.if %cond3A_161 {
        "tpu.region"() ({
          %run_scoped3A = tpu.sem_alloc : memref<!tpu.dma_semaphore, #tpu.memory_space<semaphore_mem>>
          %dma_start3A_167 = arith.constant 0 : i32
          %dma_start3A_168 = arith.constant 0 : i32
          %dma_start3A_169 = tpu.memref_slice %arg9[%rem3A_135, %dma_start3A_167, %dma_start3A_168] : memref<2x128x128xf32, #tpu.memory_space<vmem>> -> memref<1x128x128xf32, #tpu.memory_space<vmem>>
          %dma_start3A_170 = tpu.memref_squeeze %dma_start3A_169 : memref<1x128x128xf32, #tpu.memory_space<vmem>> -> memref<128x128xf32, #tpu.memory_space<vmem>>
          %dma_start3A_171 = arith.constant 0 : i32
          %dma_start3A_172 = tpu.memref_slice %arg6[%add3A_150, %dma_start3A_171] : memref<16384x128xf32, #tpu.memory_space<hbm>> -> memref<128x128xf32, #tpu.memory_space<hbm>>
          %dma_start3A_173 = arith.constant 0 : i32
          %dma_start3A_174 = tpu.memref_slice %arg6[%add3A_150, %dma_start3A_173] : memref<16384x128xf32, #tpu.memory_space<hbm>> -> memref<128x128xf32, #tpu.memory_space<hbm>>
          %dma_start3A_175 = arith.constant 0 : i32
          %dma_start3A_176 = arith.constant 0 : i32
          %dma_start3A_177 = tpu.memref_slice %arg9[%rem3A_135, %dma_start3A_175, %dma_start3A_176] : memref<2x128x128xf32, #tpu.memory_space<vmem>> -> memref<1x128x128xf32, #tpu.memory_space<vmem>>
          %dma_start3A_178 = tpu.memref_squeeze %dma_start3A_177 : memref<1x128x128xf32, #tpu.memory_space<vmem>> -> memref<128x128xf32, #tpu.memory_space<vmem>>
          tpu.enqueue_dma source(%dma_start3A_178 : memref<128x128xf32, #tpu.memory_space<vmem>>) target(%dma_start3A_174 : memref<128x128xf32, #tpu.memory_space<hbm>>) target_semaphore(%run_scoped3A : memref<!tpu.dma_semaphore, #tpu.memory_space<semaphore_mem>>)
          %dma_wait3A_179 = arith.constant 0 : i32
          %dma_wait3A_180 = arith.constant 0 : i32
          %dma_wait3A_181 = tpu.memref_slice %arg9[%rem3A_135, %dma_wait3A_179, %dma_wait3A_180] : memref<2x128x128xf32, #tpu.memory_space<vmem>> -> memref<1x128x128xf32, #tpu.memory_space<vmem>>
          %dma_wait3A_182 = tpu.memref_squeeze %dma_wait3A_181 : memref<1x128x128xf32, #tpu.memory_space<vmem>> -> memref<128x128xf32, #tpu.memory_space<vmem>>
          %dma_wait3A_183 = arith.constant 0 : i32
          %dma_wait3A_184 = tpu.memref_slice %arg6[%add3A_150, %dma_wait3A_183] : memref<16384x128xf32, #tpu.memory_space<hbm>> -> memref<128x128xf32, #tpu.memory_space<hbm>>
          %dma_wait3A_185 = arith.constant 0 : i32
          %dma_wait3A_186 = tpu.memref_slice %arg6[%add3A_150, %dma_wait3A_185] : memref<16384x128xf32, #tpu.memory_space<hbm>> -> memref<128x128xf32, #tpu.memory_space<hbm>>
          %dma_wait3A_187 = arith.constant 0 : i32
          %dma_wait3A_188 = arith.constant 0 : i32
          %dma_wait3A_189 = tpu.memref_slice %arg9[%rem3A_135, %dma_wait3A_187, %dma_wait3A_188] : memref<2x128x128xf32, #tpu.memory_space<vmem>> -> memref<1x128x128xf32, #tpu.memory_space<vmem>>
          %dma_wait3A_190 = tpu.memref_squeeze %dma_wait3A_189 : memref<1x128x128xf32, #tpu.memory_space<vmem>> -> memref<128x128xf32, #tpu.memory_space<vmem>>
          tpu.wait_dma2 semaphore(%run_scoped3A : memref<!tpu.dma_semaphore, #tpu.memory_space<semaphore_mem>>) src(%dma_wait3A_190 : memref<128x128xf32, #tpu.memory_space<vmem>>) dst(%dma_wait3A_186 : memref<128x128xf32, #tpu.memory_space<hbm>>)
          tpu.yield
        }) : () -> ()
      } else {
      }
      %ge3A_162 = arith.constant 24 : i32
      %ge3A_163 = arith.cmpi sge, %scan3A_129, %ge3A_162 : i32
      %convert_element_type3A_164 = arith.extui %ge3A_163 : i1 to i32
      %cond3A_165 = arith.constant 0 : i32
      %cond3A_166 = arith.cmpi ne, %convert_element_type3A_164, %cond3A_165 : i32
      scf.if %cond3A_166 {
        "tpu.region"() ({
          %run_scoped3A = tpu.sem_alloc : memref<!tpu.dma_semaphore, #tpu.memory_space<semaphore_mem>>
          %dma_start3A_167 = arith.constant 0 : i32
          %dma_start3A_168 = arith.constant 0 : i32
          %dma_start3A_169 = tpu.memref_slice %arg9[%rem3A_135, %dma_start3A_167, %dma_start3A_168] : memref<2x128x128xf32, #tpu.memory_space<vmem>> -> memref<1x128x128xf32, #tpu.memory_space<vmem>>
          %dma_start3A_170 = tpu.memref_squeeze %dma_start3A_169 : memref<1x128x128xf32, #tpu.memory_space<vmem>> -> memref<128x128xf32, #tpu.memory_space<vmem>>
          %dma_start3A_171 = arith.constant 0 : i32
          %dma_start3A_172 = tpu.memref_slice %arg7[%add3A_150, %dma_start3A_171] : memref<16384x128xf32, #tpu.memory_space<hbm>> -> memref<128x128xf32, #tpu.memory_space<hbm>>
          %dma_start3A_173 = arith.constant 0 : i32
          %dma_start3A_174 = tpu.memref_slice %arg7[%add3A_150, %dma_start3A_173] : memref<16384x128xf32, #tpu.memory_space<hbm>> -> memref<128x128xf32, #tpu.memory_space<hbm>>
          %dma_start3A_175 = arith.constant 0 : i32
          %dma_start3A_176 = arith.constant 0 : i32
          %dma_start3A_177 = tpu.memref_slice %arg9[%rem3A_135, %dma_start3A_175, %dma_start3A_176] : memref<2x128x128xf32, #tpu.memory_space<vmem>> -> memref<1x128x128xf32, #tpu.memory_space<vmem>>
          %dma_start3A_178 = tpu.memref_squeeze %dma_start3A_177 : memref<1x128x128xf32, #tpu.memory_space<vmem>> -> memref<128x128xf32, #tpu.memory_space<vmem>>
          tpu.enqueue_dma source(%dma_start3A_178 : memref<128x128xf32, #tpu.memory_space<vmem>>) target(%dma_start3A_174 : memref<128x128xf32, #tpu.memory_space<hbm>>) target_semaphore(%run_scoped3A : memref<!tpu.dma_semaphore, #tpu.memory_space<semaphore_mem>>)
          %dma_wait3A_179 = arith.constant 0 : i32
          %dma_wait3A_180 = arith.constant 0 : i32
          %dma_wait3A_181 = tpu.memref_slice %arg9[%rem3A_135, %dma_wait3A_179, %dma_wait3A_180] : memref<2x128x128xf32, #tpu.memory_space<vmem>> -> memref<1x128x128xf32, #tpu.memory_space<vmem>>
          %dma_wait3A_182 = tpu.memref_squeeze %dma_wait3A_181 : memref<1x128x128xf32, #tpu.memory_space<vmem>> -> memref<128x128xf32, #tpu.memory_space<vmem>>
          %dma_wait3A_183 = arith.constant 0 : i32
          %dma_wait3A_184 = tpu.memref_slice %arg7[%add3A_150, %dma_wait3A_183] : memref<16384x128xf32, #tpu.memory_space<hbm>> -> memref<128x128xf32, #tpu.memory_space<hbm>>
          %dma_wait3A_185 = arith.constant 0 : i32
          %dma_wait3A_186 = tpu.memref_slice %arg7[%add3A_150, %dma_wait3A_185] : memref<16384x128xf32, #tpu.memory_space<hbm>> -> memref<128x128xf32, #tpu.memory_space<hbm>>
          %dma_wait3A_187 = arith.constant 0 : i32
          %dma_wait3A_188 = arith.constant 0 : i32
          %dma_wait3A_189 = tpu.memref_slice %arg9[%rem3A_135, %dma_wait3A_187, %dma_wait3A_188] : memref<2x128x128xf32, #tpu.memory_space<vmem>> -> memref<1x128x128xf32, #tpu.memory_space<vmem>>
          %dma_wait3A_190 = tpu.memref_squeeze %dma_wait3A_189 : memref<1x128x128xf32, #tpu.memory_space<vmem>> -> memref<128x128xf32, #tpu.memory_space<vmem>>
          tpu.wait_dma2 semaphore(%run_scoped3A : memref<!tpu.dma_semaphore, #tpu.memory_space<semaphore_mem>>) src(%dma_wait3A_190 : memref<128x128xf32, #tpu.memory_space<vmem>>) dst(%dma_wait3A_186 : memref<128x128xf32, #tpu.memory_space<hbm>>)
          tpu.yield
        }) : () -> ()
      } else {
      }
    }
    %scan3A_128 = arith.constant 28 : i32
    return
  }
}

module attributes {stable_mosaic.version = 14 : i64} {
  func.func @_enc_body(%arg0: i32, %arg1: memref<5x1024x128xf32, #tpu.memory_space<vmem>>, %arg2: memref<1024x8xi32, #tpu.memory_space<vmem>>, %arg3: memref<1024x128xf32, #tpu.memory_space<vmem>>, %arg4: memref<1024x128xf32, #tpu.memory_space<vmem>>, %arg5: memref<128x128xbf16, #tpu.memory_space<vmem>>, %arg6: memref<128x1024xbf16, #tpu.memory_space<vmem>>, %arg7: memref<128x1024xbf16, #tpu.memory_space<vmem>>, %arg8: memref<128x512xbf16, #tpu.memory_space<vmem>>, %arg9: memref<128x512xbf16, #tpu.memory_space<vmem>>, %arg10: memref<128x1024xf32, #tpu.memory_space<vmem>>, %arg11: memref<256x256xbf16, #tpu.memory_space<vmem>>, %arg12: memref<1x256xf32, #tpu.memory_space<vmem>>, %arg13: memref<512x128xbf16, #tpu.memory_space<vmem>>, %arg14: memref<1x128xf32, #tpu.memory_space<vmem>>, %arg15: memref<1024x128xf32, #tpu.memory_space<vmem>>) attributes {dimension_semantics = [#tpu.dimension_semantics<arbitrary>], iteration_bounds = array<i64: 16>, scalar_prefetch = 0 : i64, scratch_operands = 0 : i64, tpu.core_type = #tpu.core_type<tc>, window_params = [{transform_indices = @transform_0, window_bounds = array<i64: 5, 1024, 128>}, {transform_indices = @transform_1, window_bounds = array<i64: 1024, 8>}, {transform_indices = @transform_2, window_bounds = array<i64: 1024, 128>}, {transform_indices = @transform_3, window_bounds = array<i64: 1024, 128>}, {pipeline_mode = #tpu.pipeline_mode<synchronous>, transform_indices = @transform_4, window_bounds = array<i64: 128, 128>}, {pipeline_mode = #tpu.pipeline_mode<synchronous>, transform_indices = @transform_5, window_bounds = array<i64: 128, 1024>}, {pipeline_mode = #tpu.pipeline_mode<synchronous>, transform_indices = @transform_6, window_bounds = array<i64: 128, 1024>}, {pipeline_mode = #tpu.pipeline_mode<synchronous>, transform_indices = @transform_7, window_bounds = array<i64: 128, 512>}, {pipeline_mode = #tpu.pipeline_mode<synchronous>, transform_indices = @transform_8, window_bounds = array<i64: 128, 512>}, {pipeline_mode = #tpu.pipeline_mode<synchronous>, transform_indices = @transform_9, window_bounds = array<i64: 128, 1024>}, {pipeline_mode = #tpu.pipeline_mode<synchronous>, transform_indices = @transform_10, window_bounds = array<i64: 256, 256>}, {pipeline_mode = #tpu.pipeline_mode<synchronous>, transform_indices = @transform_11, window_bounds = array<i64: 1, 256>}, {pipeline_mode = #tpu.pipeline_mode<synchronous>, transform_indices = @transform_12, window_bounds = array<i64: 512, 128>}, {pipeline_mode = #tpu.pipeline_mode<synchronous>, transform_indices = @transform_13, window_bounds = array<i64: 1, 128>}, {transform_indices = @transform_14, window_bounds = array<i64: 1024, 128>}]} {
    %get3A = arith.constant 0 : index
    %get3A_0 = arith.constant 0 : index
    %get3A_1 = vector.load %arg5[%get3A, %get3A_0] : memref<128x128xbf16, #tpu.memory_space<vmem>>, vector<128x128xbf16>
    %get3A_2 = arith.constant 0 : index
    %get3A_3 = arith.constant 0 : index
    %get3A_4 = vector.load %arg7[%get3A_2, %get3A_3] : memref<128x1024xbf16, #tpu.memory_space<vmem>>, vector<128x1024xbf16>
    %dot_general3A = arith.constant dense<0.000000e+00> : vector<128x1024xf32>
    %dot_general3A_5 = tpu.matmul %get3A_1, %get3A_4, %dot_general3A {dimension_numbers = #tpu.dot_dimension_numbers<[1], [0], [0], [1], [0, 0, 1, 1], [], []>, transpose_lhs_hint = false} : vector<128x128xbf16>, vector<128x1024xbf16>, vector<128x1024xf32> -> vector<128x1024xf32>
    %get3A_6 = arith.constant 0 : index
    %get3A_7 = arith.constant 0 : index
    %get3A_8 = vector.load %arg10[%get3A_6, %get3A_7] : memref<128x1024xf32, #tpu.memory_space<vmem>>, vector<128x1024xf32>
    %add3A = arith.addf %dot_general3A_5, %get3A_8 : vector<128x1024xf32>
    %convert_element_type3A = arith.truncf %add3A : vector<128x1024xf32> to vector<128x1024xbf16>
    %get3A_9 = arith.constant 0 : index
    %get3A_10 = arith.constant 0 : index
    %get3A_11 = vector.load %arg6[%get3A_9, %get3A_10] : memref<128x1024xbf16, #tpu.memory_space<vmem>>, vector<128x1024xbf16>
    %concatenate3A = tpu.concatenate %get3A_11, %convert_element_type3A in 0 : vector<128x1024xbf16>, vector<128x1024xbf16> -> vector<256x1024xbf16>
    %iota3A = tpu.iota {dimensions = array<i32: 1>} : vector<1024x128xi32>
    %get3A_12 = arith.constant 0 : index
    %get3A_13 = arith.constant 0 : index
    %get3A_14 = vector.load %arg2[%get3A_12, %get3A_13] : memref<1024x8xi32, #tpu.memory_space<vmem>>, vector<1024x1xi32>
    %ge3A = arith.constant 17 : i32
    %ge3A_15 = vector.broadcast %ge3A : i32 to vector<1024x1xi32>
    %ge3A_16 = arith.cmpi sge, %get3A_14, %ge3A_15 : vector<1024x1xi32>
    %sub3A = arith.constant 17 : i32
    %sub3A_17 = vector.broadcast %sub3A : i32 to vector<1024x1xi32>
    %sub3A_18 = arith.subi %get3A_14, %sub3A_17 : vector<1024x1xi32>
    %select_n3A = arith.select %ge3A_16, %sub3A_18, %get3A_14 : vector<1024x1xi1>, vector<1024x1xi32>
    %eq3A = vector.broadcast %select_n3A : vector<1024x1xi32> to vector<1024x128xi32>
    %eq3A_19 = arith.cmpi eq, %eq3A, %iota3A : vector<1024x128xi32>
    %eq3A_20 = arith.constant 127 : i32
    %eq3A_21 = vector.broadcast %eq3A_20 : i32 to vector<1024x128xi32>
    %eq3A_22 = arith.cmpi eq, %iota3A, %eq3A_21 : vector<1024x128xi32>
    %or3A = arith.ori %eq3A_19, %eq3A_22 : vector<1024x128xi1>
    %get3A_23 = arith.constant 0 : index
    %get3A_24 = arith.constant 1 : index
    %get3A_25 = vector.load %arg2[%get3A_23, %get3A_24] : memref<1024x8xi32, #tpu.memory_space<vmem>>, vector<1024x1xi32>
    %ge3A_26 = arith.constant 17 : i32
    %ge3A_27 = vector.broadcast %ge3A_26 : i32 to vector<1024x1xi32>
    %ge3A_28 = arith.cmpi sge, %get3A_25, %ge3A_27 : vector<1024x1xi32>
    %sub3A_29 = arith.constant 17 : i32
    %sub3A_30 = vector.broadcast %sub3A_29 : i32 to vector<1024x1xi32>
    %sub3A_31 = arith.subi %get3A_25, %sub3A_30 : vector<1024x1xi32>
    %select_n3A_32 = arith.select %ge3A_28, %sub3A_31, %get3A_25 : vector<1024x1xi1>, vector<1024x1xi32>
    %eq3A_33 = vector.broadcast %select_n3A_32 : vector<1024x1xi32> to vector<1024x128xi32>
    %eq3A_34 = arith.cmpi eq, %eq3A_33, %iota3A : vector<1024x128xi32>
    %eq3A_35 = arith.constant 127 : i32
    %eq3A_36 = vector.broadcast %eq3A_35 : i32 to vector<1024x128xi32>
    %eq3A_37 = arith.cmpi eq, %iota3A, %eq3A_36 : vector<1024x128xi32>
    %or3A_38 = arith.ori %eq3A_34, %eq3A_37 : vector<1024x128xi1>
    %get3A_39 = arith.constant 0 : index
    %get3A_40 = arith.constant 2 : index
    %get3A_41 = vector.load %arg2[%get3A_39, %get3A_40] : memref<1024x8xi32, #tpu.memory_space<vmem>>, vector<1024x1xi32>
    %ge3A_42 = arith.constant 17 : i32
    %ge3A_43 = vector.broadcast %ge3A_42 : i32 to vector<1024x1xi32>
    %ge3A_44 = arith.cmpi sge, %get3A_41, %ge3A_43 : vector<1024x1xi32>
    %sub3A_45 = arith.constant 17 : i32
    %sub3A_46 = vector.broadcast %sub3A_45 : i32 to vector<1024x1xi32>
    %sub3A_47 = arith.subi %get3A_41, %sub3A_46 : vector<1024x1xi32>
    %select_n3A_48 = arith.select %ge3A_44, %sub3A_47, %get3A_41 : vector<1024x1xi1>, vector<1024x1xi32>
    %eq3A_49 = vector.broadcast %select_n3A_48 : vector<1024x1xi32> to vector<1024x128xi32>
    %eq3A_50 = arith.cmpi eq, %eq3A_49, %iota3A : vector<1024x128xi32>
    %eq3A_51 = arith.constant 127 : i32
    %eq3A_52 = vector.broadcast %eq3A_51 : i32 to vector<1024x128xi32>
    %eq3A_53 = arith.cmpi eq, %iota3A, %eq3A_52 : vector<1024x128xi32>
    %or3A_54 = arith.ori %eq3A_50, %eq3A_53 : vector<1024x128xi1>
    %get3A_55 = arith.constant 0 : index
    %get3A_56 = arith.constant 3 : index
    %get3A_57 = vector.load %arg2[%get3A_55, %get3A_56] : memref<1024x8xi32, #tpu.memory_space<vmem>>, vector<1024x1xi32>
    %ge3A_58 = arith.constant 17 : i32
    %ge3A_59 = vector.broadcast %ge3A_58 : i32 to vector<1024x1xi32>
    %ge3A_60 = arith.cmpi sge, %get3A_57, %ge3A_59 : vector<1024x1xi32>
    %sub3A_61 = arith.constant 17 : i32
    %sub3A_62 = vector.broadcast %sub3A_61 : i32 to vector<1024x1xi32>
    %sub3A_63 = arith.subi %get3A_57, %sub3A_62 : vector<1024x1xi32>
    %select_n3A_64 = arith.select %ge3A_60, %sub3A_63, %get3A_57 : vector<1024x1xi1>, vector<1024x1xi32>
    %eq3A_65 = vector.broadcast %select_n3A_64 : vector<1024x1xi32> to vector<1024x128xi32>
    %eq3A_66 = arith.cmpi eq, %eq3A_65, %iota3A : vector<1024x128xi32>
    %eq3A_67 = arith.constant 127 : i32
    %eq3A_68 = vector.broadcast %eq3A_67 : i32 to vector<1024x128xi32>
    %eq3A_69 = arith.cmpi eq, %iota3A, %eq3A_68 : vector<1024x128xi32>
    %or3A_70 = arith.ori %eq3A_66, %eq3A_69 : vector<1024x128xi1>
    %get3A_71 = arith.constant 0 : index
    %get3A_72 = arith.constant 4 : index
    %get3A_73 = vector.load %arg2[%get3A_71, %get3A_72] : memref<1024x8xi32, #tpu.memory_space<vmem>>, vector<1024x1xi32>
    %ge3A_74 = arith.constant 17 : i32
    %ge3A_75 = vector.broadcast %ge3A_74 : i32 to vector<1024x1xi32>
    %ge3A_76 = arith.cmpi sge, %get3A_73, %ge3A_75 : vector<1024x1xi32>
    %sub3A_77 = arith.constant 17 : i32
    %sub3A_78 = vector.broadcast %sub3A_77 : i32 to vector<1024x1xi32>
    %sub3A_79 = arith.subi %get3A_73, %sub3A_78 : vector<1024x1xi32>
    %select_n3A_80 = arith.select %ge3A_76, %sub3A_79, %get3A_73 : vector<1024x1xi1>, vector<1024x1xi32>
    %eq3A_81 = vector.broadcast %select_n3A_80 : vector<1024x1xi32> to vector<1024x128xi32>
    %eq3A_82 = arith.cmpi eq, %eq3A_81, %iota3A : vector<1024x128xi32>
    %eq3A_83 = arith.constant 127 : i32
    %eq3A_84 = vector.broadcast %eq3A_83 : i32 to vector<1024x128xi32>
    %eq3A_85 = arith.cmpi eq, %iota3A, %eq3A_84 : vector<1024x128xi32>
    %or3A_86 = arith.ori %eq3A_82, %eq3A_85 : vector<1024x128xi1>
    %concatenate3A_87 = tpu.concatenate %or3A, %or3A_38, %or3A_54, %or3A_70, %or3A_86 in 0 : vector<1024x128xi1>, vector<1024x128xi1>, vector<1024x128xi1>, vector<1024x128xi1>, vector<1024x128xi1> -> vector<5120x128xi1>
    %convert_element_type3A_88 = arith.extui %concatenate3A_87 : vector<5120x128xi1> to vector<5120x128xi32>
    %convert_element_type3A_89 = arith.sitofp %convert_element_type3A_88 : vector<5120x128xi32> to vector<5120x128xf32>
    %convert_element_type3A_90 = arith.truncf %convert_element_type3A_89 : vector<5120x128xf32> to vector<5120x128xbf16>
    %get3A_91 = arith.constant 0 : index
    %get3A_92 = arith.constant 0 : index
    %get3A_93 = arith.constant 0 : index
    %get3A_94 = vector.load %arg1[%get3A_91, %get3A_92, %get3A_93] : memref<5x1024x128xf32, #tpu.memory_space<vmem>>, vector<5x1024x128xf32>
    %reshape3A = vector.shape_cast %get3A_94 : vector<5x1024x128xf32> to vector<5120x128xf32>
    %convert_element_type3A_95 = arith.truncf %reshape3A : vector<5120x128xf32> to vector<5120x128xbf16>
    %concatenate3A_96 = tpu.concatenate %convert_element_type3A_95, %convert_element_type3A_90 in 1 : vector<5120x128xbf16>, vector<5120x128xbf16> -> vector<5120x256xbf16>
    %dot_general3A_97 = arith.constant dense<0.000000e+00> : vector<5120x1024xf32>
    %dot_general3A_98 = tpu.matmul %concatenate3A_96, %concatenate3A, %dot_general3A_97 {dimension_numbers = #tpu.dot_dimension_numbers<[1], [0], [0], [1], [0, 0, 1, 1], [], []>, transpose_lhs_hint = false} : vector<5120x256xbf16>, vector<256x1024xbf16>, vector<5120x1024xf32> -> vector<5120x1024xf32>
    %slice3A = vector.extract_strided_slice %dot_general3A_98 {offsets = [0, 0], sizes = [1024, 1024], strides = [1, 1]} : vector<5120x1024xf32> to vector<1024x1024xf32>
    %slice3A_99 = vector.extract_strided_slice %dot_general3A_98 {offsets = [1024, 0], sizes = [1024, 1024], strides = [1, 1]} : vector<5120x1024xf32> to vector<1024x1024xf32>
    %slice3A_100 = vector.extract_strided_slice %dot_general3A_98 {offsets = [2048, 0], sizes = [1024, 1024], strides = [1, 1]} : vector<5120x1024xf32> to vector<1024x1024xf32>
    %slice3A_101 = vector.extract_strided_slice %dot_general3A_98 {offsets = [3072, 0], sizes = [1024, 1024], strides = [1, 1]} : vector<5120x1024xf32> to vector<1024x1024xf32>
    %slice3A_102 = vector.extract_strided_slice %dot_general3A_98 {offsets = [4096, 0], sizes = [1024, 1024], strides = [1, 1]} : vector<5120x1024xf32> to vector<1024x1024xf32>
    %get3A_103 = arith.constant 0 : index
    %get3A_104 = arith.constant 5 : index
    %get3A_105 = vector.load %arg2[%get3A_103, %get3A_104] : memref<1024x8xi32, #tpu.memory_space<vmem>>, vector<1024x1xi32>
    %jit3A = arith.constant 1 : i32
    %jit3A_106 = arith.constant 5 : i32
    %max3A = vector.broadcast %jit3A : i32 to vector<1024x1xi32>
    %max3A_107 = arith.maxsi %max3A, %get3A_105 : vector<1024x1xi32>
    %min3A = vector.broadcast %jit3A_106 : i32 to vector<1024x1xi32>
    %min3A_108 = arith.minsi %min3A, %max3A_107 : vector<1024x1xi32>
    %sub3A_109 = arith.constant 1 : i32
    %sub3A_110 = vector.broadcast %sub3A_109 : i32 to vector<1024x1xi32>
    %sub3A_111 = arith.subi %min3A_108, %sub3A_110 : vector<1024x1xi32>
    %eq3A_112 = arith.constant 0 : i32
    %eq3A_113 = vector.broadcast %eq3A_112 : i32 to vector<1024x1xi32>
    %eq3A_114 = arith.cmpi eq, %sub3A_111, %eq3A_113 : vector<1024x1xi32>
    %convert_element_type3A_115 = arith.extui %eq3A_114 : vector<1024x1xi1> to vector<1024x1xi32>
    %convert_element_type3A_116 = arith.sitofp %convert_element_type3A_115 : vector<1024x1xi32> to vector<1024x1xf32>
    %eq3A_117 = arith.constant 1 : i32
    %eq3A_118 = vector.broadcast %eq3A_117 : i32 to vector<1024x1xi32>
    %eq3A_119 = arith.cmpi eq, %sub3A_111, %eq3A_118 : vector<1024x1xi32>
    %convert_element_type3A_120 = arith.extui %eq3A_119 : vector<1024x1xi1> to vector<1024x1xi32>
    %convert_element_type3A_121 = arith.sitofp %convert_element_type3A_120 : vector<1024x1xi32> to vector<1024x1xf32>
    %eq3A_122 = arith.constant 2 : i32
    %eq3A_123 = vector.broadcast %eq3A_122 : i32 to vector<1024x1xi32>
    %eq3A_124 = arith.cmpi eq, %sub3A_111, %eq3A_123 : vector<1024x1xi32>
    %convert_element_type3A_125 = arith.extui %eq3A_124 : vector<1024x1xi1> to vector<1024x1xi32>
    %convert_element_type3A_126 = arith.sitofp %convert_element_type3A_125 : vector<1024x1xi32> to vector<1024x1xf32>
    %eq3A_127 = arith.constant 3 : i32
    %eq3A_128 = vector.broadcast %eq3A_127 : i32 to vector<1024x1xi32>
    %eq3A_129 = arith.cmpi eq, %sub3A_111, %eq3A_128 : vector<1024x1xi32>
    %convert_element_type3A_130 = arith.extui %eq3A_129 : vector<1024x1xi1> to vector<1024x1xi32>
    %convert_element_type3A_131 = arith.sitofp %convert_element_type3A_130 : vector<1024x1xi32> to vector<1024x1xf32>
    %eq3A_132 = arith.constant 4 : i32
    %eq3A_133 = vector.broadcast %eq3A_132 : i32 to vector<1024x1xi32>
    %eq3A_134 = arith.cmpi eq, %sub3A_111, %eq3A_133 : vector<1024x1xi32>
    %convert_element_type3A_135 = arith.extui %eq3A_134 : vector<1024x1xi1> to vector<1024x1xi32>
    %convert_element_type3A_136 = arith.sitofp %convert_element_type3A_135 : vector<1024x1xi32> to vector<1024x1xf32>
    %broadcast_in_dim3A = arith.constant 0.000000e+00 : f32
    %broadcast_in_dim3A_137 = vector.broadcast %broadcast_in_dim3A : f32 to vector<1024x128xf32>
    %broadcast_in_dim3A_138 = arith.constant 0.000000e+00 : f32
    %broadcast_in_dim3A_139 = vector.broadcast %broadcast_in_dim3A_138 : f32 to vector<1024x128xf32>
    %broadcast_in_dim3A_140 = arith.constant 0.000000e+00 : f32
    %broadcast_in_dim3A_141 = vector.broadcast %broadcast_in_dim3A_140 : f32 to vector<1024x128xf32>
    %slice3A_142 = vector.extract_strided_slice %slice3A {offsets = [0, 0], sizes = [1024, 512], strides = [1, 1]} : vector<1024x1024xf32> to vector<1024x512xf32>
    %convert_element_type3A_143 = arith.truncf %broadcast_in_dim3A_137 : vector<1024x128xf32> to vector<1024x128xbf16>
    %get3A_144 = arith.constant 0 : index
    %get3A_145 = arith.constant 0 : index
    %get3A_146 = vector.load %arg8[%get3A_144, %get3A_145] : memref<128x512xbf16, #tpu.memory_space<vmem>>, vector<128x512xbf16>
    %dot_general3A_147 = arith.constant dense<0.000000e+00> : vector<1024x512xf32>
    %dot_general3A_148 = tpu.matmul %convert_element_type3A_143, %get3A_146, %dot_general3A_147 {dimension_numbers = #tpu.dot_dimension_numbers<[1], [0], [0], [1], [0, 0, 1, 1], [], []>, transpose_lhs_hint = false} : vector<1024x128xbf16>, vector<128x512xbf16>, vector<1024x512xf32> -> vector<1024x512xf32>
    %add3A_149 = arith.addf %slice3A_142, %dot_general3A_148 : vector<1024x512xf32>
    %slice3A_150 = vector.extract_strided_slice %add3A_149 {offsets = [0, 0], sizes = [1024, 128], strides = [1, 1]} : vector<1024x512xf32> to vector<1024x128xf32>
    %tanh3A = math.tanh %slice3A_150 : vector<1024x128xf32>
    %mul3A = arith.constant 5.000000e-01 : f32
    %mul3A_151 = vector.broadcast %mul3A : f32 to vector<1024x128xf32>
    %mul3A_152 = arith.mulf %mul3A_151, %tanh3A : vector<1024x128xf32>
    %add3A_153 = arith.constant 5.000000e-01 : f32
    %add3A_154 = vector.broadcast %add3A_153 : f32 to vector<1024x128xf32>
    %add3A_155 = arith.addf %mul3A_152, %add3A_154 : vector<1024x128xf32>
    %slice3A_156 = vector.extract_strided_slice %add3A_149 {offsets = [0, 128], sizes = [1024, 128], strides = [1, 1]} : vector<1024x512xf32> to vector<1024x128xf32>
    %tanh3A_157 = math.tanh %slice3A_156 : vector<1024x128xf32>
    %mul3A_158 = arith.constant 5.000000e-01 : f32
    %mul3A_159 = vector.broadcast %mul3A_158 : f32 to vector<1024x128xf32>
    %mul3A_160 = arith.mulf %mul3A_159, %tanh3A_157 : vector<1024x128xf32>
    %add3A_161 = arith.constant 5.000000e-01 : f32
    %add3A_162 = vector.broadcast %add3A_161 : f32 to vector<1024x128xf32>
    %add3A_163 = arith.addf %mul3A_160, %add3A_162 : vector<1024x128xf32>
    %slice3A_164 = vector.extract_strided_slice %add3A_149 {offsets = [0, 256], sizes = [1024, 128], strides = [1, 1]} : vector<1024x512xf32> to vector<1024x128xf32>
    %tanh3A_165 = math.tanh %slice3A_164 : vector<1024x128xf32>
    %slice3A_166 = vector.extract_strided_slice %add3A_149 {offsets = [0, 384], sizes = [1024, 128], strides = [1, 1]} : vector<1024x512xf32> to vector<1024x128xf32>
    %tanh3A_167 = math.tanh %slice3A_166 : vector<1024x128xf32>
    %mul3A_168 = arith.constant 5.000000e-01 : f32
    %mul3A_169 = vector.broadcast %mul3A_168 : f32 to vector<1024x128xf32>
    %mul3A_170 = arith.mulf %mul3A_169, %tanh3A_167 : vector<1024x128xf32>
    %add3A_171 = arith.constant 5.000000e-01 : f32
    %add3A_172 = vector.broadcast %add3A_171 : f32 to vector<1024x128xf32>
    %add3A_173 = arith.addf %mul3A_170, %add3A_172 : vector<1024x128xf32>
    %mul3A_174 = arith.mulf %add3A_163, %broadcast_in_dim3A_139 : vector<1024x128xf32>
    %mul3A_175 = arith.mulf %add3A_155, %tanh3A_165 : vector<1024x128xf32>
    %add3A_176 = arith.addf %mul3A_174, %mul3A_175 : vector<1024x128xf32>
    %tanh3A_177 = math.tanh %add3A_176 : vector<1024x128xf32>
    %mul3A_178 = arith.mulf %add3A_173, %tanh3A_177 : vector<1024x128xf32>
    %mul3A_179 = vector.broadcast %convert_element_type3A_116 : vector<1024x1xf32> to vector<1024x128xf32>
    %mul3A_180 = arith.mulf %mul3A_179, %mul3A_178 : vector<1024x128xf32>
    %add3A_181 = arith.addf %broadcast_in_dim3A_141, %mul3A_180 : vector<1024x128xf32>
    %slice3A_182 = vector.extract_strided_slice %slice3A_99 {offsets = [0, 0], sizes = [1024, 512], strides = [1, 1]} : vector<1024x1024xf32> to vector<1024x512xf32>
    %convert_element_type3A_183 = arith.truncf %mul3A_178 : vector<1024x128xf32> to vector<1024x128xbf16>
    %get3A_184 = arith.constant 0 : index
    %get3A_185 = arith.constant 0 : index
    %get3A_186 = vector.load %arg8[%get3A_184, %get3A_185] : memref<128x512xbf16, #tpu.memory_space<vmem>>, vector<128x512xbf16>
    %dot_general3A_187 = arith.constant dense<0.000000e+00> : vector<1024x512xf32>
    %dot_general3A_188 = tpu.matmul %convert_element_type3A_183, %get3A_186, %dot_general3A_187 {dimension_numbers = #tpu.dot_dimension_numbers<[1], [0], [0], [1], [0, 0, 1, 1], [], []>, transpose_lhs_hint = false} : vector<1024x128xbf16>, vector<128x512xbf16>, vector<1024x512xf32> -> vector<1024x512xf32>
    %add3A_189 = arith.addf %slice3A_182, %dot_general3A_188 : vector<1024x512xf32>
    %slice3A_190 = vector.extract_strided_slice %add3A_189 {offsets = [0, 0], sizes = [1024, 128], strides = [1, 1]} : vector<1024x512xf32> to vector<1024x128xf32>
    %tanh3A_191 = math.tanh %slice3A_190 : vector<1024x128xf32>
    %mul3A_192 = arith.constant 5.000000e-01 : f32
    %mul3A_193 = vector.broadcast %mul3A_192 : f32 to vector<1024x128xf32>
    %mul3A_194 = arith.mulf %mul3A_193, %tanh3A_191 : vector<1024x128xf32>
    %add3A_195 = arith.constant 5.000000e-01 : f32
    %add3A_196 = vector.broadcast %add3A_195 : f32 to vector<1024x128xf32>
    %add3A_197 = arith.addf %mul3A_194, %add3A_196 : vector<1024x128xf32>
    %slice3A_198 = vector.extract_strided_slice %add3A_189 {offsets = [0, 128], sizes = [1024, 128], strides = [1, 1]} : vector<1024x512xf32> to vector<1024x128xf32>
    %tanh3A_199 = math.tanh %slice3A_198 : vector<1024x128xf32>
    %mul3A_200 = arith.constant 5.000000e-01 : f32
    %mul3A_201 = vector.broadcast %mul3A_200 : f32 to vector<1024x128xf32>
    %mul3A_202 = arith.mulf %mul3A_201, %tanh3A_199 : vector<1024x128xf32>
    %add3A_203 = arith.constant 5.000000e-01 : f32
    %add3A_204 = vector.broadcast %add3A_203 : f32 to vector<1024x128xf32>
    %add3A_205 = arith.addf %mul3A_202, %add3A_204 : vector<1024x128xf32>
    %slice3A_206 = vector.extract_strided_slice %add3A_189 {offsets = [0, 256], sizes = [1024, 128], strides = [1, 1]} : vector<1024x512xf32> to vector<1024x128xf32>
    %tanh3A_207 = math.tanh %slice3A_206 : vector<1024x128xf32>
    %slice3A_208 = vector.extract_strided_slice %add3A_189 {offsets = [0, 384], sizes = [1024, 128], strides = [1, 1]} : vector<1024x512xf32> to vector<1024x128xf32>
    %tanh3A_209 = math.tanh %slice3A_208 : vector<1024x128xf32>
    %mul3A_210 = arith.constant 5.000000e-01 : f32
    %mul3A_211 = vector.broadcast %mul3A_210 : f32 to vector<1024x128xf32>
    %mul3A_212 = arith.mulf %mul3A_211, %tanh3A_209 : vector<1024x128xf32>
    %add3A_213 = arith.constant 5.000000e-01 : f32
    %add3A_214 = vector.broadcast %add3A_213 : f32 to vector<1024x128xf32>
    %add3A_215 = arith.addf %mul3A_212, %add3A_214 : vector<1024x128xf32>
    %mul3A_216 = arith.mulf %add3A_205, %add3A_176 : vector<1024x128xf32>
    %mul3A_217 = arith.mulf %add3A_197, %tanh3A_207 : vector<1024x128xf32>
    %add3A_218 = arith.addf %mul3A_216, %mul3A_217 : vector<1024x128xf32>
    %tanh3A_219 = math.tanh %add3A_218 : vector<1024x128xf32>
    %mul3A_220 = arith.mulf %add3A_215, %tanh3A_219 : vector<1024x128xf32>
    %mul3A_221 = vector.broadcast %convert_element_type3A_121 : vector<1024x1xf32> to vector<1024x128xf32>
    %mul3A_222 = arith.mulf %mul3A_221, %mul3A_220 : vector<1024x128xf32>
    %add3A_223 = arith.addf %add3A_181, %mul3A_222 : vector<1024x128xf32>
    %slice3A_224 = vector.extract_strided_slice %slice3A_100 {offsets = [0, 0], sizes = [1024, 512], strides = [1, 1]} : vector<1024x1024xf32> to vector<1024x512xf32>
    %convert_element_type3A_225 = arith.truncf %mul3A_220 : vector<1024x128xf32> to vector<1024x128xbf16>
    %get3A_226 = arith.constant 0 : index
    %get3A_227 = arith.constant 0 : index
    %get3A_228 = vector.load %arg8[%get3A_226, %get3A_227] : memref<128x512xbf16, #tpu.memory_space<vmem>>, vector<128x512xbf16>
    %dot_general3A_229 = arith.constant dense<0.000000e+00> : vector<1024x512xf32>
    %dot_general3A_230 = tpu.matmul %convert_element_type3A_225, %get3A_228, %dot_general3A_229 {dimension_numbers = #tpu.dot_dimension_numbers<[1], [0], [0], [1], [0, 0, 1, 1], [], []>, transpose_lhs_hint = false} : vector<1024x128xbf16>, vector<128x512xbf16>, vector<1024x512xf32> -> vector<1024x512xf32>
    %add3A_231 = arith.addf %slice3A_224, %dot_general3A_230 : vector<1024x512xf32>
    %slice3A_232 = vector.extract_strided_slice %add3A_231 {offsets = [0, 0], sizes = [1024, 128], strides = [1, 1]} : vector<1024x512xf32> to vector<1024x128xf32>
    %tanh3A_233 = math.tanh %slice3A_232 : vector<1024x128xf32>
    %mul3A_234 = arith.constant 5.000000e-01 : f32
    %mul3A_235 = vector.broadcast %mul3A_234 : f32 to vector<1024x128xf32>
    %mul3A_236 = arith.mulf %mul3A_235, %tanh3A_233 : vector<1024x128xf32>
    %add3A_237 = arith.constant 5.000000e-01 : f32
    %add3A_238 = vector.broadcast %add3A_237 : f32 to vector<1024x128xf32>
    %add3A_239 = arith.addf %mul3A_236, %add3A_238 : vector<1024x128xf32>
    %slice3A_240 = vector.extract_strided_slice %add3A_231 {offsets = [0, 128], sizes = [1024, 128], strides = [1, 1]} : vector<1024x512xf32> to vector<1024x128xf32>
    %tanh3A_241 = math.tanh %slice3A_240 : vector<1024x128xf32>
    %mul3A_242 = arith.constant 5.000000e-01 : f32
    %mul3A_243 = vector.broadcast %mul3A_242 : f32 to vector<1024x128xf32>
    %mul3A_244 = arith.mulf %mul3A_243, %tanh3A_241 : vector<1024x128xf32>
    %add3A_245 = arith.constant 5.000000e-01 : f32
    %add3A_246 = vector.broadcast %add3A_245 : f32 to vector<1024x128xf32>
    %add3A_247 = arith.addf %mul3A_244, %add3A_246 : vector<1024x128xf32>
    %slice3A_248 = vector.extract_strided_slice %add3A_231 {offsets = [0, 256], sizes = [1024, 128], strides = [1, 1]} : vector<1024x512xf32> to vector<1024x128xf32>
    %tanh3A_249 = math.tanh %slice3A_248 : vector<1024x128xf32>
    %slice3A_250 = vector.extract_strided_slice %add3A_231 {offsets = [0, 384], sizes = [1024, 128], strides = [1, 1]} : vector<1024x512xf32> to vector<1024x128xf32>
    %tanh3A_251 = math.tanh %slice3A_250 : vector<1024x128xf32>
    %mul3A_252 = arith.constant 5.000000e-01 : f32
    %mul3A_253 = vector.broadcast %mul3A_252 : f32 to vector<1024x128xf32>
    %mul3A_254 = arith.mulf %mul3A_253, %tanh3A_251 : vector<1024x128xf32>
    %add3A_255 = arith.constant 5.000000e-01 : f32
    %add3A_256 = vector.broadcast %add3A_255 : f32 to vector<1024x128xf32>
    %add3A_257 = arith.addf %mul3A_254, %add3A_256 : vector<1024x128xf32>
    %mul3A_258 = arith.mulf %add3A_247, %add3A_218 : vector<1024x128xf32>
    %mul3A_259 = arith.mulf %add3A_239, %tanh3A_249 : vector<1024x128xf32>
    %add3A_260 = arith.addf %mul3A_258, %mul3A_259 : vector<1024x128xf32>
    %tanh3A_261 = math.tanh %add3A_260 : vector<1024x128xf32>
    %mul3A_262 = arith.mulf %add3A_257, %tanh3A_261 : vector<1024x128xf32>
    %mul3A_263 = vector.broadcast %convert_element_type3A_126 : vector<1024x1xf32> to vector<1024x128xf32>
    %mul3A_264 = arith.mulf %mul3A_263, %mul3A_262 : vector<1024x128xf32>
    %add3A_265 = arith.addf %add3A_223, %mul3A_264 : vector<1024x128xf32>
    %slice3A_266 = vector.extract_strided_slice %slice3A_101 {offsets = [0, 0], sizes = [1024, 512], strides = [1, 1]} : vector<1024x1024xf32> to vector<1024x512xf32>
    %convert_element_type3A_267 = arith.truncf %mul3A_262 : vector<1024x128xf32> to vector<1024x128xbf16>
    %get3A_268 = arith.constant 0 : index
    %get3A_269 = arith.constant 0 : index
    %get3A_270 = vector.load %arg8[%get3A_268, %get3A_269] : memref<128x512xbf16, #tpu.memory_space<vmem>>, vector<128x512xbf16>
    %dot_general3A_271 = arith.constant dense<0.000000e+00> : vector<1024x512xf32>
    %dot_general3A_272 = tpu.matmul %convert_element_type3A_267, %get3A_270, %dot_general3A_271 {dimension_numbers = #tpu.dot_dimension_numbers<[1], [0], [0], [1], [0, 0, 1, 1], [], []>, transpose_lhs_hint = false} : vector<1024x128xbf16>, vector<128x512xbf16>, vector<1024x512xf32> -> vector<1024x512xf32>
    %add3A_273 = arith.addf %slice3A_266, %dot_general3A_272 : vector<1024x512xf32>
    %slice3A_274 = vector.extract_strided_slice %add3A_273 {offsets = [0, 0], sizes = [1024, 128], strides = [1, 1]} : vector<1024x512xf32> to vector<1024x128xf32>
    %tanh3A_275 = math.tanh %slice3A_274 : vector<1024x128xf32>
    %mul3A_276 = arith.constant 5.000000e-01 : f32
    %mul3A_277 = vector.broadcast %mul3A_276 : f32 to vector<1024x128xf32>
    %mul3A_278 = arith.mulf %mul3A_277, %tanh3A_275 : vector<1024x128xf32>
    %add3A_279 = arith.constant 5.000000e-01 : f32
    %add3A_280 = vector.broadcast %add3A_279 : f32 to vector<1024x128xf32>
    %add3A_281 = arith.addf %mul3A_278, %add3A_280 : vector<1024x128xf32>
    %slice3A_282 = vector.extract_strided_slice %add3A_273 {offsets = [0, 128], sizes = [1024, 128], strides = [1, 1]} : vector<1024x512xf32> to vector<1024x128xf32>
    %tanh3A_283 = math.tanh %slice3A_282 : vector<1024x128xf32>
    %mul3A_284 = arith.constant 5.000000e-01 : f32
    %mul3A_285 = vector.broadcast %mul3A_284 : f32 to vector<1024x128xf32>
    %mul3A_286 = arith.mulf %mul3A_285, %tanh3A_283 : vector<1024x128xf32>
    %add3A_287 = arith.constant 5.000000e-01 : f32
    %add3A_288 = vector.broadcast %add3A_287 : f32 to vector<1024x128xf32>
    %add3A_289 = arith.addf %mul3A_286, %add3A_288 : vector<1024x128xf32>
    %slice3A_290 = vector.extract_strided_slice %add3A_273 {offsets = [0, 256], sizes = [1024, 128], strides = [1, 1]} : vector<1024x512xf32> to vector<1024x128xf32>
    %tanh3A_291 = math.tanh %slice3A_290 : vector<1024x128xf32>
    %slice3A_292 = vector.extract_strided_slice %add3A_273 {offsets = [0, 384], sizes = [1024, 128], strides = [1, 1]} : vector<1024x512xf32> to vector<1024x128xf32>
    %tanh3A_293 = math.tanh %slice3A_292 : vector<1024x128xf32>
    %mul3A_294 = arith.constant 5.000000e-01 : f32
    %mul3A_295 = vector.broadcast %mul3A_294 : f32 to vector<1024x128xf32>
    %mul3A_296 = arith.mulf %mul3A_295, %tanh3A_293 : vector<1024x128xf32>
    %add3A_297 = arith.constant 5.000000e-01 : f32
    %add3A_298 = vector.broadcast %add3A_297 : f32 to vector<1024x128xf32>
    %add3A_299 = arith.addf %mul3A_296, %add3A_298 : vector<1024x128xf32>
    %mul3A_300 = arith.mulf %add3A_289, %add3A_260 : vector<1024x128xf32>
    %mul3A_301 = arith.mulf %add3A_281, %tanh3A_291 : vector<1024x128xf32>
    %add3A_302 = arith.addf %mul3A_300, %mul3A_301 : vector<1024x128xf32>
    %tanh3A_303 = math.tanh %add3A_302 : vector<1024x128xf32>
    %mul3A_304 = arith.mulf %add3A_299, %tanh3A_303 : vector<1024x128xf32>
    %mul3A_305 = vector.broadcast %convert_element_type3A_131 : vector<1024x1xf32> to vector<1024x128xf32>
    %mul3A_306 = arith.mulf %mul3A_305, %mul3A_304 : vector<1024x128xf32>
    %add3A_307 = arith.addf %add3A_265, %mul3A_306 : vector<1024x128xf32>
    %slice3A_308 = vector.extract_strided_slice %slice3A_102 {offsets = [0, 0], sizes = [1024, 512], strides = [1, 1]} : vector<1024x1024xf32> to vector<1024x512xf32>
    %convert_element_type3A_309 = arith.truncf %mul3A_304 : vector<1024x128xf32> to vector<1024x128xbf16>
    %get3A_310 = arith.constant 0 : index
    %get3A_311 = arith.constant 0 : index
    %get3A_312 = vector.load %arg8[%get3A_310, %get3A_311] : memref<128x512xbf16, #tpu.memory_space<vmem>>, vector<128x512xbf16>
    %dot_general3A_313 = arith.constant dense<0.000000e+00> : vector<1024x512xf32>
    %dot_general3A_314 = tpu.matmul %convert_element_type3A_309, %get3A_312, %dot_general3A_313 {dimension_numbers = #tpu.dot_dimension_numbers<[1], [0], [0], [1], [0, 0, 1, 1], [], []>, transpose_lhs_hint = false} : vector<1024x128xbf16>, vector<128x512xbf16>, vector<1024x512xf32> -> vector<1024x512xf32>
    %add3A_315 = arith.addf %slice3A_308, %dot_general3A_314 : vector<1024x512xf32>
    %slice3A_316 = vector.extract_strided_slice %add3A_315 {offsets = [0, 0], sizes = [1024, 128], strides = [1, 1]} : vector<1024x512xf32> to vector<1024x128xf32>
    %tanh3A_317 = math.tanh %slice3A_316 : vector<1024x128xf32>
    %mul3A_318 = arith.constant 5.000000e-01 : f32
    %mul3A_319 = vector.broadcast %mul3A_318 : f32 to vector<1024x128xf32>
    %mul3A_320 = arith.mulf %mul3A_319, %tanh3A_317 : vector<1024x128xf32>
    %add3A_321 = arith.constant 5.000000e-01 : f32
    %add3A_322 = vector.broadcast %add3A_321 : f32 to vector<1024x128xf32>
    %add3A_323 = arith.addf %mul3A_320, %add3A_322 : vector<1024x128xf32>
    %slice3A_324 = vector.extract_strided_slice %add3A_315 {offsets = [0, 128], sizes = [1024, 128], strides = [1, 1]} : vector<1024x512xf32> to vector<1024x128xf32>
    %tanh3A_325 = math.tanh %slice3A_324 : vector<1024x128xf32>
    %mul3A_326 = arith.constant 5.000000e-01 : f32
    %mul3A_327 = vector.broadcast %mul3A_326 : f32 to vector<1024x128xf32>
    %mul3A_328 = arith.mulf %mul3A_327, %tanh3A_325 : vector<1024x128xf32>
    %add3A_329 = arith.constant 5.000000e-01 : f32
    %add3A_330 = vector.broadcast %add3A_329 : f32 to vector<1024x128xf32>
    %add3A_331 = arith.addf %mul3A_328, %add3A_330 : vector<1024x128xf32>
    %slice3A_332 = vector.extract_strided_slice %add3A_315 {offsets = [0, 256], sizes = [1024, 128], strides = [1, 1]} : vector<1024x512xf32> to vector<1024x128xf32>
    %tanh3A_333 = math.tanh %slice3A_332 : vector<1024x128xf32>
    %slice3A_334 = vector.extract_strided_slice %add3A_315 {offsets = [0, 384], sizes = [1024, 128], strides = [1, 1]} : vector<1024x512xf32> to vector<1024x128xf32>
    %tanh3A_335 = math.tanh %slice3A_334 : vector<1024x128xf32>
    %mul3A_336 = arith.constant 5.000000e-01 : f32
    %mul3A_337 = vector.broadcast %mul3A_336 : f32 to vector<1024x128xf32>
    %mul3A_338 = arith.mulf %mul3A_337, %tanh3A_335 : vector<1024x128xf32>
    %add3A_339 = arith.constant 5.000000e-01 : f32
    %add3A_340 = vector.broadcast %add3A_339 : f32 to vector<1024x128xf32>
    %add3A_341 = arith.addf %mul3A_338, %add3A_340 : vector<1024x128xf32>
    %mul3A_342 = arith.mulf %add3A_331, %add3A_302 : vector<1024x128xf32>
    %mul3A_343 = arith.mulf %add3A_323, %tanh3A_333 : vector<1024x128xf32>
    %add3A_344 = arith.addf %mul3A_342, %mul3A_343 : vector<1024x128xf32>
    %tanh3A_345 = math.tanh %add3A_344 : vector<1024x128xf32>
    %mul3A_346 = arith.mulf %add3A_341, %tanh3A_345 : vector<1024x128xf32>
    %mul3A_347 = vector.broadcast %convert_element_type3A_136 : vector<1024x1xf32> to vector<1024x128xf32>
    %mul3A_348 = arith.mulf %mul3A_347, %mul3A_346 : vector<1024x128xf32>
    %add3A_349 = arith.addf %add3A_307, %mul3A_348 : vector<1024x128xf32>
    %broadcast_in_dim3A_350 = arith.constant 0.000000e+00 : f32
    %broadcast_in_dim3A_351 = vector.broadcast %broadcast_in_dim3A_350 : f32 to vector<1024x128xf32>
    %broadcast_in_dim3A_352 = arith.constant 0.000000e+00 : f32
    %broadcast_in_dim3A_353 = vector.broadcast %broadcast_in_dim3A_352 : f32 to vector<1024x128xf32>
    %broadcast_in_dim3A_354 = arith.constant 0.000000e+00 : f32
    %broadcast_in_dim3A_355 = vector.broadcast %broadcast_in_dim3A_354 : f32 to vector<1024x128xf32>
    %slice3A_356 = vector.extract_strided_slice %slice3A_102 {offsets = [0, 512], sizes = [1024, 512], strides = [1, 1]} : vector<1024x1024xf32> to vector<1024x512xf32>
    %convert_element_type3A_357 = arith.truncf %broadcast_in_dim3A_351 : vector<1024x128xf32> to vector<1024x128xbf16>
    %get3A_358 = arith.constant 0 : index
    %get3A_359 = arith.constant 0 : index
    %get3A_360 = vector.load %arg9[%get3A_358, %get3A_359] : memref<128x512xbf16, #tpu.memory_space<vmem>>, vector<128x512xbf16>
    %dot_general3A_361 = arith.constant dense<0.000000e+00> : vector<1024x512xf32>
    %dot_general3A_362 = tpu.matmul %convert_element_type3A_357, %get3A_360, %dot_general3A_361 {dimension_numbers = #tpu.dot_dimension_numbers<[1], [0], [0], [1], [0, 0, 1, 1], [], []>, transpose_lhs_hint = false} : vector<1024x128xbf16>, vector<128x512xbf16>, vector<1024x512xf32> -> vector<1024x512xf32>
    %add3A_363 = arith.addf %slice3A_356, %dot_general3A_362 : vector<1024x512xf32>
    %slice3A_364 = vector.extract_strided_slice %add3A_363 {offsets = [0, 0], sizes = [1024, 128], strides = [1, 1]} : vector<1024x512xf32> to vector<1024x128xf32>
    %tanh3A_365 = math.tanh %slice3A_364 : vector<1024x128xf32>
    %mul3A_366 = arith.constant 5.000000e-01 : f32
    %mul3A_367 = vector.broadcast %mul3A_366 : f32 to vector<1024x128xf32>
    %mul3A_368 = arith.mulf %mul3A_367, %tanh3A_365 : vector<1024x128xf32>
    %add3A_369 = arith.constant 5.000000e-01 : f32
    %add3A_370 = vector.broadcast %add3A_369 : f32 to vector<1024x128xf32>
    %add3A_371 = arith.addf %mul3A_368, %add3A_370 : vector<1024x128xf32>
    %slice3A_372 = vector.extract_strided_slice %add3A_363 {offsets = [0, 128], sizes = [1024, 128], strides = [1, 1]} : vector<1024x512xf32> to vector<1024x128xf32>
    %tanh3A_373 = math.tanh %slice3A_372 : vector<1024x128xf32>
    %mul3A_374 = arith.constant 5.000000e-01 : f32
    %mul3A_375 = vector.broadcast %mul3A_374 : f32 to vector<1024x128xf32>
    %mul3A_376 = arith.mulf %mul3A_375, %tanh3A_373 : vector<1024x128xf32>
    %add3A_377 = arith.constant 5.000000e-01 : f32
    %add3A_378 = vector.broadcast %add3A_377 : f32 to vector<1024x128xf32>
    %add3A_379 = arith.addf %mul3A_376, %add3A_378 : vector<1024x128xf32>
    %slice3A_380 = vector.extract_strided_slice %add3A_363 {offsets = [0, 256], sizes = [1024, 128], strides = [1, 1]} : vector<1024x512xf32> to vector<1024x128xf32>
    %tanh3A_381 = math.tanh %slice3A_380 : vector<1024x128xf32>
    %slice3A_382 = vector.extract_strided_slice %add3A_363 {offsets = [0, 384], sizes = [1024, 128], strides = [1, 1]} : vector<1024x512xf32> to vector<1024x128xf32>
    %tanh3A_383 = math.tanh %slice3A_382 : vector<1024x128xf32>
    %mul3A_384 = arith.constant 5.000000e-01 : f32
    %mul3A_385 = vector.broadcast %mul3A_384 : f32 to vector<1024x128xf32>
    %mul3A_386 = arith.mulf %mul3A_385, %tanh3A_383 : vector<1024x128xf32>
    %add3A_387 = arith.constant 5.000000e-01 : f32
    %add3A_388 = vector.broadcast %add3A_387 : f32 to vector<1024x128xf32>
    %add3A_389 = arith.addf %mul3A_386, %add3A_388 : vector<1024x128xf32>
    %mul3A_390 = arith.mulf %add3A_379, %broadcast_in_dim3A_353 : vector<1024x128xf32>
    %mul3A_391 = arith.mulf %add3A_371, %tanh3A_381 : vector<1024x128xf32>
    %add3A_392 = arith.addf %mul3A_390, %mul3A_391 : vector<1024x128xf32>
    %tanh3A_393 = math.tanh %add3A_392 : vector<1024x128xf32>
    %mul3A_394 = arith.mulf %add3A_389, %tanh3A_393 : vector<1024x128xf32>
    %mul3A_395 = vector.broadcast %convert_element_type3A_136 : vector<1024x1xf32> to vector<1024x128xf32>
    %mul3A_396 = arith.mulf %mul3A_395, %mul3A_394 : vector<1024x128xf32>
    %add3A_397 = arith.addf %broadcast_in_dim3A_355, %mul3A_396 : vector<1024x128xf32>
    %slice3A_398 = vector.extract_strided_slice %slice3A_101 {offsets = [0, 512], sizes = [1024, 512], strides = [1, 1]} : vector<1024x1024xf32> to vector<1024x512xf32>
    %convert_element_type3A_399 = arith.truncf %mul3A_394 : vector<1024x128xf32> to vector<1024x128xbf16>
    %get3A_400 = arith.constant 0 : index
    %get3A_401 = arith.constant 0 : index
    %get3A_402 = vector.load %arg9[%get3A_400, %get3A_401] : memref<128x512xbf16, #tpu.memory_space<vmem>>, vector<128x512xbf16>
    %dot_general3A_403 = arith.constant dense<0.000000e+00> : vector<1024x512xf32>
    %dot_general3A_404 = tpu.matmul %convert_element_type3A_399, %get3A_402, %dot_general3A_403 {dimension_numbers = #tpu.dot_dimension_numbers<[1], [0], [0], [1], [0, 0, 1, 1], [], []>, transpose_lhs_hint = false} : vector<1024x128xbf16>, vector<128x512xbf16>, vector<1024x512xf32> -> vector<1024x512xf32>
    %add3A_405 = arith.addf %slice3A_398, %dot_general3A_404 : vector<1024x512xf32>
    %slice3A_406 = vector.extract_strided_slice %add3A_405 {offsets = [0, 0], sizes = [1024, 128], strides = [1, 1]} : vector<1024x512xf32> to vector<1024x128xf32>
    %tanh3A_407 = math.tanh %slice3A_406 : vector<1024x128xf32>
    %mul3A_408 = arith.constant 5.000000e-01 : f32
    %mul3A_409 = vector.broadcast %mul3A_408 : f32 to vector<1024x128xf32>
    %mul3A_410 = arith.mulf %mul3A_409, %tanh3A_407 : vector<1024x128xf32>
    %add3A_411 = arith.constant 5.000000e-01 : f32
    %add3A_412 = vector.broadcast %add3A_411 : f32 to vector<1024x128xf32>
    %add3A_413 = arith.addf %mul3A_410, %add3A_412 : vector<1024x128xf32>
    %slice3A_414 = vector.extract_strided_slice %add3A_405 {offsets = [0, 128], sizes = [1024, 128], strides = [1, 1]} : vector<1024x512xf32> to vector<1024x128xf32>
    %tanh3A_415 = math.tanh %slice3A_414 : vector<1024x128xf32>
    %mul3A_416 = arith.constant 5.000000e-01 : f32
    %mul3A_417 = vector.broadcast %mul3A_416 : f32 to vector<1024x128xf32>
    %mul3A_418 = arith.mulf %mul3A_417, %tanh3A_415 : vector<1024x128xf32>
    %add3A_419 = arith.constant 5.000000e-01 : f32
    %add3A_420 = vector.broadcast %add3A_419 : f32 to vector<1024x128xf32>
    %add3A_421 = arith.addf %mul3A_418, %add3A_420 : vector<1024x128xf32>
    %slice3A_422 = vector.extract_strided_slice %add3A_405 {offsets = [0, 256], sizes = [1024, 128], strides = [1, 1]} : vector<1024x512xf32> to vector<1024x128xf32>
    %tanh3A_423 = math.tanh %slice3A_422 : vector<1024x128xf32>
    %slice3A_424 = vector.extract_strided_slice %add3A_405 {offsets = [0, 384], sizes = [1024, 128], strides = [1, 1]} : vector<1024x512xf32> to vector<1024x128xf32>
    %tanh3A_425 = math.tanh %slice3A_424 : vector<1024x128xf32>
    %mul3A_426 = arith.constant 5.000000e-01 : f32
    %mul3A_427 = vector.broadcast %mul3A_426 : f32 to vector<1024x128xf32>
    %mul3A_428 = arith.mulf %mul3A_427, %tanh3A_425 : vector<1024x128xf32>
    %add3A_429 = arith.constant 5.000000e-01 : f32
    %add3A_430 = vector.broadcast %add3A_429 : f32 to vector<1024x128xf32>
    %add3A_431 = arith.addf %mul3A_428, %add3A_430 : vector<1024x128xf32>
    %mul3A_432 = arith.mulf %add3A_421, %add3A_392 : vector<1024x128xf32>
    %mul3A_433 = arith.mulf %add3A_413, %tanh3A_423 : vector<1024x128xf32>
    %add3A_434 = arith.addf %mul3A_432, %mul3A_433 : vector<1024x128xf32>
    %tanh3A_435 = math.tanh %add3A_434 : vector<1024x128xf32>
    %mul3A_436 = arith.mulf %add3A_431, %tanh3A_435 : vector<1024x128xf32>
    %mul3A_437 = vector.broadcast %convert_element_type3A_131 : vector<1024x1xf32> to vector<1024x128xf32>
    %mul3A_438 = arith.mulf %mul3A_437, %mul3A_436 : vector<1024x128xf32>
    %add3A_439 = arith.addf %add3A_397, %mul3A_438 : vector<1024x128xf32>
    %slice3A_440 = vector.extract_strided_slice %slice3A_100 {offsets = [0, 512], sizes = [1024, 512], strides = [1, 1]} : vector<1024x1024xf32> to vector<1024x512xf32>
    %convert_element_type3A_441 = arith.truncf %mul3A_436 : vector<1024x128xf32> to vector<1024x128xbf16>
    %get3A_442 = arith.constant 0 : index
    %get3A_443 = arith.constant 0 : index
    %get3A_444 = vector.load %arg9[%get3A_442, %get3A_443] : memref<128x512xbf16, #tpu.memory_space<vmem>>, vector<128x512xbf16>
    %dot_general3A_445 = arith.constant dense<0.000000e+00> : vector<1024x512xf32>
    %dot_general3A_446 = tpu.matmul %convert_element_type3A_441, %get3A_444, %dot_general3A_445 {dimension_numbers = #tpu.dot_dimension_numbers<[1], [0], [0], [1], [0, 0, 1, 1], [], []>, transpose_lhs_hint = false} : vector<1024x128xbf16>, vector<128x512xbf16>, vector<1024x512xf32> -> vector<1024x512xf32>
    %add3A_447 = arith.addf %slice3A_440, %dot_general3A_446 : vector<1024x512xf32>
    %slice3A_448 = vector.extract_strided_slice %add3A_447 {offsets = [0, 0], sizes = [1024, 128], strides = [1, 1]} : vector<1024x512xf32> to vector<1024x128xf32>
    %tanh3A_449 = math.tanh %slice3A_448 : vector<1024x128xf32>
    %mul3A_450 = arith.constant 5.000000e-01 : f32
    %mul3A_451 = vector.broadcast %mul3A_450 : f32 to vector<1024x128xf32>
    %mul3A_452 = arith.mulf %mul3A_451, %tanh3A_449 : vector<1024x128xf32>
    %add3A_453 = arith.constant 5.000000e-01 : f32
    %add3A_454 = vector.broadcast %add3A_453 : f32 to vector<1024x128xf32>
    %add3A_455 = arith.addf %mul3A_452, %add3A_454 : vector<1024x128xf32>
    %slice3A_456 = vector.extract_strided_slice %add3A_447 {offsets = [0, 128], sizes = [1024, 128], strides = [1, 1]} : vector<1024x512xf32> to vector<1024x128xf32>
    %tanh3A_457 = math.tanh %slice3A_456 : vector<1024x128xf32>
    %mul3A_458 = arith.constant 5.000000e-01 : f32
    %mul3A_459 = vector.broadcast %mul3A_458 : f32 to vector<1024x128xf32>
    %mul3A_460 = arith.mulf %mul3A_459, %tanh3A_457 : vector<1024x128xf32>
    %add3A_461 = arith.constant 5.000000e-01 : f32
    %add3A_462 = vector.broadcast %add3A_461 : f32 to vector<1024x128xf32>
    %add3A_463 = arith.addf %mul3A_460, %add3A_462 : vector<1024x128xf32>
    %slice3A_464 = vector.extract_strided_slice %add3A_447 {offsets = [0, 256], sizes = [1024, 128], strides = [1, 1]} : vector<1024x512xf32> to vector<1024x128xf32>
    %tanh3A_465 = math.tanh %slice3A_464 : vector<1024x128xf32>
    %slice3A_466 = vector.extract_strided_slice %add3A_447 {offsets = [0, 384], sizes = [1024, 128], strides = [1, 1]} : vector<1024x512xf32> to vector<1024x128xf32>
    %tanh3A_467 = math.tanh %slice3A_466 : vector<1024x128xf32>
    %mul3A_468 = arith.constant 5.000000e-01 : f32
    %mul3A_469 = vector.broadcast %mul3A_468 : f32 to vector<1024x128xf32>
    %mul3A_470 = arith.mulf %mul3A_469, %tanh3A_467 : vector<1024x128xf32>
    %add3A_471 = arith.constant 5.000000e-01 : f32
    %add3A_472 = vector.broadcast %add3A_471 : f32 to vector<1024x128xf32>
    %add3A_473 = arith.addf %mul3A_470, %add3A_472 : vector<1024x128xf32>
    %mul3A_474 = arith.mulf %add3A_463, %add3A_434 : vector<1024x128xf32>
    %mul3A_475 = arith.mulf %add3A_455, %tanh3A_465 : vector<1024x128xf32>
    %add3A_476 = arith.addf %mul3A_474, %mul3A_475 : vector<1024x128xf32>
    %tanh3A_477 = math.tanh %add3A_476 : vector<1024x128xf32>
    %mul3A_478 = arith.mulf %add3A_473, %tanh3A_477 : vector<1024x128xf32>
    %mul3A_479 = vector.broadcast %convert_element_type3A_126 : vector<1024x1xf32> to vector<1024x128xf32>
    %mul3A_480 = arith.mulf %mul3A_479, %mul3A_478 : vector<1024x128xf32>
    %add3A_481 = arith.addf %add3A_439, %mul3A_480 : vector<1024x128xf32>
    %slice3A_482 = vector.extract_strided_slice %slice3A_99 {offsets = [0, 512], sizes = [1024, 512], strides = [1, 1]} : vector<1024x1024xf32> to vector<1024x512xf32>
    %convert_element_type3A_483 = arith.truncf %mul3A_478 : vector<1024x128xf32> to vector<1024x128xbf16>
    %get3A_484 = arith.constant 0 : index
    %get3A_485 = arith.constant 0 : index
    %get3A_486 = vector.load %arg9[%get3A_484, %get3A_485] : memref<128x512xbf16, #tpu.memory_space<vmem>>, vector<128x512xbf16>
    %dot_general3A_487 = arith.constant dense<0.000000e+00> : vector<1024x512xf32>
    %dot_general3A_488 = tpu.matmul %convert_element_type3A_483, %get3A_486, %dot_general3A_487 {dimension_numbers = #tpu.dot_dimension_numbers<[1], [0], [0], [1], [0, 0, 1, 1], [], []>, transpose_lhs_hint = false} : vector<1024x128xbf16>, vector<128x512xbf16>, vector<1024x512xf32> -> vector<1024x512xf32>
    %add3A_489 = arith.addf %slice3A_482, %dot_general3A_488 : vector<1024x512xf32>
    %slice3A_490 = vector.extract_strided_slice %add3A_489 {offsets = [0, 0], sizes = [1024, 128], strides = [1, 1]} : vector<1024x512xf32> to vector<1024x128xf32>
    %tanh3A_491 = math.tanh %slice3A_490 : vector<1024x128xf32>
    %mul3A_492 = arith.constant 5.000000e-01 : f32
    %mul3A_493 = vector.broadcast %mul3A_492 : f32 to vector<1024x128xf32>
    %mul3A_494 = arith.mulf %mul3A_493, %tanh3A_491 : vector<1024x128xf32>
    %add3A_495 = arith.constant 5.000000e-01 : f32
    %add3A_496 = vector.broadcast %add3A_495 : f32 to vector<1024x128xf32>
    %add3A_497 = arith.addf %mul3A_494, %add3A_496 : vector<1024x128xf32>
    %slice3A_498 = vector.extract_strided_slice %add3A_489 {offsets = [0, 128], sizes = [1024, 128], strides = [1, 1]} : vector<1024x512xf32> to vector<1024x128xf32>
    %tanh3A_499 = math.tanh %slice3A_498 : vector<1024x128xf32>
    %mul3A_500 = arith.constant 5.000000e-01 : f32
    %mul3A_501 = vector.broadcast %mul3A_500 : f32 to vector<1024x128xf32>
    %mul3A_502 = arith.mulf %mul3A_501, %tanh3A_499 : vector<1024x128xf32>
    %add3A_503 = arith.constant 5.000000e-01 : f32
    %add3A_504 = vector.broadcast %add3A_503 : f32 to vector<1024x128xf32>
    %add3A_505 = arith.addf %mul3A_502, %add3A_504 : vector<1024x128xf32>
    %slice3A_506 = vector.extract_strided_slice %add3A_489 {offsets = [0, 256], sizes = [1024, 128], strides = [1, 1]} : vector<1024x512xf32> to vector<1024x128xf32>
    %tanh3A_507 = math.tanh %slice3A_506 : vector<1024x128xf32>
    %slice3A_508 = vector.extract_strided_slice %add3A_489 {offsets = [0, 384], sizes = [1024, 128], strides = [1, 1]} : vector<1024x512xf32> to vector<1024x128xf32>
    %tanh3A_509 = math.tanh %slice3A_508 : vector<1024x128xf32>
    %mul3A_510 = arith.constant 5.000000e-01 : f32
    %mul3A_511 = vector.broadcast %mul3A_510 : f32 to vector<1024x128xf32>
    %mul3A_512 = arith.mulf %mul3A_511, %tanh3A_509 : vector<1024x128xf32>
    %add3A_513 = arith.constant 5.000000e-01 : f32
    %add3A_514 = vector.broadcast %add3A_513 : f32 to vector<1024x128xf32>
    %add3A_515 = arith.addf %mul3A_512, %add3A_514 : vector<1024x128xf32>
    %mul3A_516 = arith.mulf %add3A_505, %add3A_476 : vector<1024x128xf32>
    %mul3A_517 = arith.mulf %add3A_497, %tanh3A_507 : vector<1024x128xf32>
    %add3A_518 = arith.addf %mul3A_516, %mul3A_517 : vector<1024x128xf32>
    %tanh3A_519 = math.tanh %add3A_518 : vector<1024x128xf32>
    %mul3A_520 = arith.mulf %add3A_515, %tanh3A_519 : vector<1024x128xf32>
    %mul3A_521 = vector.broadcast %convert_element_type3A_121 : vector<1024x1xf32> to vector<1024x128xf32>
    %mul3A_522 = arith.mulf %mul3A_521, %mul3A_520 : vector<1024x128xf32>
    %add3A_523 = arith.addf %add3A_481, %mul3A_522 : vector<1024x128xf32>
    %slice3A_524 = vector.extract_strided_slice %slice3A {offsets = [0, 512], sizes = [1024, 512], strides = [1, 1]} : vector<1024x1024xf32> to vector<1024x512xf32>
    %convert_element_type3A_525 = arith.truncf %mul3A_520 : vector<1024x128xf32> to vector<1024x128xbf16>
    %get3A_526 = arith.constant 0 : index
    %get3A_527 = arith.constant 0 : index
    %get3A_528 = vector.load %arg9[%get3A_526, %get3A_527] : memref<128x512xbf16, #tpu.memory_space<vmem>>, vector<128x512xbf16>
    %dot_general3A_529 = arith.constant dense<0.000000e+00> : vector<1024x512xf32>
    %dot_general3A_530 = tpu.matmul %convert_element_type3A_525, %get3A_528, %dot_general3A_529 {dimension_numbers = #tpu.dot_dimension_numbers<[1], [0], [0], [1], [0, 0, 1, 1], [], []>, transpose_lhs_hint = false} : vector<1024x128xbf16>, vector<128x512xbf16>, vector<1024x512xf32> -> vector<1024x512xf32>
    %add3A_531 = arith.addf %slice3A_524, %dot_general3A_530 : vector<1024x512xf32>
    %slice3A_532 = vector.extract_strided_slice %add3A_531 {offsets = [0, 0], sizes = [1024, 128], strides = [1, 1]} : vector<1024x512xf32> to vector<1024x128xf32>
    %tanh3A_533 = math.tanh %slice3A_532 : vector<1024x128xf32>
    %mul3A_534 = arith.constant 5.000000e-01 : f32
    %mul3A_535 = vector.broadcast %mul3A_534 : f32 to vector<1024x128xf32>
    %mul3A_536 = arith.mulf %mul3A_535, %tanh3A_533 : vector<1024x128xf32>
    %add3A_537 = arith.constant 5.000000e-01 : f32
    %add3A_538 = vector.broadcast %add3A_537 : f32 to vector<1024x128xf32>
    %add3A_539 = arith.addf %mul3A_536, %add3A_538 : vector<1024x128xf32>
    %slice3A_540 = vector.extract_strided_slice %add3A_531 {offsets = [0, 128], sizes = [1024, 128], strides = [1, 1]} : vector<1024x512xf32> to vector<1024x128xf32>
    %tanh3A_541 = math.tanh %slice3A_540 : vector<1024x128xf32>
    %mul3A_542 = arith.constant 5.000000e-01 : f32
    %mul3A_543 = vector.broadcast %mul3A_542 : f32 to vector<1024x128xf32>
    %mul3A_544 = arith.mulf %mul3A_543, %tanh3A_541 : vector<1024x128xf32>
    %add3A_545 = arith.constant 5.000000e-01 : f32
    %add3A_546 = vector.broadcast %add3A_545 : f32 to vector<1024x128xf32>
    %add3A_547 = arith.addf %mul3A_544, %add3A_546 : vector<1024x128xf32>
    %slice3A_548 = vector.extract_strided_slice %add3A_531 {offsets = [0, 256], sizes = [1024, 128], strides = [1, 1]} : vector<1024x512xf32> to vector<1024x128xf32>
    %tanh3A_549 = math.tanh %slice3A_548 : vector<1024x128xf32>
    %slice3A_550 = vector.extract_strided_slice %add3A_531 {offsets = [0, 384], sizes = [1024, 128], strides = [1, 1]} : vector<1024x512xf32> to vector<1024x128xf32>
    %tanh3A_551 = math.tanh %slice3A_550 : vector<1024x128xf32>
    %mul3A_552 = arith.constant 5.000000e-01 : f32
    %mul3A_553 = vector.broadcast %mul3A_552 : f32 to vector<1024x128xf32>
    %mul3A_554 = arith.mulf %mul3A_553, %tanh3A_551 : vector<1024x128xf32>
    %add3A_555 = arith.constant 5.000000e-01 : f32
    %add3A_556 = vector.broadcast %add3A_555 : f32 to vector<1024x128xf32>
    %add3A_557 = arith.addf %mul3A_554, %add3A_556 : vector<1024x128xf32>
    %mul3A_558 = arith.mulf %add3A_547, %add3A_518 : vector<1024x128xf32>
    %mul3A_559 = arith.mulf %add3A_539, %tanh3A_549 : vector<1024x128xf32>
    %add3A_560 = arith.addf %mul3A_558, %mul3A_559 : vector<1024x128xf32>
    %tanh3A_561 = math.tanh %add3A_560 : vector<1024x128xf32>
    %mul3A_562 = arith.mulf %add3A_557, %tanh3A_561 : vector<1024x128xf32>
    %mul3A_563 = vector.broadcast %convert_element_type3A_116 : vector<1024x1xf32> to vector<1024x128xf32>
    %mul3A_564 = arith.mulf %mul3A_563, %mul3A_562 : vector<1024x128xf32>
    %add3A_565 = arith.addf %add3A_523, %mul3A_564 : vector<1024x128xf32>
    %get3A_566 = arith.constant 0 : index
    %get3A_567 = arith.constant 0 : index
    %get3A_568 = vector.load %arg3[%get3A_566, %get3A_567] : memref<1024x128xf32, #tpu.memory_space<vmem>>, vector<1024x128xf32>
    %convert_element_type3A_569 = arith.truncf %get3A_568 : vector<1024x128xf32> to vector<1024x128xbf16>
    %get3A_570 = arith.constant 0 : index
    %get3A_571 = arith.constant 0 : index
    %get3A_572 = vector.load %arg4[%get3A_570, %get3A_571] : memref<1024x128xf32, #tpu.memory_space<vmem>>, vector<1024x128xf32>
    %convert_element_type3A_573 = arith.truncf %get3A_572 : vector<1024x128xf32> to vector<1024x128xbf16>
    %concatenate3A_574 = tpu.concatenate %convert_element_type3A_569, %convert_element_type3A_573 in 1 : vector<1024x128xbf16>, vector<1024x128xbf16> -> vector<1024x256xbf16>
    %get3A_575 = arith.constant 0 : index
    %get3A_576 = arith.constant 0 : index
    %get3A_577 = vector.load %arg11[%get3A_575, %get3A_576] : memref<256x256xbf16, #tpu.memory_space<vmem>>, vector<256x256xbf16>
    %dot_general3A_578 = arith.constant dense<0.000000e+00> : vector<1024x256xf32>
    %dot_general3A_579 = tpu.matmul %concatenate3A_574, %get3A_577, %dot_general3A_578 {dimension_numbers = #tpu.dot_dimension_numbers<[1], [0], [0], [1], [0, 0, 1, 1], [], []>, transpose_lhs_hint = false} : vector<1024x256xbf16>, vector<256x256xbf16>, vector<1024x256xf32> -> vector<1024x256xf32>
    %get3A_580 = arith.constant 0 : index
    %get3A_581 = arith.constant 0 : index
    %get3A_582 = vector.load %arg12[%get3A_580, %get3A_581] : memref<1x256xf32, #tpu.memory_space<vmem>>, vector<1x256xf32>
    %add3A_583 = vector.broadcast %get3A_582 : vector<1x256xf32> to vector<1024x256xf32>
    %add3A_584 = arith.addf %dot_general3A_579, %add3A_583 : vector<1024x256xf32>
    %ge3A_585 = arith.constant 0.000000e+00 : f32
    %ge3A_586 = vector.broadcast %ge3A_585 : f32 to vector<1024x256xf32>
    %ge3A_587 = arith.cmpf oge, %add3A_584, %ge3A_586 : vector<1024x256xf32>
    %mul3A_588 = arith.constant 0.00999999977 : f32
    %mul3A_589 = vector.broadcast %mul3A_588 : f32 to vector<1024x256xf32>
    %mul3A_590 = arith.mulf %mul3A_589, %add3A_584 : vector<1024x256xf32>
    %select_n3A_591 = arith.select %ge3A_587, %add3A_584, %mul3A_590 : vector<1024x256xi1>, vector<1024x256xf32>
    %convert_element_type3A_592 = arith.truncf %select_n3A_591 : vector<1024x256xf32> to vector<1024x256xbf16>
    %convert_element_type3A_593 = arith.truncf %add3A_349 : vector<1024x128xf32> to vector<1024x128xbf16>
    %convert_element_type3A_594 = arith.truncf %add3A_565 : vector<1024x128xf32> to vector<1024x128xbf16>
    %concatenate3A_595 = tpu.concatenate %convert_element_type3A_592, %convert_element_type3A_593, %convert_element_type3A_594 in 1 : vector<1024x256xbf16>, vector<1024x128xbf16>, vector<1024x128xbf16> -> vector<1024x512xbf16>
    %get3A_596 = arith.constant 0 : index
    %get3A_597 = arith.constant 0 : index
    %get3A_598 = vector.load %arg13[%get3A_596, %get3A_597] : memref<512x128xbf16, #tpu.memory_space<vmem>>, vector<512x128xbf16>
    %dot_general3A_599 = arith.constant dense<0.000000e+00> : vector<1024x128xf32>
    %dot_general3A_600 = tpu.matmul %concatenate3A_595, %get3A_598, %dot_general3A_599 {dimension_numbers = #tpu.dot_dimension_numbers<[1], [0], [0], [1], [0, 0, 1, 1], [], []>, transpose_lhs_hint = false} : vector<1024x512xbf16>, vector<512x128xbf16>, vector<1024x128xf32> -> vector<1024x128xf32>
    %get3A_601 = arith.constant 0 : index
    %get3A_602 = arith.constant 0 : index
    %get3A_603 = vector.load %arg14[%get3A_601, %get3A_602] : memref<1x128xf32, #tpu.memory_space<vmem>>, vector<1x128xf32>
    %add3A_604 = vector.broadcast %get3A_603 : vector<1x128xf32> to vector<1024x128xf32>
    %add3A_605 = arith.addf %dot_general3A_600, %add3A_604 : vector<1024x128xf32>
    %ge3A_606 = arith.constant 0.000000e+00 : f32
    %ge3A_607 = vector.broadcast %ge3A_606 : f32 to vector<1024x128xf32>
    %ge3A_608 = arith.cmpf oge, %add3A_605, %ge3A_607 : vector<1024x128xf32>
    %mul3A_609 = arith.constant 0.00999999977 : f32
    %mul3A_610 = vector.broadcast %mul3A_609 : f32 to vector<1024x128xf32>
    %mul3A_611 = arith.mulf %mul3A_610, %add3A_605 : vector<1024x128xf32>
    %select_n3A_612 = arith.select %ge3A_608, %add3A_605, %mul3A_611 : vector<1024x128xi1>, vector<1024x128xf32>
    %swap3A = arith.constant 0 : index
    %swap3A_613 = arith.constant 0 : index
    %swap3A_614 = vector.load %arg15[%swap3A, %swap3A_613] : memref<1024x128xf32, #tpu.memory_space<vmem>>, vector<1024x128xf32>
    tpu.vector_store %arg15[%swap3A, %swap3A_613], %select_n3A_612 {strides = array<i32>} : memref<1024x128xf32, #tpu.memory_space<vmem>>, vector<1024x128xf32>,
    return
  }
  func.func @transform_0(%arg0: i32) -> (i32, i32, i32) {
    %c0_i32 = arith.constant 0 : i32
    %c0_i32_0 = arith.constant 0 : i32
    %c0_i32_1 = arith.constant 0 : i32
    return %c0_i32, %arg0, %c0_i32_0 : i32, i32, i32
  }
  func.func @transform_1(%arg0: i32) -> (i32, i32) {
    %c0_i32 = arith.constant 0 : i32
    %c0_i32_0 = arith.constant 0 : i32
    return %arg0, %c0_i32 : i32, i32
  }
  func.func @transform_2(%arg0: i32) -> (i32, i32) {
    %c0_i32 = arith.constant 0 : i32
    %c0_i32_0 = arith.constant 0 : i32
    return %arg0, %c0_i32 : i32, i32
  }
  func.func @transform_3(%arg0: i32) -> (i32, i32) {
    %c0_i32 = arith.constant 0 : i32
    %c0_i32_0 = arith.constant 0 : i32
    return %arg0, %c0_i32 : i32, i32
  }
  func.func @transform_4(%arg0: i32) -> (i32, i32) {
    %c0_i32 = arith.constant 0 : i32
    %c0_i32_0 = arith.constant 0 : i32
    %c0_i32_1 = arith.constant 0 : i32
    return %c0_i32, %c0_i32_0 : i32, i32
  }
  func.func @transform_5(%arg0: i32) -> (i32, i32) {
    %c0_i32 = arith.constant 0 : i32
    %c0_i32_0 = arith.constant 0 : i32
    %c0_i32_1 = arith.constant 0 : i32
    return %c0_i32, %c0_i32_0 : i32, i32
  }
  func.func @transform_6(%arg0: i32) -> (i32, i32) {
    %c0_i32 = arith.constant 0 : i32
    %c0_i32_0 = arith.constant 0 : i32
    %c0_i32_1 = arith.constant 0 : i32
    return %c0_i32, %c0_i32_0 : i32, i32
  }
  func.func @transform_7(%arg0: i32) -> (i32, i32) {
    %c0_i32 = arith.constant 0 : i32
    %c0_i32_0 = arith.constant 0 : i32
    %c0_i32_1 = arith.constant 0 : i32
    return %c0_i32, %c0_i32_0 : i32, i32
  }
  func.func @transform_8(%arg0: i32) -> (i32, i32) {
    %c0_i32 = arith.constant 0 : i32
    %c0_i32_0 = arith.constant 0 : i32
    %c0_i32_1 = arith.constant 0 : i32
    return %c0_i32, %c0_i32_0 : i32, i32
  }
  func.func @transform_9(%arg0: i32) -> (i32, i32) {
    %c0_i32 = arith.constant 0 : i32
    %c0_i32_0 = arith.constant 0 : i32
    %c0_i32_1 = arith.constant 0 : i32
    return %c0_i32, %c0_i32_0 : i32, i32
  }
  func.func @transform_10(%arg0: i32) -> (i32, i32) {
    %c0_i32 = arith.constant 0 : i32
    %c0_i32_0 = arith.constant 0 : i32
    %c0_i32_1 = arith.constant 0 : i32
    return %c0_i32, %c0_i32_0 : i32, i32
  }
  func.func @transform_11(%arg0: i32) -> (i32, i32) {
    %c0_i32 = arith.constant 0 : i32
    %c0_i32_0 = arith.constant 0 : i32
    %c0_i32_1 = arith.constant 0 : i32
    return %c0_i32, %c0_i32_0 : i32, i32
  }
  func.func @transform_12(%arg0: i32) -> (i32, i32) {
    %c0_i32 = arith.constant 0 : i32
    %c0_i32_0 = arith.constant 0 : i32
    %c0_i32_1 = arith.constant 0 : i32
    return %c0_i32, %c0_i32_0 : i32, i32
  }
  func.func @transform_13(%arg0: i32) -> (i32, i32) {
    %c0_i32 = arith.constant 0 : i32
    %c0_i32_0 = arith.constant 0 : i32
    %c0_i32_1 = arith.constant 0 : i32
    return %c0_i32, %c0_i32_0 : i32, i32
  }
  func.func @transform_14(%arg0: i32) -> (i32, i32) {
    %c0_i32 = arith.constant 0 : i32
    %c0_i32_0 = arith.constant 0 : i32
    return %arg0, %c0_i32 : i32, i32
  }
}

</mosaic_0001>

<sc_bundles>
// kernel: kernel.10.cloned.1.call-start
scs
__scs_entry_jumppad:
0x0: {  	(pc) =	sbr.rel $0x88, $3  }
0x1: {  	(tag) =	ssettag $0x0;
	lr =	simm.s32 $0x1  }
0x2: {  	[smem:$0x3F8F] =	sst lr;
	_ =	strace $0xD0000000  }
0x3: {  	_ = 	snop  }
0x4: {  	_ = 	snop  }
0x5: {  	_ = 	snop  }
0x6: {  	_ = 	snop  }
0x7: {  	_ = 	snop  }
__scs_overlays_trampoline_lowered:
0x8: {  	[smem:$0x3F9E] =	sst s0  }
0x9: {  	[smem:$0x3F9F] =	sst s1  }
0xa: {  	[smem:$0x3FA0] =	sst s2  }
0xb: {  	[smem:$0x3FA1] =	sst s3  }
0xc: {  	[smem:$0x3FA2] =	sst s4  }
0xd: {  	[smem:$0x3FA3] =	sst s5  }
0xe: {  	[smem:$0x3FA4] =	sst s6  }
0xf: {  	[smem:$0x3FA5] =	sst s7  }
0x10: {  	[smem:$0x3FA6] =	sst s8  }
0x11: {  	[smem:$0x3FA7] =	sst s9;
	s0 =	simm.s32 @!p0 $0x0  }
0x12: {  	s1 =	sld [smem:$0x3F8D];
	s0 =	simm.s32 @p0 $0x1  }
0x13: {  	[smem:$0x3FA8] =	sst s0;
	s0 =	simm.s32 @!p1 $0x0  }
0x14: {  	s2 =	sld [smem:$0x3F8C];
	s0 =	simm.s32 @p1 $0x1  }
0x15: {  	[smem:$0x3FA9] =	sst s0;
	s0 =	simm.s32 @!p2 $0x0  }
0x16: {  	s3 =	sld [smem:$0x3FDB];
	s0 =	simm.s32 @p2 $0x1  }
0x17: {  	s4 =	simm.s32 $0x1BF5;
	[smem:$0x3FAB] =	sst s0  }
0x18: {  	s0 =	sld [smem:$0x3F8E];
	_ =	swait.ge [sflag:s4], $0x0  }
0x19: {  	s7 =	sld [smem:$0x3F8F]  }
0x1a: {  	s8 =	sadd.s32 $0xFFFFE003, lr  }
0x1b: {  	s9 =	sadd.s32 $0xFFFFFEF7, lr;
	s5 =	simm.s32 $0xFFFFFFFF;
	p2 =	slt.u32 s8, $0xFFFFF086  }
0x1c: {  	p1 =	slt.u32 s9, $0xF7A;
	s5 =	simm.s32 @!p2 $0x0  }
0x1d: {  	s5 =	simm.s32 @p1 $0x1;
	p0 =	seq.s32 s7, s2  }
0x1e: {  	s7 =	smul.u32 @!p0 $0xF7A, s2;
	p2 =	seq.s32 @!p0 s5, $0x0  }
0x1f: {  	s9 =	smul.u32 $0xF7A, s1;
	s8 =	simm.s32 @!p0 $0x1BF5;
	p2 =	por !p2, p0  }
0x20: {  	[sflag:s8] =	ssyncset.s32 @!p0 $0xFFFFF086;
	s6 =	sadd.s32 @!p0 s3, s7;
	s7 =	simm.s32 @!p0 $0x108  }
0x21: {  	s3 =	sadd.s32 s3, s9;
	s6 =	sadd.s32 @!p0 $0x88, s6;
	s7 =	simm.s32 @p2 $0x1082  }
0x22: {  	[simem:s7], [sflag:s8] =	dma.local @!p0 [hbm:s6], $0xF7A  }
0x23: {  	s9 =	sor.u32 $0xD0000000, s2;
	s6 =	simm.s32 $0x108;
	_ =	swait.ge @!p0 [sflag:s8], $0x0  }
0x24: {  	s3 =	sadd.s32 $0x88, s3;
	s6 =	simm.s32 @!p1 $0x1082;
	[sflag:s4] =	ssyncset.s32 $0xFFFFF086  }
0x25: {  	[simem:s6], [sflag:s4] =	dma.local [hbm:s3], $0xF7A  }
0x26: {  	[smem:$0x3F8F] =	sst s1;
	(tag) =	ssettag s2;
	_ =	strace s9  }
0x27: {  	s1 =	sld [smem:$0x3F9F]  }
0x28: {  	s2 =	sld [smem:$0x3FA0]  }
0x29: {  	s4 =	sld [smem:$0x3FA2]  }
0x2a: {  	p0 =	seq.s32 s5, $0x0;
	s5 =	sld [smem:$0x3FA3]  }
0x2b: {  	s6 =	sld [smem:$0x3FA4]  }
0x2c: {  	s7 =	sld [smem:$0x3FA5]  }
0x2d: {  	s3 =	simm.s32 $0x108;
	s8 =	sld [smem:$0x3FA6]  }
0x2e: {  	s3 =	simm.s32 @!p0 $0x1082;
	s9 =	sld [smem:$0x3FA7]  }
0x2f: {  	lr =	sadd.s32 s0, s3;
	s0 =	sld [smem:$0x3F9E]  }
0x30: {  	s3 =	sld [smem:$0x3FA1]  }
0x31: {  	[smem:$0x3FAA] =	sst s10  }
0x32: {  	s10 =	sld [smem:$0x3FA8];
	_ =	sdelay $0x3  }
0x33: {  	p0 =	seq.s32 s10, $0x1;
	s10 =	sld [smem:$0x3FAA];
	_ =	sdelay $0x3  }
0x34: {  	[smem:$0x3FAA] =	sst s10  }
0x35: {  	s10 =	sld [smem:$0x3FA9];
	_ =	sdelay $0x3  }
0x36: {  	p1 =	seq.s32 s10, $0x1;
	s10 =	sld [smem:$0x3FAA];
	_ =	sdelay $0x3  }
0x37: {  	[smem:$0x3FAA] =	sst s10  }
0x38: {  	s10 =	sld [smem:$0x3FAB]  }
0x39: {  	_ = 	snop;
	(pc) =	sbr.ind lr, $3  }
0x3a: {  	_ = 	snop  }
0x3b: {  	_ = 	snop  }
0x3c: {  	p2 =	seq.s32 s10, $0x1;
	s10 =	sld [smem:$0x3FAA]  }
0x3d: {  	_ =	shalt  }
0x3e: {  	_ =	shalt  }
0x3f: {  	_ =	shalt  }
0x40: {  	_ =	shalt  }
0x41: {  	_ =	shalt  }
0x42: {  	_ =	shalt  }
0x43: {  	_ =	shalt  }
0x44: {  	_ =	shalt  }
0x45: {  	_ =	shalt  }
0x46: {  	_ =	shalt  }
0x47: {  	_ =	shalt  }
0x48: {  	_ =	shalt  }
0x49: {  	_ =	shalt  }
0x4a: {  	_ =	shalt  }
0x4b: {  	_ =	shalt  }
0x4c: {  	_ =	shalt  }
0x4d: {  	_ =	shalt  }
0x4e: {  	_ =	shalt  }
0x4f: {  	_ =	shalt  }
0x50: {  	_ =	shalt  }
0x51: {  	_ =	shalt  }
0x52: {  	_ =	shalt  }
0x53: {  	_ =	shalt  }
0x54: {  	_ =	shalt  }
0x55: {  	_ =	shalt  }
0x56: {  	_ =	shalt  }
0x57: {  	_ =	shalt  }
0x58: {  	_ =	shalt  }
0x59: {  	_ =	shalt  }
0x5a: {  	_ =	shalt  }
0x5b: {  	_ =	shalt  }
0x5c: {  	_ =	shalt  }
0x5d: {  	_ =	shalt  }
0x5e: {  	_ =	shalt  }
0x5f: {  	_ =	shalt  }
0x60: {  	_ =	shalt  }
0x61: {  	_ =	shalt  }
0x62: {  	_ =	shalt  }
0x63: {  	_ =	shalt  }
0x64: {  	_ =	shalt  }
0x65: {  	_ =	shalt  }
0x66: {  	_ =	shalt  }
0x67: {  	_ =	shalt  }
0x68: {  	_ =	shalt  }
0x69: {  	_ =	shalt  }
0x6a: {  	_ =	shalt  }
0x6b: {  	_ =	shalt  }
0x6c: {  	_ =	shalt  }
0x6d: {  	_ =	shalt  }
0x6e: {  	_ =	shalt  }
0x6f: {  	_ =	shalt  }
0x70: {  	_ =	shalt  }
0x71: {  	_ =	shalt  }
0x72: {  	_ =	shalt  }
0x73: {  	_ =	shalt  }
0x74: {  	_ =	shalt  }
0x75: {  	_ =	shalt  }
0x76: {  	_ =	shalt  }
0x77: {  	_ =	shalt  }
0x78: {  	_ =	shalt  }
0x79: {  	_ =	shalt  }
0x7a: {  	_ =	shalt  }
0x7b: {  	_ =	shalt  }
0x7c: {  	_ =	shalt  }
0x7d: {  	_ =	shalt  }
0x7e: {  	_ =	shalt  }
0x7f: {  	_ =	shalt  }
0x80: {  	_ =	shalt  }
0x81: {  	_ =	shalt  }
0x82: {  	_ =	shalt  }
0x83: {  	_ =	shalt  }
0x84: {  	_ =	shalt  }
0x85: {  	_ =	shalt  }
0x86: {  	_ =	shalt  }
0x87: {  	_ =	shalt  }
.Lfunc_end0:
.L_simem_size_0:
called_computation_lowered:
.L_overlay_start_0:
0x88: {  	s2 =	sld [smem:$0x3FD9]  }
0x89: {  	s3 =	sld [smem:$0x3FFE];
	_ =	sdelay $0x1  }
0x8a: {  	s1 =	srdreg.scid  }
0x8b: {  	s0 =	sand.u32 $0x1, s1  }
0x8c: {  	s17 =	sshll.u32 s0, $0xA;
	s2 =	sadd.s32 s3, s2  }
0x8d: {  	s2 =	sadd.s32 s2, s17  }
0x8e: {  	[smem:$0x3FB6] =	sst s2  }
0x8f: {  	_ = 	snop  }
0x90: {  	s2 =	sld [smem:$0x3FC9];
	(tm) =	ssettm $0x1  }
0x91: {  	s18 =	sld [smem:$0x3FFB];
	_ =	sdelay $0x3  }
0x92: {  	_ =	strace s18  }
0x93: {  	s3 =	sld [smem:$0x3FFC];
	_ =	sdelay $0x3  }
0x94: {  	_ =	strace s3  }
0x95: {  	s3 =	sld [smem:$0x3FFD];
	_ =	sdelay $0x3  }
0x96: {  	_ =	strace s3  }
0x97: {  	_ =	strace $0x8FFFFFFF  }
0x98: {  	s19 =	sld [smem:$0x3FDB];
	_ =	sdelay $0x1  }
0x99: {  	s4 =	simm.s32 $_scs_section_size  }
0x9a: {  	s5 =	simm.s32 $_size__tile_overlayer_lowered;
	s6 =	simm.s32 $_tile_overlayer_lowered  }
0x9b: {  	s22 =	simm.s32 $0x1BFF;
	s21 =	sshll.u32 s6, $0x1;
	s3 =	sadd.s32 s4, s19  }
0x9c: {  	s7 =	simm.s32 $0x0;
	s20 =	sshll.u32 s5, $0x1;
	s5 =	sadd.s32 s21, s3  }
0x9d: {  	[timem:s7], [sflag:s22] =	dma.local [hbm:s5], s20  }
0x9e: {  	_ =	swait.ge [sflag:s22], s20  }
0x9f: {  	s4 =	ssub.s32 $0x0, s20;
	[sflag:s22] =	ssyncset.done $0x0  }
0xa0: {  	[sflag:s22] =	ssyncadd.s32 s4;
	_ =	sdelay $0x1  }
0xa1: {  	s23 =	simm.s32 $0x1B8B  }
0xa2: {  	_ =	swait.ge [sflag:s23], $0x1  }
0xa3: {  	[sflag:s23] =	ssyncset.done $0x0  }
0xa4: {  	s25 =	simm.s32 $0x1B8E;
	s24 =	sld [smem:$0x3FFE];
	[sflag:s23] =	ssyncadd.s32 $0xFFFFFFFF  }
0xa5: {  	s26 =	simm.s32 $execute0_lowered;
	[smem:$0x3FD2] =	sst s25  }
0xa6: {  	s5 =	sshll.u32 s26, $0x1;
	_ =	strace $0x80000046;
	[dreg:$0x1] =	wrdreg $0xFFFFFFFF  }
0xa7: {  	s28 =	simm.s32 $_size_execute0_lowered;
	s3 =	sadd.s32 s3, s5;
	[dreg:$0x0] =	wrdreg $0x0  }
0xa8: {  	s5 =	sshll.u32 s28, $0x1;
	[dreg:$0x2] =	wrdreg s3  }
0xa9: {  	[dreg:$0x3] =	wrdreg s5  }
0xaa: {  	[dreg:$0x4] =	wrdreg $0xC0  }
0xab: {  	_ =	task [dreg:s7], $0x5FFFF  }
0xac: {  	[dreg:$0x1] =	wrdreg $0xFFFFFFFF  }
0xad: {  	[dreg:$0x0] =	wrdreg $0x60  }
0xae: {  	[dreg:$0x2] =	wrdreg s24  }
0xaf: {  	[dreg:$0x3] =	wrdreg s2  }
0xb0: {  	[dreg:$0x4] =	wrdreg $0x9  }
0xb1: {  	_ =	task.clear_ibuf [dreg:s7], $0x5FFFF;
	_ =	strace $0x90000046  }
0xb2: {  	s29 =	simm.s32 $0x9;
	_ =	strace $0x80000048  }
0xb3: {  	_ =	swait.ge [sflag:s29], $0x1  }
0xb4: {  	[sflag:s29] =	ssyncadd.s32 $0xFFFFFFFF  }
0xb5: {  	_ =	strace $0x90000048  }
0xb6: {  	_ =	sfence  }
0xb7: {  	s30 =	sld [smem:$0x0];
	_ =	sdelay $0x2  }
0xb8: {  	s31 =	sshll.u32 s1, $0xD;
	s1 =	sshrl.u32 s1, $0x2  }
0xb9: {  	s3 =	sand.u32 $0x4000, s31;
	s1 =	sadd.s32 s1, s30  }
0xba: {  	s0 =	sor.u32 s3, s0;
	s1 =	sshll.u32 s1, $0x11  }
0xbb: {  	s0 =	sor.u32 s1, s0  }
0xbc: {  	s0 =	sadd.s32 $0x8F2B, s0  }
0xbd: {  	[sflag:s0] =	ssyncadd.remote.s32 $0x1  }
0xbe: {  	_ =	sfence.sel $0xFFFF  }
0xbf: {  	[dreg:$0x0] =	wrdreg $0xFFFFFFFF;
	(pc) =	sbr.abs _section_cstart, $3  }
0xc0: {  	[dreg:$0x1] =	wrdreg $0xFFFFFFFF  }
0xc1: {  	_ =	task.clear_ibuf [dreg:s7], $0x2FFFF;
	_ =	strace $0x9FFFFFFF  }
0xc2: {  	(tm) =	ssettm $0x7FFFFFFF  }
0xc3: {  	_ =	shalt  }
tec
execute0_lowered:
.L_overlay_start_1:
0x0: {  	(tag) =	ssettag $0x1  }
0x1: {  	s0 =	rddreg [dreg:$0x0]  }
0x2: {  	s1 =	rddreg [dreg:$0x1];
	s2 =	simm.s32 $0x0;
	s5 =	srdreg.scid  }
0x3: {  	s7 =	stileid.u32;
	s21 =	simm.s32 $0x2;
	s23 =	simm.s32 $0x80  }
0x4: {  	s28 =	simm.s32 $0x0;
	[smem:$0x7FF] =	sst s2;
	s3 =	sadd.s32 $0x6800, s0  }
0x5: {  	s4 =	sadd.s32 $0xA000, s0;
	s6 =	sand.u32 $0x1, s5;
	s24 =	sadd.s32 $0x14A000, s0  }
0x6: {  	s25 =	sshll.u32 s7, $0xA;
	s12 =	sadd.s32 $0x9000, s0;
	s5 =	sadd.s32 $0x18A000, s0  }
0x7: {  	_ =	strace $0x80000047;
	[dreg:$0x3] =	wrdreg s4;
	s26 =	sshll.u32 s6, $0x9  }
0x8: {  	[dreg:$0x4] =	wrdreg s24;
	s29 =	ssub.s32 $0x2, s6;
	s24 =	simm.s32 $0x1  }
0x9: {  	s4 =	sor.u32 s26, s25;
	s30 =	sshrl.u32 s29, $0x1;
	s25 =	simm.s32 $0x4E00  }
0xa: {  	s26 =	simm.s32 $0x3;
	s11 =	sshrl.u32 s4, $0x3;
	s0 =	ssub.s32 s29, s30  }
0xb: {  	s31 =	sshll.u32 s4, $0x4;
	s6 =	sadd.s32 s3, s11;
	s13 =	sor.u32 $0x800, s11  }
0xc: {  	s11 =	sadd.s32 s12, s11;
	s7 =	sadd.s32 s3, s13;
	s8 =	sadd.s32 $0x1000, s6  }
0xd: {  	s9 =	sadd.s32 $0x1800, s6;
	s10 =	sadd.s32 $0x2000, s6;
	s3 =	sadd.s32 s31, s5  }
0xe: {  	s12 =	sadd.s32 s12, s13;
	s13 =	smax.u32 s0, $0x1;
	s14 =	sadd.s32 $0x1800, s3  }
.LBB2_1:
0xf: {  	[tilespmem:s2], [sflag:$0x2] =	stream.linear.gather [hbm4b:s6+s2], $0x200, $0x38;
	[tilespmem:$0x8E00] =	vst v63  }
0x10: {  	s0 =	simm.s32 $0x200  }
0x11: {  	[tilespmem:s0], [sflag:$0x2] =	stream.linear.gather [hbm4b:s7+s2], $0x200, $0x38;
	[tilespmem:$0x8E00] =	vst v63  }
0x12: {  	s22 =	simm.s32 $0x400  }
0x13: {  	[tilespmem:s22], [sflag:$0x2] =	stream.linear.gather [hbm4b:s8+s2], $0x200, $0x38;
	[tilespmem:$0x8E00] =	vst v63  }
0x14: {  	s3 =	simm.s32 $0x600  }
0x15: {  	[tilespmem:s3], [sflag:$0x2] =	stream.linear.gather [hbm4b:s9+s2], $0x200, $0x38;
	[tilespmem:$0x8E00] =	vst v63  }
0x16: {  	s15 =	simm.s32 $0x800  }
0x17: {  	[tilespmem:s15], [sflag:$0x2] =	stream.linear.gather [hbm4b:s10+s2], $0x200, $0x38;
	[tilespmem:$0x8E00] =	vst v63  }
0x18: {  	s16 =	simm.s32 $0xA00  }
0x19: {  	[tilespmem:s16], [sflag:$0x2] =	stream.linear.gather [hbm4b:s11+s2], $0x200, $0x38;
	[tilespmem:$0x8E00] =	vst v63  }
0x1a: {  	s17 =	simm.s32 $0xC00  }
0x1b: {  	[tilespmem:s17], [sflag:$0x2] =	stream.linear.gather [hbm4b:s12+s2], $0x200, $0x38;
	[tilespmem:$0x8E00] =	vst v63  }
0x1c: {  	_ =	swait.ge [sflag:s21], $0x200  }
0x1d: {  	[sflag:s21] =	ssyncset.done $0x0  }
0x1e: {  	[sflag:s21] =	ssyncadd.s32 $0xFFFFFE00  }
0x1f: {  	_ =	swait.ge [sflag:s21], $0x200  }
0x20: {  	[sflag:s21] =	ssyncset.done $0x0  }
0x21: {  	[sflag:s21] =	ssyncadd.s32 $0xFFFFFE00  }
0x22: {  	_ =	swait.ge [sflag:s21], $0x200  }
0x23: {  	[sflag:s21] =	ssyncset.done $0x0  }
0x24: {  	[sflag:s21] =	ssyncadd.s32 $0xFFFFFE00  }
0x25: {  	_ =	swait.ge [sflag:s21], $0x200  }
0x26: {  	[sflag:s21] =	ssyncset.done $0x0  }
0x27: {  	[sflag:s21] =	ssyncadd.s32 $0xFFFFFE00  }
0x28: {  	_ =	swait.ge [sflag:s21], $0x200  }
0x29: {  	[sflag:s21] =	ssyncset.done $0x0  }
0x2a: {  	[sflag:s21] =	ssyncadd.s32 $0xFFFFFE00  }
0x2b: {  	_ =	swait.ge [sflag:s21], $0x200  }
0x2c: {  	s19 =	simm.s32 $0x10000;
	[sflag:s21] =	ssyncset.done $0x0  }
0x2d: {  	s18 =	simm.s32 $0xE00;
	s0 =	sand.u32 $0x10000, s19;
	[sflag:s21] =	ssyncadd.s32 $0xFFFFFE00  }
0x2e: {  	s20 =	sand.u32 $0x180, s2;
	s0 =	sshrl.u32 s0, $0x2;
	_ =	swait.ge [sflag:s21], $0x200  }
0x2f: {  	p0 =	por $0x0, $0x0;
	s0 =	sor.u32 $0xE00, s0;
	[sflag:s21] =	ssyncset.done $0x0  }
0x30: {  	s22 =	sand.u32 $0x1C, s2;
	s15 =	simm.s32 $0x0;
	[sflag:s21] =	ssyncadd.s32 $0xFFFFFE00  }
0x31: {  	[tilespmem:s18], [sflag:$0x1] =	stream.indirect.gather [hbm4b:s1+s23], $0x80, s2, s23, $0xb8;
	[tilespmem:$0x8E00] =	vst v63  }
0x32: {  	p1 =	sne.s32 s22, $0x14;
	s29 =	sand.u32 $0x10000, s15;
	s15 =	sand.u32 @!p0 $0x1C0000, s15  }
0x33: {  	[tilespmem:s0], [sflag:$0x1] =	stream.indirect.gather [hbm4b:s1+s23], $0x80, s23, s23, $0xb8;
	[tilespmem:$0x8E00] =	vst v63  }
0x34: {  	s16 =	simm.s32 @!p0 $0x4;
	s29 =	sshrl.u32 s29, $0x2;
	_ =	swait.ge [sflag:s24], $0x4000  }
0x35: {  	s31 =	sor.u32 $0xE00, s29;
	s0 =	sor.u32 s4, s20;
	s3 =	rddreg [dreg:$0x3]  }
0x36: {  	s30 =	sshll.u32 @!p0 s0, $0x4;
	[sflag:s24] =	ssyncset.done $0x0;
	s3 =	sadd.s32 @!p0 s3, s15  }
0x37: {  	[sflag:s24] =	ssyncadd.s32 $0xFFFFC000;
	s15 =	simm.s32 @!p0 $0x0;
	s3 =	sadd.s32 @!p0 s30, s3  }
0x38: {  	[hbm4b:s3+s15] =	stream.linear.scatter @!p0 [tilespmem:s31], [sflag:$0x4], $0x4000, $0x38;
	[tilespmem:$0x8E00] =	vst v63  }
0x39: {  	s29 =	simm.s32 $0x1;
	s17 =	simm.s32 @!p1 $0x4;
	_ =	swait.ge @!p0 [sflag:s16], $0x4000  }
0x3a: {  	s3 =	sshll.u32 @!p1 s0, $0x4;
	s15 =	rddreg [dreg:$0x4];
	[sflag:s16] =	ssyncset.done @!p0 $0x0  }
0x3b: {  	[sflag:s16] =	ssyncadd.s32 @!p0 $0xFFFFC000;
	s3 =	sadd.s32 @!p1 s15, s3;
	s15 =	simm.s32 @!p1 $0x0  }
0x3c: {  	[hbm4b:s3+s15] =	stream.linear.scatter @!p1 [tilespmem:s31], [sflag:$0x4], $0x4000, $0x38;
	[tilespmem:$0x8E00] =	vst v63  }
0x3d: {  	s30 =	simm.s32 $0x2;
	p0 =	por $0x1, $0x1;
	_ =	swait.ge @!p1 [sflag:s17], $0x4000  }
0x3e: {  	s0 =	sshll.u32 @!p0 s0, $0x4;
	s15 =	simm.s32 @!p0 $0x3;
	[sflag:s17] =	ssyncset.done @!p1 $0x0  }
0x3f: {  	s3 =	simm.s32 @!p0 $0x0;
	s0 =	sadd.s32 @!p0 s5, s0;
	[sflag:s17] =	ssyncadd.s32 @!p1 $0xFFFFC000  }
0x40: {  	[hbm4b:s0+s3] =	stream.linear.scatter @!p0 [tilespmem:s31], [sflag:$0x3], $0x4000, $0x38;
	[tilespmem:$0x8E00] =	vst v63  }
0x41: {  	s31 =	simm.s32 $0x20000;
	s0 =	simm.s32 $0x80;
	_ =	swait.ge @!p0 [sflag:s15], $0x4000  }
0x42: {  	s3 =	simm.s32 $0x100;
	s16 =	sand.u32 $0x10000, s31;
	[sflag:s15] =	ssyncset.done @!p0 $0x0  }
.LBB2_2:
0x43: {  	s16 =	sshrl.u32 s16, $0x2;
	[sflag:s15] =	ssyncadd.s32 @!p0 $0xFFFFC000  }
0x44: {  	s15 =	smov.u32 s30;
	s30 =	sadd.s32 $0x1, s30;
	s22 =	sand.u32 $0x180, s0  }
0x45: {  	p0 =	slt.u32 s29, $0x18;
	p2 =	sgt.u32 s29, $0x13;
	s18 =	sadd.s32 $0xFFFF0000, s31  }
0x46: {  	s16 =	sor.u32 $0xE00, s16;
	s19 =	simm.s32 @!p2 $0x4;
	s20 =	sand.u32 $0x10000, s18  }
0x47: {  	[tilespmem:s16], [sflag:$0x1] =	stream.indirect.gather [hbm4b:s1+s23], $0x80, s3, s23, $0xb8;
	[tilespmem:$0x8E00] =	vst v63  }
0x48: {  	s18 =	sand.u32 @!p2 $0x1C0000, s18;
	s16 =	sor.u32 s4, s22;
	_ =	swait.ge [sflag:s24], $0x4000  }
0x49: {  	s20 =	sshrl.u32 s20, $0x2;
	[sflag:s24] =	ssyncset.done $0x0;
	s17 =	rddreg [dreg:$0x3]  }
0x4a: {  	s22 =	sshll.u32 @!p2 s16, $0x4;
	[sflag:s24] =	ssyncadd.s32 $0xFFFFC000;
	s17 =	sadd.s32 @!p2 s17, s18  }
0x4b: {  	s18 =	sor.u32 $0xE00, s20;
	s20 =	simm.s32 @!p2 $0x0;
	s17 =	sadd.s32 @!p2 s22, s17  }
0x4c: {  	[hbm4b:s17+s20] =	stream.linear.scatter @!p2 [tilespmem:s18], [sflag:$0x4], $0x4000, $0x38;
	[tilespmem:$0x8E00] =	vst v63  }
0x4d: {  	s17 =	sshll.u32 @!p0 s16, $0x4;
	s20 =	sand.u32 $0x1C, s29;
	_ =	swait.ge @!p2 [sflag:s19], $0x4000  }
0x4e: {  	s29 =	smov.u32 s15;
	p3 =	sne.s32 s20, $0x14;
	s22 =	rddreg [dreg:$0x4]  }
0x4f: {  	[sflag:s19] =	ssyncset.done @!p2 $0x0;
	s15 =	sshll.u32 @!p3 s16, $0x4;
	s16 =	simm.s32 @!p3 $0x4  }
0x50: {  	[sflag:s19] =	ssyncadd.s32 @!p2 $0xFFFFC000;
	s15 =	sadd.s32 @!p3 s22, s15;
	s19 =	simm.s32 @!p3 $0x0  }
0x51: {  	[hbm4b:s15+s19] =	stream.linear.scatter @!p3 [tilespmem:s18], [sflag:$0x4], $0x4000, $0x38;
	[tilespmem:$0x8E00] =	vst v63  }
0x52: {  	p1 =	sne.s32 s30, $0x1B;
	_ =	swait.ge @!p3 [sflag:s16], $0x4000  }
.Ltmp0:
0x53: {  	s15 =	simm.s32 @!p0 $0x3;
	[sflag:s16] =	ssyncset.done @!p3 $0x0;
	(pc) =	sbr.rel @p1 .LBB2_2-.Ltmp0, $4  }
0x54: {  	[sflag:s16] =	ssyncadd.s32 @!p3 $0xFFFFC000;
	s16 =	sadd.s32 @!p0 s5, s17;
	s17 =	simm.s32 @!p0 $0x0  }
0x55: {  	[hbm4b:s16+s17] =	stream.linear.scatter @!p0 [tilespmem:s18], [sflag:$0x3], $0x4000, $0x38;
	[tilespmem:$0x8E00] =	vst v63  }
0x56: {  	s31 =	sadd.s32 $0x10000, s31;
	s0 =	sadd.s32 $0x80, s0;
	_ =	swait.ge @!p0 [sflag:s15], $0x4000  }
0x57: {  	s3 =	sadd.s32 $0x80, s3;
	s16 =	sand.u32 $0x10000, s31;
	[sflag:s15] =	ssyncset.done @!p0 $0x0  }
0x58: {  	s16 =	sshrl.u32 s16, $0x2  }
0x59: {  	[sflag:s15] =	ssyncadd.s32 @!p0 $0xFFFFC000;
	s0 =	sand.u32 $0x180, s0;
	p0 =	sgt.u32 s29, $0x13  }
0x5a: {  	s15 =	sadd.s32 $0xFFFF0000, s31;
	s31 =	sand.u32 $0x1C, s29;
	s30 =	sor.u32 $0xE00, s16  }
0x5b: {  	s16 =	simm.s32 @!p0 $0x4;
	s17 =	sand.u32 $0x10000, s15;
	s0 =	sor.u32 s4, s0  }
0x5c: {  	[tilespmem:s30], [sflag:$0x1] =	stream.indirect.gather [hbm4b:s1+s23], $0x80, s3, s23, $0xb8;
	[tilespmem:$0x8E00] =	vst v63  }
0x5d: {  	s15 =	sand.u32 @!p0 $0x1C0000, s15;
	p1 =	sne.s32 s31, $0x14;
	_ =	swait.ge [sflag:s24], $0x4000  }
0x5e: {  	s17 =	sshrl.u32 s17, $0x2;
	[sflag:s24] =	ssyncset.done $0x0;
	s3 =	rddreg [dreg:$0x3]  }
0x5f: {  	s18 =	sshll.u32 @!p0 s0, $0x4;
	[sflag:s24] =	ssyncadd.s32 $0xFFFFC000;
	s3 =	sadd.s32 @!p0 s3, s15  }
0x60: {  	s15 =	sor.u32 $0xE00, s17;
	s17 =	simm.s32 @!p0 $0x0;
	s3 =	sadd.s32 @!p0 s18, s3  }
0x61: {  	[hbm4b:s3+s17] =	stream.linear.scatter @!p0 [tilespmem:s15], [sflag:$0x4], $0x4000, $0x38;
	[tilespmem:$0x8E00] =	vst v63  }
0x62: {  	s18 =	simm.s32 @!p1 $0x4;
	_ =	swait.ge @!p0 [sflag:s16], $0x4000  }
0x63: {  	s3 =	sshll.u32 @!p1 s0, $0x4;
	s17 =	rddreg [dreg:$0x4];
	[sflag:s16] =	ssyncset.done @!p0 $0x0  }
0x64: {  	[sflag:s16] =	ssyncadd.s32 @!p0 $0xFFFFC000;
	s3 =	sadd.s32 @!p1 s17, s3;
	s16 =	simm.s32 @!p1 $0x0  }
0x65: {  	[hbm4b:s3+s16] =	stream.linear.scatter @!p1 [tilespmem:s15], [sflag:$0x4], $0x4000, $0x38;
	[tilespmem:$0x8E00] =	vst v63  }
0x66: {  	p0 =	slt.u32 s29, $0x18;
	_ =	swait.ge @!p1 [sflag:s18], $0x4000  }
0x67: {  	s0 =	sshll.u32 @!p0 s0, $0x4;
	s3 =	simm.s32 @!p0 $0x3;
	[sflag:s18] =	ssyncset.done @!p1 $0x0  }
0x68: {  	s16 =	simm.s32 @!p0 $0x0;
	s0 =	sadd.s32 @!p0 s5, s0;
	[sflag:s18] =	ssyncadd.s32 @!p1 $0xFFFFC000  }
0x69: {  	[hbm4b:s0+s16] =	stream.linear.scatter @!p0 [tilespmem:s15], [sflag:$0x3], $0x4000, $0x38;
	[tilespmem:$0x8E00] =	vst v63  }
0x6a: {  	_ =	swait.ge @!p0 [sflag:s3], $0x4000  }
0x6b: {  	[sflag:s3] =	ssyncset.done @!p0 $0x0  }
0x6c: {  	[sflag:s3] =	ssyncadd.s32 @!p0 $0xFFFFC000  }
0x6d: {  	s28 =	sadd.s32 $0x1, s28;
	_ =	swait.ge [sflag:s24], $0x4000  }
0x6e: {  	p0 =	sne.s32 s28, s13;
	[sflag:s24] =	ssyncset.done $0x0  }
.Ltmp1:
0x6f: {  	[sflag:s24] =	ssyncadd.s32 $0xFFFFC000;
	(pc) =	sbr.rel @p0 .LBB2_1-.Ltmp1, $4  }
0x70: {  	[hbm4b:s14+s2] =	stream.linear.scatter [tilespmem:s25], [sflag:$0x3], $0x4000, $0x38;
	[tilespmem:$0x8E00] =	vst v63  }
0x71: {  	_ =	swait.ge [sflag:s26], $0x4000  }
0x72: {  	[sflag:s26] =	ssyncset.done $0x0  }
0x73: {  	[sflag:s26] =	ssyncadd.s32 $0xFFFFC000  }
0x74: {  	_ =	sfence.sel $0x180000  }
0x75: {  	[bflag:$0x0] =	sbarrier.arrive $0xFFFF  }
0x76: {  	_ =	strace $0x90000047  }
0x77: {  	s0 =	stileid.u32;
	[bflag:$0x2] =	sbarrier.arrive $0xFFFF  }
0x78: {  	p0 =	sne.s32 s0, $0x0;
	s0 =	rddreg [dreg:$0x2]  }
0x79: {  	s0 =	sadd.s32 @!p0 $0x100000, s0  }
0x7a: {  	[sflag:s0] =	ssyncadd.tile.s32 @!p0 $0x1;
	_ =	shalt  }
.Lfunc_end2:
_tile_overlayer_lowered:
.L_overlay_start_2:
0x7b: {  	(tag) =	ssettag $0x2  }
0x7c: {  	s0 =	rddreg [dreg:$0x0];
	s2 =	stileid.u32  }
0x7d: {  	s1 =	rddreg [dreg:$0x1];
	p0 =	sne.s32 s2, $0x0  }
0x7e: {  	s3 =	rddreg [dreg:$0x2];
	[bflag:$0x3] =	sbarrier.arrive $0xFFFF;
	s2 =	simm.s32 @!p0 $0x1C03  }
0x7f: {  	[timem:s3], [sflag:s2] =	dma.local @!p0 [hbm:s0], s1  }
0x80: {  	s0 =	simm.s32 @!p0 $0x3  }
0x81: {  	_ =	swait.ge @!p0 [sflag:s0], s1  }
0x82: {  	s1 =	ssub.s32 @!p0 $0x0, s1;
	[sflag:s0] =	ssyncset.done @!p0 $0x0  }
0x83: {  	[sflag:s0] =	ssyncadd.s32 @!p0 s1  }
0x84: {  	[bflag:$0x3] =	sbarrier.arrive $0xFFFF  }
0x85: {  	_ =	shalt  }

// kernel: kernel.13.cloned.1.call-start
scs
__scs_entry_jumppad:
0x0: {  	(pc) =	sbr.rel $0x88, $3  }
0x1: {  	(tag) =	ssettag $0x0;
	lr =	simm.s32 $0x1  }
0x2: {  	[smem:$0x3F8F] =	sst lr;
	_ =	strace $0xD0000000  }
0x3: {  	_ = 	snop  }
0x4: {  	_ = 	snop  }
0x5: {  	_ = 	snop  }
0x6: {  	_ = 	snop  }
0x7: {  	_ = 	snop  }
__scs_overlays_trampoline_lowered:
0x8: {  	[smem:$0x3F9E] =	sst s0  }
0x9: {  	[smem:$0x3F9F] =	sst s1  }
0xa: {  	[smem:$0x3FA0] =	sst s2  }
0xb: {  	[smem:$0x3FA1] =	sst s3  }
0xc: {  	[smem:$0x3FA2] =	sst s4  }
0xd: {  	[smem:$0x3FA3] =	sst s5  }
0xe: {  	[smem:$0x3FA4] =	sst s6  }
0xf: {  	[smem:$0x3FA5] =	sst s7  }
0x10: {  	[smem:$0x3FA6] =	sst s8  }
0x11: {  	[smem:$0x3FA7] =	sst s9;
	s0 =	simm.s32 @!p0 $0x0  }
0x12: {  	s1 =	sld [smem:$0x3F8D];
	s0 =	simm.s32 @p0 $0x1  }
0x13: {  	[smem:$0x3FA8] =	sst s0;
	s0 =	simm.s32 @!p1 $0x0  }
0x14: {  	s2 =	sld [smem:$0x3F8C];
	s0 =	simm.s32 @p1 $0x1  }
0x15: {  	[smem:$0x3FA9] =	sst s0;
	s0 =	simm.s32 @!p2 $0x0  }
0x16: {  	s3 =	sld [smem:$0x3FDB];
	s0 =	simm.s32 @p2 $0x1  }
0x17: {  	s4 =	simm.s32 $0x1BF5;
	[smem:$0x3FAB] =	sst s0  }
0x18: {  	s0 =	sld [smem:$0x3F8E];
	_ =	swait.ge [sflag:s4], $0x0  }
0x19: {  	s7 =	sld [smem:$0x3F8F]  }
0x1a: {  	s8 =	sadd.s32 $0xFFFFE003, lr  }
0x1b: {  	s9 =	sadd.s32 $0xFFFFFEF7, lr;
	s5 =	simm.s32 $0xFFFFFFFF;
	p2 =	slt.u32 s8, $0xFFFFF086  }
0x1c: {  	p1 =	slt.u32 s9, $0xF7A;
	s5 =	simm.s32 @!p2 $0x0  }
0x1d: {  	s5 =	simm.s32 @p1 $0x1;
	p0 =	seq.s32 s7, s2  }
0x1e: {  	s7 =	smul.u32 @!p0 $0xF7A, s2;
	p2 =	seq.s32 @!p0 s5, $0x0  }
0x1f: {  	s9 =	smul.u32 $0xF7A, s1;
	s8 =	simm.s32 @!p0 $0x1BF5;
	p2 =	por !p2, p0  }
0x20: {  	[sflag:s8] =	ssyncset.s32 @!p0 $0xFFFFF086;
	s6 =	sadd.s32 @!p0 s3, s7;
	s7 =	simm.s32 @!p0 $0x108  }
0x21: {  	s3 =	sadd.s32 s3, s9;
	s6 =	sadd.s32 @!p0 $0x88, s6;
	s7 =	simm.s32 @p2 $0x1082  }
0x22: {  	[simem:s7], [sflag:s8] =	dma.local @!p0 [hbm:s6], $0xF7A  }
0x23: {  	s9 =	sor.u32 $0xD0000000, s2;
	s6 =	simm.s32 $0x108;
	_ =	swait.ge @!p0 [sflag:s8], $0x0  }
0x24: {  	s3 =	sadd.s32 $0x88, s3;
	s6 =	simm.s32 @!p1 $0x1082;
	[sflag:s4] =	ssyncset.s32 $0xFFFFF086  }
0x25: {  	[simem:s6], [sflag:s4] =	dma.local [hbm:s3], $0xF7A  }
0x26: {  	[smem:$0x3F8F] =	sst s1;
	(tag) =	ssettag s2;
	_ =	strace s9  }
0x27: {  	s1 =	sld [smem:$0x3F9F]  }
0x28: {  	s2 =	sld [smem:$0x3FA0]  }
0x29: {  	s4 =	sld [smem:$0x3FA2]  }
0x2a: {  	p0 =	seq.s32 s5, $0x0;
	s5 =	sld [smem:$0x3FA3]  }
0x2b: {  	s6 =	sld [smem:$0x3FA4]  }
0x2c: {  	s7 =	sld [smem:$0x3FA5]  }
0x2d: {  	s3 =	simm.s32 $0x108;
	s8 =	sld [smem:$0x3FA6]  }
0x2e: {  	s3 =	simm.s32 @!p0 $0x1082;
	s9 =	sld [smem:$0x3FA7]  }
0x2f: {  	lr =	sadd.s32 s0, s3;
	s0 =	sld [smem:$0x3F9E]  }
0x30: {  	s3 =	sld [smem:$0x3FA1]  }
0x31: {  	[smem:$0x3FAA] =	sst s10  }
0x32: {  	s10 =	sld [smem:$0x3FA8];
	_ =	sdelay $0x3  }
0x33: {  	p0 =	seq.s32 s10, $0x1;
	s10 =	sld [smem:$0x3FAA];
	_ =	sdelay $0x3  }
0x34: {  	[smem:$0x3FAA] =	sst s10  }
0x35: {  	s10 =	sld [smem:$0x3FA9];
	_ =	sdelay $0x3  }
0x36: {  	p1 =	seq.s32 s10, $0x1;
	s10 =	sld [smem:$0x3FAA];
	_ =	sdelay $0x3  }
0x37: {  	[smem:$0x3FAA] =	sst s10  }
0x38: {  	s10 =	sld [smem:$0x3FAB]  }
0x39: {  	_ = 	snop;
	(pc) =	sbr.ind lr, $3  }
0x3a: {  	_ = 	snop  }
0x3b: {  	_ = 	snop  }
0x3c: {  	p2 =	seq.s32 s10, $0x1;
	s10 =	sld [smem:$0x3FAA]  }
0x3d: {  	_ =	shalt  }
0x3e: {  	_ =	shalt  }
0x3f: {  	_ =	shalt  }
0x40: {  	_ =	shalt  }
0x41: {  	_ =	shalt  }
0x42: {  	_ =	shalt  }
0x43: {  	_ =	shalt  }
0x44: {  	_ =	shalt  }
0x45: {  	_ =	shalt  }
0x46: {  	_ =	shalt  }
0x47: {  	_ =	shalt  }
0x48: {  	_ =	shalt  }
0x49: {  	_ =	shalt  }
0x4a: {  	_ =	shalt  }
0x4b: {  	_ =	shalt  }
0x4c: {  	_ =	shalt  }
0x4d: {  	_ =	shalt  }
0x4e: {  	_ =	shalt  }
0x4f: {  	_ =	shalt  }
0x50: {  	_ =	shalt  }
0x51: {  	_ =	shalt  }
0x52: {  	_ =	shalt  }
0x53: {  	_ =	shalt  }
0x54: {  	_ =	shalt  }
0x55: {  	_ =	shalt  }
0x56: {  	_ =	shalt  }
0x57: {  	_ =	shalt  }
0x58: {  	_ =	shalt  }
0x59: {  	_ =	shalt  }
0x5a: {  	_ =	shalt  }
0x5b: {  	_ =	shalt  }
0x5c: {  	_ =	shalt  }
0x5d: {  	_ =	shalt  }
0x5e: {  	_ =	shalt  }
0x5f: {  	_ =	shalt  }
0x60: {  	_ =	shalt  }
0x61: {  	_ =	shalt  }
0x62: {  	_ =	shalt  }
0x63: {  	_ =	shalt  }
0x64: {  	_ =	shalt  }
0x65: {  	_ =	shalt  }
0x66: {  	_ =	shalt  }
0x67: {  	_ =	shalt  }
0x68: {  	_ =	shalt  }
0x69: {  	_ =	shalt  }
0x6a: {  	_ =	shalt  }
0x6b: {  	_ =	shalt  }
0x6c: {  	_ =	shalt  }
0x6d: {  	_ =	shalt  }
0x6e: {  	_ =	shalt  }
0x6f: {  	_ =	shalt  }
0x70: {  	_ =	shalt  }
0x71: {  	_ =	shalt  }
0x72: {  	_ =	shalt  }
0x73: {  	_ =	shalt  }
0x74: {  	_ =	shalt  }
0x75: {  	_ =	shalt  }
0x76: {  	_ =	shalt  }
0x77: {  	_ =	shalt  }
0x78: {  	_ =	shalt  }
0x79: {  	_ =	shalt  }
0x7a: {  	_ =	shalt  }
0x7b: {  	_ =	shalt  }
0x7c: {  	_ =	shalt  }
0x7d: {  	_ =	shalt  }
0x7e: {  	_ =	shalt  }
0x7f: {  	_ =	shalt  }
0x80: {  	_ =	shalt  }
0x81: {  	_ =	shalt  }
0x82: {  	_ =	shalt  }
0x83: {  	_ =	shalt  }
0x84: {  	_ =	shalt  }
0x85: {  	_ =	shalt  }
0x86: {  	_ =	shalt  }
0x87: {  	_ =	shalt  }
.Lfunc_end0:
.L_simem_size_0:
called_computation.1_lowered:
.L_overlay_start_0:
0x88: {  	s2 =	sld [smem:$0x3FD9]  }
0x89: {  	s3 =	sld [smem:$0x3FFE];
	_ =	sdelay $0x1  }
0x8a: {  	s1 =	srdreg.scid  }
0x8b: {  	s0 =	sand.u32 $0x1, s1  }
0x8c: {  	s17 =	sshll.u32 s0, $0xA;
	s2 =	sadd.s32 s3, s2  }
0x8d: {  	s2 =	sadd.s32 s2, s17  }
0x8e: {  	[smem:$0x3FB6] =	sst s2  }
0x8f: {  	_ = 	snop  }
0x90: {  	s18 =	sld [smem:$0x3FC9];
	(tm) =	ssettm $0x1  }
0x91: {  	s19 =	sld [smem:$0x3FFB];
	_ =	sdelay $0x3  }
0x92: {  	_ =	strace s19  }
0x93: {  	s2 =	sld [smem:$0x3FFC];
	_ =	sdelay $0x3  }
0x94: {  	_ =	strace s2  }
0x95: {  	s2 =	sld [smem:$0x3FFD];
	_ =	sdelay $0x3  }
0x96: {  	_ =	strace s2  }
0x97: {  	_ =	strace $0x8FFFFFFF  }
0x98: {  	s20 =	sld [smem:$0x3FDB];
	_ =	sdelay $0x1  }
0x99: {  	s4 =	simm.s32 $_scs_section_size  }
0x9a: {  	s5 =	simm.s32 $_size__tile_overlayer_lowered;
	s6 =	simm.s32 $_tile_overlayer_lowered  }
0x9b: {  	s7 =	simm.s32 $0x1BFF;
	s21 =	sshll.u32 s6, $0x1;
	s4 =	sadd.s32 s4, s20  }
0x9c: {  	s22 =	simm.s32 $0x0;
	s5 =	sshll.u32 s5, $0x1;
	s6 =	sadd.s32 s21, s4  }
0x9d: {  	[timem:s22], [sflag:s7] =	dma.local [hbm:s6], s5  }
0x9e: {  	_ =	swait.ge [sflag:s7], s5  }
0x9f: {  	s5 =	ssub.s32 $0x0, s5;
	[sflag:s7] =	ssyncset.done $0x0  }
0xa0: {  	[sflag:s7] =	ssyncadd.s32 s5;
	_ =	sdelay $0x1  }
0xa1: {  	s23 =	simm.s32 $0x1B8B  }
0xa2: {  	_ =	swait.ge [sflag:s23], $0x1  }
0xa3: {  	[sflag:s23] =	ssyncset.done $0x0  }
0xa4: {  	[sflag:s23] =	ssyncadd.s32 $0xFFFFFFFF  }
0xa5: {  	s5 =	sld [smem:$0x0]  }
0xa6: {  	s6 =	sand.u32 $0xFFFFFFFE, s1  }
0xa7: {  	p0 =	sne.s32 s1, s6  }
0xa8: {  	s6 =	sshll.u32 @p0 s6, $0xE  }
0xa9: {  	s6 =	sadd.s32 @p0 $0x11B8D, s6;
	s7 =	sshll.u32 @p0 s5, $0x11  }
0xaa: {  	s6 =	sor.u32 @p0 s7, s6  }
0xab: {  	[sflag:s6] =	ssyncadd.remote.s32 @p0 $0x1;
	_ =	sdelay $0x1  }
0xac: {  	s6 =	simm.s32 @p0 $0x1B8D  }
0xad: {  	_ =	swait.eq @p0 [sflag:s6], $0x1  }
0xae: {  	[sflag:s6] =	ssyncadd.s32 @p0 $0xFFFFFFFF  }
0xaf: {  	s7 =	sshll.u32 @!p0 s1, $0xE  }
0xb0: {  	s7 =	sor.u32 @!p0 $0x4000, s7;
	s6 =	simm.s32 @!p0 $0x1B8D  }
0xb1: {  	s5 =	sshll.u32 @!p0 s5, $0x11;
	s7 =	sadd.s32 @!p0 $0x11B8D, s7;
	_ =	swait.eq @!p0 [sflag:s6], $0x1  }
0xb2: {  	s5 =	sor.u32 @!p0 s5, s7;
	[sflag:s6] =	ssyncadd.s32 @!p0 $0xFFFFFFFF  }
0xb3: {  	s25 =	simm.s32 $0x1B8E;
	s24 =	sld [smem:$0x3FFE];
	[sflag:s5] =	ssyncadd.remote.s32 @!p0 $0x1  }
0xb4: {  	s26 =	simm.s32 $execute0_lowered;
	[smem:$0x3FD2] =	sst s25  }
0xb5: {  	s6 =	sshll.u32 s26, $0x1;
	_ =	strace $0x80000049;
	[dreg:$0x1] =	wrdreg $0xFFFFFFFF  }
0xb6: {  	s28 =	simm.s32 $_size_execute0_lowered;
	s4 =	sadd.s32 s4, s6;
	[dreg:$0x0] =	wrdreg $0x0  }
0xb7: {  	s6 =	sshll.u32 s28, $0x1;
	[dreg:$0x2] =	wrdreg s4  }
0xb8: {  	[dreg:$0x3] =	wrdreg s6  }
0xb9: {  	[dreg:$0x4] =	wrdreg $0xC0  }
0xba: {  	_ =	task [dreg:s22], $0x5FFFF  }
0xbb: {  	[dreg:$0x1] =	wrdreg $0xFFFFFFFF  }
0xbc: {  	[dreg:$0x0] =	wrdreg $0x60  }
0xbd: {  	[dreg:$0x2] =	wrdreg s24  }
0xbe: {  	[dreg:$0x3] =	wrdreg s18  }
0xbf: {  	[dreg:$0x4] =	wrdreg $0xA  }
0xc0: {  	_ =	task.clear_ibuf [dreg:s22], $0x5FFFF;
	_ =	strace $0x90000049  }
0xc1: {  	s29 =	simm.s32 $0xA;
	_ =	strace $0x8000004B  }
0xc2: {  	_ =	swait.ge [sflag:s29], $0x1  }
0xc3: {  	[sflag:s29] =	ssyncadd.s32 $0xFFFFFFFF  }
0xc4: {  	_ =	strace $0x9000004B  }
0xc5: {  	_ =	sfence  }
0xc6: {  	s30 =	sld [smem:$0x0];
	_ =	sdelay $0x2  }
0xc7: {  	s31 =	sshll.u32 s1, $0xD;
	s1 =	sshrl.u32 s1, $0x2  }
0xc8: {  	s4 =	sand.u32 $0x4000, s31;
	s1 =	sadd.s32 s1, s30  }
0xc9: {  	s0 =	sor.u32 s4, s0;
	s1 =	sshll.u32 s1, $0x11  }
0xca: {  	s0 =	sor.u32 s1, s0  }
0xcb: {  	s0 =	sadd.s32 $0x8F2B, s0  }
0xcc: {  	[sflag:s0] =	ssyncadd.remote.s32 $0x1  }
0xcd: {  	_ =	sfence.sel $0xFFFF  }
0xce: {  	[dreg:$0x0] =	wrdreg $0xFFFFFFFF;
	(pc) =	sbr.abs _section_cstart, $3  }
0xcf: {  	[dreg:$0x1] =	wrdreg $0xFFFFFFFF  }
0xd0: {  	_ =	task.clear_ibuf [dreg:s22], $0x2FFFF;
	_ =	strace $0x9FFFFFFF  }
0xd1: {  	(tm) =	ssettm $0x7FFFFFFF  }
tec
execute0_lowered:
.L_overlay_start_1:
0x0: {  	(tag) =	ssettag $0x1  }
0x1: {  	s0 =	rddreg [dreg:$0x0]  }
0x2: {  	s1 =	rddreg [dreg:$0x1];
	s2 =	simm.s32 $0x0;
	s5 =	srdreg.scid  }
0x3: {  	s7 =	stileid.u32;
	s21 =	simm.s32 $0x2;
	s23 =	simm.s32 $0x80  }
0x4: {  	s28 =	simm.s32 $0x0;
	[smem:$0x7FF] =	sst s2;
	s4 =	sadd.s32 $0x1CD800, s0  }
0x5: {  	s3 =	sadd.s32 $0x1CA000, s0;
	s24 =	sadd.s32 $0x30D800, s0;
	s25 =	sshll.u32 s7, $0xA  }
0x6: {  	s6 =	sand.u32 $0x1, s5;
	s12 =	sadd.s32 $0x1CC800, s0;
	s5 =	sadd.s32 $0x34D800, s0  }
0x7: {  	_ =	strace $0x8000004A;
	[dreg:$0x3] =	wrdreg s4;
	s26 =	sshll.u32 s6, $0x9  }
0x8: {  	[dreg:$0x4] =	wrdreg s24;
	s29 =	ssub.s32 $0x2, s6;
	s24 =	simm.s32 $0x1  }
0x9: {  	s4 =	sor.u32 s26, s25;
	s30 =	sshrl.u32 s29, $0x1;
	s25 =	simm.s32 $0x4E00  }
0xa: {  	s26 =	simm.s32 $0x3;
	s11 =	sshrl.u32 s4, $0x3;
	s0 =	ssub.s32 s29, s30  }
0xb: {  	s31 =	sshll.u32 s4, $0x4;
	s6 =	sadd.s32 s3, s11;
	s13 =	sor.u32 $0x800, s11  }
0xc: {  	s11 =	sadd.s32 s12, s11;
	s7 =	sadd.s32 s3, s13;
	s8 =	sadd.s32 $0x1000, s6  }
0xd: {  	s9 =	sadd.s32 $0x1800, s6;
	s10 =	sadd.s32 $0x2000, s6;
	s3 =	sadd.s32 s31, s5  }
0xe: {  	s12 =	sadd.s32 s12, s13;
	s13 =	smax.u32 s0, $0x1;
	s14 =	sadd.s32 $0x1800, s3  }
.LBB2_1:
0xf: {  	[tilespmem:s2], [sflag:$0x2] =	stream.linear.gather [hbm4b:s6+s2], $0x200, $0x38;
	[tilespmem:$0x8E00] =	vst v63  }
0x10: {  	s0 =	simm.s32 $0x200  }
0x11: {  	[tilespmem:s0], [sflag:$0x2] =	stream.linear.gather [hbm4b:s7+s2], $0x200, $0x38;
	[tilespmem:$0x8E00] =	vst v63  }
0x12: {  	s22 =	simm.s32 $0x400  }
0x13: {  	[tilespmem:s22], [sflag:$0x2] =	stream.linear.gather [hbm4b:s8+s2], $0x200, $0x38;
	[tilespmem:$0x8E00] =	vst v63  }
0x14: {  	s3 =	simm.s32 $0x600  }
0x15: {  	[tilespmem:s3], [sflag:$0x2] =	stream.linear.gather [hbm4b:s9+s2], $0x200, $0x38;
	[tilespmem:$0x8E00] =	vst v63  }
0x16: {  	s15 =	simm.s32 $0x800  }
0x17: {  	[tilespmem:s15], [sflag:$0x2] =	stream.linear.gather [hbm4b:s10+s2], $0x200, $0x38;
	[tilespmem:$0x8E00] =	vst v63  }
0x18: {  	s16 =	simm.s32 $0xA00  }
0x19: {  	[tilespmem:s16], [sflag:$0x2] =	stream.linear.gather [hbm4b:s11+s2], $0x200, $0x38;
	[tilespmem:$0x8E00] =	vst v63  }
0x1a: {  	s17 =	simm.s32 $0xC00  }
0x1b: {  	[tilespmem:s17], [sflag:$0x2] =	stream.linear.gather [hbm4b:s12+s2], $0x200, $0x38;
	[tilespmem:$0x8E00] =	vst v63  }
0x1c: {  	_ =	swait.ge [sflag:s21], $0x200  }
0x1d: {  	[sflag:s21] =	ssyncset.done $0x0  }
0x1e: {  	[sflag:s21] =	ssyncadd.s32 $0xFFFFFE00  }
0x1f: {  	_ =	swait.ge [sflag:s21], $0x200  }
0x20: {  	[sflag:s21] =	ssyncset.done $0x0  }
0x21: {  	[sflag:s21] =	ssyncadd.s32 $0xFFFFFE00  }
0x22: {  	_ =	swait.ge [sflag:s21], $0x200  }
0x23: {  	[sflag:s21] =	ssyncset.done $0x0  }
0x24: {  	[sflag:s21] =	ssyncadd.s32 $0xFFFFFE00  }
0x25: {  	_ =	swait.ge [sflag:s21], $0x200  }
0x26: {  	[sflag:s21] =	ssyncset.done $0x0  }
0x27: {  	[sflag:s21] =	ssyncadd.s32 $0xFFFFFE00  }
0x28: {  	_ =	swait.ge [sflag:s21], $0x200  }
0x29: {  	[sflag:s21] =	ssyncset.done $0x0  }
0x2a: {  	[sflag:s21] =	ssyncadd.s32 $0xFFFFFE00  }
0x2b: {  	_ =	swait.ge [sflag:s21], $0x200  }
0x2c: {  	s19 =	simm.s32 $0x10000;
	[sflag:s21] =	ssyncset.done $0x0  }
0x2d: {  	s18 =	simm.s32 $0xE00;
	s0 =	sand.u32 $0x10000, s19;
	[sflag:s21] =	ssyncadd.s32 $0xFFFFFE00  }
0x2e: {  	s20 =	sand.u32 $0x180, s2;
	s0 =	sshrl.u32 s0, $0x2;
	_ =	swait.ge [sflag:s21], $0x200  }
0x2f: {  	p0 =	por $0x0, $0x0;
	s0 =	sor.u32 $0xE00, s0;
	[sflag:s21] =	ssyncset.done $0x0  }
0x30: {  	s22 =	sand.u32 $0x1C, s2;
	s15 =	simm.s32 $0x0;
	[sflag:s21] =	ssyncadd.s32 $0xFFFFFE00  }
0x31: {  	[tilespmem:s18], [sflag:$0x1] =	stream.indirect.gather [hbm4b:s1+s23], $0x80, s2, s23, $0xb8;
	[tilespmem:$0x8E00] =	vst v63  }
0x32: {  	p1 =	sne.s32 s22, $0x14;
	s29 =	sand.u32 $0x10000, s15;
	s15 =	sand.u32 @!p0 $0x1C0000, s15  }
0x33: {  	[tilespmem:s0], [sflag:$0x1] =	stream.indirect.gather [hbm4b:s1+s23], $0x80, s23, s23, $0xb8;
	[tilespmem:$0x8E00] =	vst v63  }
0x34: {  	s16 =	simm.s32 @!p0 $0x4;
	s29 =	sshrl.u32 s29, $0x2;
	_ =	swait.ge [sflag:s24], $0x4000  }
0x35: {  	s31 =	sor.u32 $0xE00, s29;
	s0 =	sor.u32 s4, s20;
	s3 =	rddreg [dreg:$0x3]  }
0x36: {  	s30 =	sshll.u32 @!p0 s0, $0x4;
	[sflag:s24] =	ssyncset.done $0x0;
	s3 =	sadd.s32 @!p0 s3, s15  }
0x37: {  	[sflag:s24] =	ssyncadd.s32 $0xFFFFC000;
	s15 =	simm.s32 @!p0 $0x0;
	s3 =	sadd.s32 @!p0 s30, s3  }
0x38: {  	[hbm4b:s3+s15] =	stream.linear.scatter @!p0 [tilespmem:s31], [sflag:$0x4], $0x4000, $0x38;
	[tilespmem:$0x8E00] =	vst v63  }
0x39: {  	s29 =	simm.s32 $0x1;
	s17 =	simm.s32 @!p1 $0x4;
	_ =	swait.ge @!p0 [sflag:s16], $0x4000  }
0x3a: {  	s3 =	sshll.u32 @!p1 s0, $0x4;
	s15 =	rddreg [dreg:$0x4];
	[sflag:s16] =	ssyncset.done @!p0 $0x0  }
0x3b: {  	[sflag:s16] =	ssyncadd.s32 @!p0 $0xFFFFC000;
	s3 =	sadd.s32 @!p1 s15, s3;
	s15 =	simm.s32 @!p1 $0x0  }
0x3c: {  	[hbm4b:s3+s15] =	stream.linear.scatter @!p1 [tilespmem:s31], [sflag:$0x4], $0x4000, $0x38;
	[tilespmem:$0x8E00] =	vst v63  }
0x3d: {  	s30 =	simm.s32 $0x2;
	p0 =	por $0x1, $0x1;
	_ =	swait.ge @!p1 [sflag:s17], $0x4000  }
0x3e: {  	s0 =	sshll.u32 @!p0 s0, $0x4;
	s15 =	simm.s32 @!p0 $0x3;
	[sflag:s17] =	ssyncset.done @!p1 $0x0  }
0x3f: {  	s3 =	simm.s32 @!p0 $0x0;
	s0 =	sadd.s32 @!p0 s5, s0;
	[sflag:s17] =	ssyncadd.s32 @!p1 $0xFFFFC000  }
0x40: {  	[hbm4b:s0+s3] =	stream.linear.scatter @!p0 [tilespmem:s31], [sflag:$0x3], $0x4000, $0x38;
	[tilespmem:$0x8E00] =	vst v63  }
0x41: {  	s31 =	simm.s32 $0x20000;
	s0 =	simm.s32 $0x80;
	_ =	swait.ge @!p0 [sflag:s15], $0x4000  }
0x42: {  	s3 =	simm.s32 $0x100;
	s16 =	sand.u32 $0x10000, s31;
	[sflag:s15] =	ssyncset.done @!p0 $0x0  }
.LBB2_2:
0x43: {  	s16 =	sshrl.u32 s16, $0x2;
	[sflag:s15] =	ssyncadd.s32 @!p0 $0xFFFFC000  }
0x44: {  	s15 =	smov.u32 s30;
	s30 =	sadd.s32 $0x1, s30;
	s22 =	sand.u32 $0x180, s0  }
0x45: {  	p0 =	slt.u32 s29, $0x18;
	p2 =	sgt.u32 s29, $0x13;
	s18 =	sadd.s32 $0xFFFF0000, s31  }
0x46: {  	s16 =	sor.u32 $0xE00, s16;
	s19 =	simm.s32 @!p2 $0x4;
	s20 =	sand.u32 $0x10000, s18  }
0x47: {  	[tilespmem:s16], [sflag:$0x1] =	stream.indirect.gather [hbm4b:s1+s23], $0x80, s3, s23, $0xb8;
	[tilespmem:$0x8E00] =	vst v63  }
0x48: {  	s18 =	sand.u32 @!p2 $0x1C0000, s18;
	s16 =	sor.u32 s4, s22;
	_ =	swait.ge [sflag:s24], $0x4000  }
0x49: {  	s20 =	sshrl.u32 s20, $0x2;
	[sflag:s24] =	ssyncset.done $0x0;
	s17 =	rddreg [dreg:$0x3]  }
0x4a: {  	s22 =	sshll.u32 @!p2 s16, $0x4;
	[sflag:s24] =	ssyncadd.s32 $0xFFFFC000;
	s17 =	sadd.s32 @!p2 s17, s18  }
0x4b: {  	s18 =	sor.u32 $0xE00, s20;
	s20 =	simm.s32 @!p2 $0x0;
	s17 =	sadd.s32 @!p2 s22, s17  }
0x4c: {  	[hbm4b:s17+s20] =	stream.linear.scatter @!p2 [tilespmem:s18], [sflag:$0x4], $0x4000, $0x38;
	[tilespmem:$0x8E00] =	vst v63  }
0x4d: {  	s17 =	sshll.u32 @!p0 s16, $0x4;
	s20 =	sand.u32 $0x1C, s29;
	_ =	swait.ge @!p2 [sflag:s19], $0x4000  }
0x4e: {  	s29 =	smov.u32 s15;
	p3 =	sne.s32 s20, $0x14;
	s22 =	rddreg [dreg:$0x4]  }
0x4f: {  	[sflag:s19] =	ssyncset.done @!p2 $0x0;
	s15 =	sshll.u32 @!p3 s16, $0x4;
	s16 =	simm.s32 @!p3 $0x4  }
0x50: {  	[sflag:s19] =	ssyncadd.s32 @!p2 $0xFFFFC000;
	s15 =	sadd.s32 @!p3 s22, s15;
	s19 =	simm.s32 @!p3 $0x0  }
0x51: {  	[hbm4b:s15+s19] =	stream.linear.scatter @!p3 [tilespmem:s18], [sflag:$0x4], $0x4000, $0x38;
	[tilespmem:$0x8E00] =	vst v63  }
0x52: {  	p1 =	sne.s32 s30, $0x1B;
	_ =	swait.ge @!p3 [sflag:s16], $0x4000  }
.Ltmp0:
0x53: {  	s15 =	simm.s32 @!p0 $0x3;
	[sflag:s16] =	ssyncset.done @!p3 $0x0;
	(pc) =	sbr.rel @p1 .LBB2_2-.Ltmp0, $4  }
0x54: {  	[sflag:s16] =	ssyncadd.s32 @!p3 $0xFFFFC000;
	s16 =	sadd.s32 @!p0 s5, s17;
	s17 =	simm.s32 @!p0 $0x0  }
0x55: {  	[hbm4b:s16+s17] =	stream.linear.scatter @!p0 [tilespmem:s18], [sflag:$0x3], $0x4000, $0x38;
	[tilespmem:$0x8E00] =	vst v63  }
0x56: {  	s31 =	sadd.s32 $0x10000, s31;
	s0 =	sadd.s32 $0x80, s0;
	_ =	swait.ge @!p0 [sflag:s15], $0x4000  }
0x57: {  	s3 =	sadd.s32 $0x80, s3;
	s16 =	sand.u32 $0x10000, s31;
	[sflag:s15] =	ssyncset.done @!p0 $0x0  }
0x58: {  	s16 =	sshrl.u32 s16, $0x2  }
0x59: {  	[sflag:s15] =	ssyncadd.s32 @!p0 $0xFFFFC000;
	s0 =	sand.u32 $0x180, s0;
	p0 =	sgt.u32 s29, $0x13  }
0x5a: {  	s15 =	sadd.s32 $0xFFFF0000, s31;
	s31 =	sand.u32 $0x1C, s29;
	s30 =	sor.u32 $0xE00, s16  }
0x5b: {  	s16 =	simm.s32 @!p0 $0x4;
	s17 =	sand.u32 $0x10000, s15;
	s0 =	sor.u32 s4, s0  }
0x5c: {  	[tilespmem:s30], [sflag:$0x1] =	stream.indirect.gather [hbm4b:s1+s23], $0x80, s3, s23, $0xb8;
	[tilespmem:$0x8E00] =	vst v63  }
0x5d: {  	s15 =	sand.u32 @!p0 $0x1C0000, s15;
	p1 =	sne.s32 s31, $0x14;
	_ =	swait.ge [sflag:s24], $0x4000  }
0x5e: {  	s17 =	sshrl.u32 s17, $0x2;
	[sflag:s24] =	ssyncset.done $0x0;
	s3 =	rddreg [dreg:$0x3]  }
0x5f: {  	s18 =	sshll.u32 @!p0 s0, $0x4;
	[sflag:s24] =	ssyncadd.s32 $0xFFFFC000;
	s3 =	sadd.s32 @!p0 s3, s15  }
0x60: {  	s15 =	sor.u32 $0xE00, s17;
	s17 =	simm.s32 @!p0 $0x0;
	s3 =	sadd.s32 @!p0 s18, s3  }
0x61: {  	[hbm4b:s3+s17] =	stream.linear.scatter @!p0 [tilespmem:s15], [sflag:$0x4], $0x4000, $0x38;
	[tilespmem:$0x8E00] =	vst v63  }
0x62: {  	s18 =	simm.s32 @!p1 $0x4;
	_ =	swait.ge @!p0 [sflag:s16], $0x4000  }
0x63: {  	s3 =	sshll.u32 @!p1 s0, $0x4;
	s17 =	rddreg [dreg:$0x4];
	[sflag:s16] =	ssyncset.done @!p0 $0x0  }
0x64: {  	[sflag:s16] =	ssyncadd.s32 @!p0 $0xFFFFC000;
	s3 =	sadd.s32 @!p1 s17, s3;
	s16 =	simm.s32 @!p1 $0x0  }
0x65: {  	[hbm4b:s3+s16] =	stream.linear.scatter @!p1 [tilespmem:s15], [sflag:$0x4], $0x4000, $0x38;
	[tilespmem:$0x8E00] =	vst v63  }
0x66: {  	p0 =	slt.u32 s29, $0x18;
	_ =	swait.ge @!p1 [sflag:s18], $0x4000  }
0x67: {  	s0 =	sshll.u32 @!p0 s0, $0x4;
	s3 =	simm.s32 @!p0 $0x3;
	[sflag:s18] =	ssyncset.done @!p1 $0x0  }
0x68: {  	s16 =	simm.s32 @!p0 $0x0;
	s0 =	sadd.s32 @!p0 s5, s0;
	[sflag:s18] =	ssyncadd.s32 @!p1 $0xFFFFC000  }
0x69: {  	[hbm4b:s0+s16] =	stream.linear.scatter @!p0 [tilespmem:s15], [sflag:$0x3], $0x4000, $0x38;
	[tilespmem:$0x8E00] =	vst v63  }
0x6a: {  	_ =	swait.ge @!p0 [sflag:s3], $0x4000  }
0x6b: {  	[sflag:s3] =	ssyncset.done @!p0 $0x0  }
0x6c: {  	[sflag:s3] =	ssyncadd.s32 @!p0 $0xFFFFC000  }
0x6d: {  	s28 =	sadd.s32 $0x1, s28;
	_ =	swait.ge [sflag:s24], $0x4000  }
0x6e: {  	p0 =	sne.s32 s28, s13;
	[sflag:s24] =	ssyncset.done $0x0  }
.Ltmp1:
0x6f: {  	[sflag:s24] =	ssyncadd.s32 $0xFFFFC000;
	(pc) =	sbr.rel @p0 .LBB2_1-.Ltmp1, $4  }
0x70: {  	[hbm4b:s14+s2] =	stream.linear.scatter [tilespmem:s25], [sflag:$0x3], $0x4000, $0x38;
	[tilespmem:$0x8E00] =	vst v63  }
0x71: {  	_ =	swait.ge [sflag:s26], $0x4000  }
0x72: {  	[sflag:s26] =	ssyncset.done $0x0  }
0x73: {  	[sflag:s26] =	ssyncadd.s32 $0xFFFFC000  }
0x74: {  	_ =	sfence.sel $0x180000  }
0x75: {  	[bflag:$0x0] =	sbarrier.arrive $0xFFFF  }
0x76: {  	_ =	strace $0x9000004A  }
0x77: {  	s0 =	stileid.u32;
	[bflag:$0x2] =	sbarrier.arrive $0xFFFF  }
0x78: {  	p0 =	sne.s32 s0, $0x0;
	s0 =	rddreg [dreg:$0x2]  }
0x79: {  	s0 =	sadd.s32 @!p0 $0x100000, s0  }
0x7a: {  	[sflag:s0] =	ssyncadd.tile.s32 @!p0 $0x1;
	_ =	shalt  }
.Lfunc_end2:
_tile_overlayer_lowered:
.L_overlay_start_2:
0x7b: {  	(tag) =	ssettag $0x2  }
0x7c: {  	s0 =	rddreg [dreg:$0x0];
	s2 =	stileid.u32  }
0x7d: {  	s1 =	rddreg [dreg:$0x1];
	p0 =	sne.s32 s2, $0x0  }
0x7e: {  	s3 =	rddreg [dreg:$0x2];
	[bflag:$0x3] =	sbarrier.arrive $0xFFFF;
	s2 =	simm.s32 @!p0 $0x1C03  }
0x7f: {  	[timem:s3], [sflag:s2] =	dma.local @!p0 [hbm:s0], s1  }
0x80: {  	s0 =	simm.s32 @!p0 $0x3  }
0x81: {  	_ =	swait.ge @!p0 [sflag:s0], s1  }
0x82: {  	s1 =	ssub.s32 @!p0 $0x0, s1;
	[sflag:s0] =	ssyncset.done @!p0 $0x0  }
0x83: {  	[sflag:s0] =	ssyncadd.s32 @!p0 s1  }
0x84: {  	[bflag:$0x3] =	sbarrier.arrive $0xFFFF  }
0x85: {  	_ =	shalt  }

// kernel: kernel.16.cloned.1.call-start
scs
__scs_entry_jumppad:
0x0: {  	(pc) =	sbr.rel $0x88, $3  }
0x1: {  	(tag) =	ssettag $0x0;
	lr =	simm.s32 $0x1  }
0x2: {  	[smem:$0x3F8F] =	sst lr;
	_ =	strace $0xD0000000  }
0x3: {  	_ = 	snop  }
0x4: {  	_ = 	snop  }
0x5: {  	_ = 	snop  }
0x6: {  	_ = 	snop  }
0x7: {  	_ = 	snop  }
__scs_overlays_trampoline_lowered:
0x8: {  	[smem:$0x3F9E] =	sst s0  }
0x9: {  	[smem:$0x3F9F] =	sst s1  }
0xa: {  	[smem:$0x3FA0] =	sst s2  }
0xb: {  	[smem:$0x3FA1] =	sst s3  }
0xc: {  	[smem:$0x3FA2] =	sst s4  }
0xd: {  	[smem:$0x3FA3] =	sst s5  }
0xe: {  	[smem:$0x3FA4] =	sst s6  }
0xf: {  	[smem:$0x3FA5] =	sst s7  }
0x10: {  	[smem:$0x3FA6] =	sst s8  }
0x11: {  	[smem:$0x3FA7] =	sst s9;
	s0 =	simm.s32 @!p0 $0x0  }
0x12: {  	s1 =	sld [smem:$0x3F8D];
	s0 =	simm.s32 @p0 $0x1  }
0x13: {  	[smem:$0x3FA8] =	sst s0;
	s0 =	simm.s32 @!p1 $0x0  }
0x14: {  	s2 =	sld [smem:$0x3F8C];
	s0 =	simm.s32 @p1 $0x1  }
0x15: {  	[smem:$0x3FA9] =	sst s0;
	s0 =	simm.s32 @!p2 $0x0  }
0x16: {  	s3 =	sld [smem:$0x3FDB];
	s0 =	simm.s32 @p2 $0x1  }
0x17: {  	s4 =	simm.s32 $0x1BF5;
	[smem:$0x3FAB] =	sst s0  }
0x18: {  	s0 =	sld [smem:$0x3F8E];
	_ =	swait.ge [sflag:s4], $0x0  }
0x19: {  	s7 =	sld [smem:$0x3F8F]  }
0x1a: {  	s8 =	sadd.s32 $0xFFFFE003, lr  }
0x1b: {  	s9 =	sadd.s32 $0xFFFFFEF7, lr;
	s5 =	simm.s32 $0xFFFFFFFF;
	p2 =	slt.u32 s8, $0xFFFFF086  }
0x1c: {  	p1 =	slt.u32 s9, $0xF7A;
	s5 =	simm.s32 @!p2 $0x0  }
0x1d: {  	s5 =	simm.s32 @p1 $0x1;
	p0 =	seq.s32 s7, s2  }
0x1e: {  	s7 =	smul.u32 @!p0 $0xF7A, s2;
	p2 =	seq.s32 @!p0 s5, $0x0  }
0x1f: {  	s9 =	smul.u32 $0xF7A, s1;
	s8 =	simm.s32 @!p0 $0x1BF5;
	p2 =	por !p2, p0  }
0x20: {  	[sflag:s8] =	ssyncset.s32 @!p0 $0xFFFFF086;
	s6 =	sadd.s32 @!p0 s3, s7;
	s7 =	simm.s32 @!p0 $0x108  }
0x21: {  	s3 =	sadd.s32 s3, s9;
	s6 =	sadd.s32 @!p0 $0x88, s6;
	s7 =	simm.s32 @p2 $0x1082  }
0x22: {  	[simem:s7], [sflag:s8] =	dma.local @!p0 [hbm:s6], $0xF7A  }
0x23: {  	s9 =	sor.u32 $0xD0000000, s2;
	s6 =	simm.s32 $0x108;
	_ =	swait.ge @!p0 [sflag:s8], $0x0  }
0x24: {  	s3 =	sadd.s32 $0x88, s3;
	s6 =	simm.s32 @!p1 $0x1082;
	[sflag:s4] =	ssyncset.s32 $0xFFFFF086  }
0x25: {  	[simem:s6], [sflag:s4] =	dma.local [hbm:s3], $0xF7A  }
0x26: {  	[smem:$0x3F8F] =	sst s1;
	(tag) =	ssettag s2;
	_ =	strace s9  }
0x27: {  	s1 =	sld [smem:$0x3F9F]  }
0x28: {  	s2 =	sld [smem:$0x3FA0]  }
0x29: {  	s4 =	sld [smem:$0x3FA2]  }
0x2a: {  	p0 =	seq.s32 s5, $0x0;
	s5 =	sld [smem:$0x3FA3]  }
0x2b: {  	s6 =	sld [smem:$0x3FA4]  }
0x2c: {  	s7 =	sld [smem:$0x3FA5]  }
0x2d: {  	s3 =	simm.s32 $0x108;
	s8 =	sld [smem:$0x3FA6]  }
0x2e: {  	s3 =	simm.s32 @!p0 $0x1082;
	s9 =	sld [smem:$0x3FA7]  }
0x2f: {  	lr =	sadd.s32 s0, s3;
	s0 =	sld [smem:$0x3F9E]  }
0x30: {  	s3 =	sld [smem:$0x3FA1]  }
0x31: {  	[smem:$0x3FAA] =	sst s10  }
0x32: {  	s10 =	sld [smem:$0x3FA8];
	_ =	sdelay $0x3  }
0x33: {  	p0 =	seq.s32 s10, $0x1;
	s10 =	sld [smem:$0x3FAA];
	_ =	sdelay $0x3  }
0x34: {  	[smem:$0x3FAA] =	sst s10  }
0x35: {  	s10 =	sld [smem:$0x3FA9];
	_ =	sdelay $0x3  }
0x36: {  	p1 =	seq.s32 s10, $0x1;
	s10 =	sld [smem:$0x3FAA];
	_ =	sdelay $0x3  }
0x37: {  	[smem:$0x3FAA] =	sst s10  }
0x38: {  	s10 =	sld [smem:$0x3FAB]  }
0x39: {  	_ = 	snop;
	(pc) =	sbr.ind lr, $3  }
0x3a: {  	_ = 	snop  }
0x3b: {  	_ = 	snop  }
0x3c: {  	p2 =	seq.s32 s10, $0x1;
	s10 =	sld [smem:$0x3FAA]  }
0x3d: {  	_ =	shalt  }
0x3e: {  	_ =	shalt  }
0x3f: {  	_ =	shalt  }
0x40: {  	_ =	shalt  }
0x41: {  	_ =	shalt  }
0x42: {  	_ =	shalt  }
0x43: {  	_ =	shalt  }
0x44: {  	_ =	shalt  }
0x45: {  	_ =	shalt  }
0x46: {  	_ =	shalt  }
0x47: {  	_ =	shalt  }
0x48: {  	_ =	shalt  }
0x49: {  	_ =	shalt  }
0x4a: {  	_ =	shalt  }
0x4b: {  	_ =	shalt  }
0x4c: {  	_ =	shalt  }
0x4d: {  	_ =	shalt  }
0x4e: {  	_ =	shalt  }
0x4f: {  	_ =	shalt  }
0x50: {  	_ =	shalt  }
0x51: {  	_ =	shalt  }
0x52: {  	_ =	shalt  }
0x53: {  	_ =	shalt  }
0x54: {  	_ =	shalt  }
0x55: {  	_ =	shalt  }
0x56: {  	_ =	shalt  }
0x57: {  	_ =	shalt  }
0x58: {  	_ =	shalt  }
0x59: {  	_ =	shalt  }
0x5a: {  	_ =	shalt  }
0x5b: {  	_ =	shalt  }
0x5c: {  	_ =	shalt  }
0x5d: {  	_ =	shalt  }
0x5e: {  	_ =	shalt  }
0x5f: {  	_ =	shalt  }
0x60: {  	_ =	shalt  }
0x61: {  	_ =	shalt  }
0x62: {  	_ =	shalt  }
0x63: {  	_ =	shalt  }
0x64: {  	_ =	shalt  }
0x65: {  	_ =	shalt  }
0x66: {  	_ =	shalt  }
0x67: {  	_ =	shalt  }
0x68: {  	_ =	shalt  }
0x69: {  	_ =	shalt  }
0x6a: {  	_ =	shalt  }
0x6b: {  	_ =	shalt  }
0x6c: {  	_ =	shalt  }
0x6d: {  	_ =	shalt  }
0x6e: {  	_ =	shalt  }
0x6f: {  	_ =	shalt  }
0x70: {  	_ =	shalt  }
0x71: {  	_ =	shalt  }
0x72: {  	_ =	shalt  }
0x73: {  	_ =	shalt  }
0x74: {  	_ =	shalt  }
0x75: {  	_ =	shalt  }
0x76: {  	_ =	shalt  }
0x77: {  	_ =	shalt  }
0x78: {  	_ =	shalt  }
0x79: {  	_ =	shalt  }
0x7a: {  	_ =	shalt  }
0x7b: {  	_ =	shalt  }
0x7c: {  	_ =	shalt  }
0x7d: {  	_ =	shalt  }
0x7e: {  	_ =	shalt  }
0x7f: {  	_ =	shalt  }
0x80: {  	_ =	shalt  }
0x81: {  	_ =	shalt  }
0x82: {  	_ =	shalt  }
0x83: {  	_ =	shalt  }
0x84: {  	_ =	shalt  }
0x85: {  	_ =	shalt  }
0x86: {  	_ =	shalt  }
0x87: {  	_ =	shalt  }
.Lfunc_end0:
.L_simem_size_0:
called_computation.2_lowered:
.L_overlay_start_0:
0x88: {  	s2 =	sld [smem:$0x3FD9]  }
0x89: {  	s3 =	sld [smem:$0x3FFE];
	_ =	sdelay $0x1  }
0x8a: {  	s1 =	srdreg.scid  }
0x8b: {  	s0 =	sand.u32 $0x1, s1  }
0x8c: {  	s17 =	sshll.u32 s0, $0xA;
	s2 =	sadd.s32 s3, s2  }
0x8d: {  	s2 =	sadd.s32 s2, s17  }
0x8e: {  	[smem:$0x3FB6] =	sst s2  }
0x8f: {  	_ = 	snop  }
0x90: {  	s18 =	sld [smem:$0x3FC9];
	(tm) =	ssettm $0x1  }
0x91: {  	s19 =	sld [smem:$0x3FFB];
	_ =	sdelay $0x3  }
0x92: {  	_ =	strace s19  }
0x93: {  	s2 =	sld [smem:$0x3FFC];
	_ =	sdelay $0x3  }
0x94: {  	_ =	strace s2  }
0x95: {  	s2 =	sld [smem:$0x3FFD];
	_ =	sdelay $0x3  }
0x96: {  	_ =	strace s2  }
0x97: {  	_ =	strace $0x8FFFFFFF  }
0x98: {  	s20 =	sld [smem:$0x3FDB];
	_ =	sdelay $0x1  }
0x99: {  	s4 =	simm.s32 $_scs_section_size  }
0x9a: {  	s5 =	simm.s32 $_size__tile_overlayer_lowered;
	s6 =	simm.s32 $_tile_overlayer_lowered  }
0x9b: {  	s7 =	simm.s32 $0x1BFF;
	s21 =	sshll.u32 s6, $0x1;
	s4 =	sadd.s32 s4, s20  }
0x9c: {  	s22 =	simm.s32 $0x0;
	s5 =	sshll.u32 s5, $0x1;
	s6 =	sadd.s32 s21, s4  }
0x9d: {  	[timem:s22], [sflag:s7] =	dma.local [hbm:s6], s5  }
0x9e: {  	_ =	swait.ge [sflag:s7], s5  }
0x9f: {  	s5 =	ssub.s32 $0x0, s5;
	[sflag:s7] =	ssyncset.done $0x0  }
0xa0: {  	[sflag:s7] =	ssyncadd.s32 s5;
	_ =	sdelay $0x1  }
0xa1: {  	s23 =	simm.s32 $0x1B8B  }
0xa2: {  	_ =	swait.ge [sflag:s23], $0x1  }
0xa3: {  	[sflag:s23] =	ssyncset.done $0x0  }
0xa4: {  	[sflag:s23] =	ssyncadd.s32 $0xFFFFFFFF  }
0xa5: {  	s5 =	sld [smem:$0x0]  }
0xa6: {  	s6 =	sand.u32 $0xFFFFFFFE, s1  }
0xa7: {  	p0 =	sne.s32 s1, s6  }
0xa8: {  	s6 =	sshll.u32 @p0 s6, $0xE  }
0xa9: {  	s6 =	sadd.s32 @p0 $0x11B8D, s6;
	s7 =	sshll.u32 @p0 s5, $0x11  }
0xaa: {  	s6 =	sor.u32 @p0 s7, s6  }
0xab: {  	[sflag:s6] =	ssyncadd.remote.s32 @p0 $0x1;
	_ =	sdelay $0x1  }
0xac: {  	s6 =	simm.s32 @p0 $0x1B8D  }
0xad: {  	_ =	swait.eq @p0 [sflag:s6], $0x1  }
0xae: {  	[sflag:s6] =	ssyncadd.s32 @p0 $0xFFFFFFFF  }
0xaf: {  	s7 =	sshll.u32 @!p0 s1, $0xE  }
0xb0: {  	s7 =	sor.u32 @!p0 $0x4000, s7;
	s6 =	simm.s32 @!p0 $0x1B8D  }
0xb1: {  	s5 =	sshll.u32 @!p0 s5, $0x11;
	s7 =	sadd.s32 @!p0 $0x11B8D, s7;
	_ =	swait.eq @!p0 [sflag:s6], $0x1  }
0xb2: {  	s5 =	sor.u32 @!p0 s5, s7;
	[sflag:s6] =	ssyncadd.s32 @!p0 $0xFFFFFFFF  }
0xb3: {  	s25 =	simm.s32 $0x1B8E;
	s24 =	sld [smem:$0x3FFE];
	[sflag:s5] =	ssyncadd.remote.s32 @!p0 $0x1  }
0xb4: {  	s26 =	simm.s32 $execute0_lowered;
	[smem:$0x3FD2] =	sst s25  }
0xb5: {  	s6 =	sshll.u32 s26, $0x1;
	_ =	strace $0x8000004C;
	[dreg:$0x1] =	wrdreg $0xFFFFFFFF  }
0xb6: {  	s28 =	simm.s32 $_size_execute0_lowered;
	s4 =	sadd.s32 s4, s6;
	[dreg:$0x0] =	wrdreg $0x0  }
0xb7: {  	s6 =	sshll.u32 s28, $0x1;
	[dreg:$0x2] =	wrdreg s4  }
0xb8: {  	[dreg:$0x3] =	wrdreg s6  }
0xb9: {  	[dreg:$0x4] =	wrdreg $0xC0  }
0xba: {  	_ =	task [dreg:s22], $0x5FFFF  }
0xbb: {  	[dreg:$0x1] =	wrdreg $0xFFFFFFFF  }
0xbc: {  	[dreg:$0x0] =	wrdreg $0x60  }
0xbd: {  	[dreg:$0x2] =	wrdreg s24  }
0xbe: {  	[dreg:$0x3] =	wrdreg s18  }
0xbf: {  	[dreg:$0x4] =	wrdreg $0xB  }
0xc0: {  	_ =	task.clear_ibuf [dreg:s22], $0x5FFFF;
	_ =	strace $0x9000004C  }
0xc1: {  	s29 =	simm.s32 $0xB;
	_ =	strace $0x8000004E  }
0xc2: {  	_ =	swait.ge [sflag:s29], $0x1  }
0xc3: {  	[sflag:s29] =	ssyncadd.s32 $0xFFFFFFFF  }
0xc4: {  	_ =	strace $0x9000004E  }
0xc5: {  	_ =	sfence  }
0xc6: {  	s30 =	sld [smem:$0x0];
	_ =	sdelay $0x2  }
0xc7: {  	s31 =	sshll.u32 s1, $0xD;
	s1 =	sshrl.u32 s1, $0x2  }
0xc8: {  	s4 =	sand.u32 $0x4000, s31;
	s1 =	sadd.s32 s1, s30  }
0xc9: {  	s0 =	sor.u32 s4, s0;
	s1 =	sshll.u32 s1, $0x11  }
0xca: {  	s0 =	sor.u32 s1, s0  }
0xcb: {  	s0 =	sadd.s32 $0x8F2B, s0  }
0xcc: {  	[sflag:s0] =	ssyncadd.remote.s32 $0x1  }
0xcd: {  	_ =	sfence.sel $0xFFFF  }
0xce: {  	[dreg:$0x0] =	wrdreg $0xFFFFFFFF;
	(pc) =	sbr.abs _section_cstart, $3  }
0xcf: {  	[dreg:$0x1] =	wrdreg $0xFFFFFFFF  }
0xd0: {  	_ =	task.clear_ibuf [dreg:s22], $0x2FFFF;
	_ =	strace $0x9FFFFFFF  }
0xd1: {  	(tm) =	ssettm $0x7FFFFFFF  }
tec
execute0_lowered:
.L_overlay_start_1:
0x0: {  	(tag) =	ssettag $0x1  }
0x1: {  	s0 =	rddreg [dreg:$0x0]  }
0x2: {  	s1 =	rddreg [dreg:$0x1];
	s2 =	simm.s32 $0x0;
	s5 =	srdreg.scid  }
0x3: {  	s7 =	stileid.u32;
	s21 =	simm.s32 $0x2;
	s23 =	simm.s32 $0x80  }
0x4: {  	s28 =	simm.s32 $0x0;
	[smem:$0x7FF] =	sst s2;
	s3 =	sadd.s32 $0x38D800, s0  }
0x5: {  	s4 =	sadd.s32 $0x391000, s0;
	s6 =	sand.u32 $0x1, s5;
	s24 =	sadd.s32 $0x4D1000, s0  }
0x6: {  	s25 =	sshll.u32 s7, $0xA;
	s12 =	sadd.s32 $0x390000, s0;
	s5 =	sadd.s32 $0x511000, s0  }
0x7: {  	_ =	strace $0x8000004D;
	[dreg:$0x3] =	wrdreg s4;
	s26 =	sshll.u32 s6, $0x9  }
0x8: {  	[dreg:$0x4] =	wrdreg s24;
	s29 =	ssub.s32 $0x2, s6;
	s24 =	simm.s32 $0x1  }
0x9: {  	s4 =	sor.u32 s26, s25;
	s30 =	sshrl.u32 s29, $0x1;
	s25 =	simm.s32 $0x4E00  }
0xa: {  	s26 =	simm.s32 $0x3;
	s11 =	sshrl.u32 s4, $0x3;
	s0 =	ssub.s32 s29, s30  }
0xb: {  	s31 =	sshll.u32 s4, $0x4;
	s6 =	sadd.s32 s3, s11;
	s13 =	sor.u32 $0x800, s11  }
0xc: {  	s11 =	sadd.s32 s12, s11;
	s7 =	sadd.s32 s3, s13;
	s8 =	sadd.s32 $0x1000, s6  }
0xd: {  	s9 =	sadd.s32 $0x1800, s6;
	s10 =	sadd.s32 $0x2000, s6;
	s3 =	sadd.s32 s31, s5  }
0xe: {  	s12 =	sadd.s32 s12, s13;
	s13 =	smax.u32 s0, $0x1;
	s14 =	sadd.s32 $0x1800, s3  }
.LBB2_1:
0xf: {  	[tilespmem:s2], [sflag:$0x2] =	stream.linear.gather [hbm4b:s6+s2], $0x200, $0x38;
	[tilespmem:$0x8E00] =	vst v63  }
0x10: {  	s0 =	simm.s32 $0x200  }
0x11: {  	[tilespmem:s0], [sflag:$0x2] =	stream.linear.gather [hbm4b:s7+s2], $0x200, $0x38;
	[tilespmem:$0x8E00] =	vst v63  }
0x12: {  	s22 =	simm.s32 $0x400  }
0x13: {  	[tilespmem:s22], [sflag:$0x2] =	stream.linear.gather [hbm4b:s8+s2], $0x200, $0x38;
	[tilespmem:$0x8E00] =	vst v63  }
0x14: {  	s3 =	simm.s32 $0x600  }
0x15: {  	[tilespmem:s3], [sflag:$0x2] =	stream.linear.gather [hbm4b:s9+s2], $0x200, $0x38;
	[tilespmem:$0x8E00] =	vst v63  }
0x16: {  	s15 =	simm.s32 $0x800  }
0x17: {  	[tilespmem:s15], [sflag:$0x2] =	stream.linear.gather [hbm4b:s10+s2], $0x200, $0x38;
	[tilespmem:$0x8E00] =	vst v63  }
0x18: {  	s16 =	simm.s32 $0xA00  }
0x19: {  	[tilespmem:s16], [sflag:$0x2] =	stream.linear.gather [hbm4b:s11+s2], $0x200, $0x38;
	[tilespmem:$0x8E00] =	vst v63  }
0x1a: {  	s17 =	simm.s32 $0xC00  }
0x1b: {  	[tilespmem:s17], [sflag:$0x2] =	stream.linear.gather [hbm4b:s12+s2], $0x200, $0x38;
	[tilespmem:$0x8E00] =	vst v63  }
0x1c: {  	_ =	swait.ge [sflag:s21], $0x200  }
0x1d: {  	[sflag:s21] =	ssyncset.done $0x0  }
0x1e: {  	[sflag:s21] =	ssyncadd.s32 $0xFFFFFE00  }
0x1f: {  	_ =	swait.ge [sflag:s21], $0x200  }
0x20: {  	[sflag:s21] =	ssyncset.done $0x0  }
0x21: {  	[sflag:s21] =	ssyncadd.s32 $0xFFFFFE00  }
0x22: {  	_ =	swait.ge [sflag:s21], $0x200  }
0x23: {  	[sflag:s21] =	ssyncset.done $0x0  }
0x24: {  	[sflag:s21] =	ssyncadd.s32 $0xFFFFFE00  }
0x25: {  	_ =	swait.ge [sflag:s21], $0x200  }
0x26: {  	[sflag:s21] =	ssyncset.done $0x0  }
0x27: {  	[sflag:s21] =	ssyncadd.s32 $0xFFFFFE00  }
0x28: {  	_ =	swait.ge [sflag:s21], $0x200  }
0x29: {  	[sflag:s21] =	ssyncset.done $0x0  }
0x2a: {  	[sflag:s21] =	ssyncadd.s32 $0xFFFFFE00  }
0x2b: {  	_ =	swait.ge [sflag:s21], $0x200  }
0x2c: {  	s19 =	simm.s32 $0x10000;
	[sflag:s21] =	ssyncset.done $0x0  }
0x2d: {  	s18 =	simm.s32 $0xE00;
	s0 =	sand.u32 $0x10000, s19;
	[sflag:s21] =	ssyncadd.s32 $0xFFFFFE00  }
0x2e: {  	s20 =	sand.u32 $0x180, s2;
	s0 =	sshrl.u32 s0, $0x2;
	_ =	swait.ge [sflag:s21], $0x200  }
0x2f: {  	p0 =	por $0x0, $0x0;
	s0 =	sor.u32 $0xE00, s0;
	[sflag:s21] =	ssyncset.done $0x0  }
0x30: {  	s22 =	sand.u32 $0x1C, s2;
	s15 =	simm.s32 $0x0;
	[sflag:s21] =	ssyncadd.s32 $0xFFFFFE00  }
0x31: {  	[tilespmem:s18], [sflag:$0x1] =	stream.indirect.gather [hbm4b:s1+s23], $0x80, s2, s23, $0xb8;
	[tilespmem:$0x8E00] =	vst v63  }
0x32: {  	p1 =	sne.s32 s22, $0x14;
	s29 =	sand.u32 $0x10000, s15;
	s15 =	sand.u32 @!p0 $0x1C0000, s15  }
0x33: {  	[tilespmem:s0], [sflag:$0x1] =	stream.indirect.gather [hbm4b:s1+s23], $0x80, s23, s23, $0xb8;
	[tilespmem:$0x8E00] =	vst v63  }
0x34: {  	s16 =	simm.s32 @!p0 $0x4;
	s29 =	sshrl.u32 s29, $0x2;
	_ =	swait.ge [sflag:s24], $0x4000  }
0x35: {  	s31 =	sor.u32 $0xE00, s29;
	s0 =	sor.u32 s4, s20;
	s3 =	rddreg [dreg:$0x3]  }
0x36: {  	s30 =	sshll.u32 @!p0 s0, $0x4;
	[sflag:s24] =	ssyncset.done $0x0;
	s3 =	sadd.s32 @!p0 s3, s15  }
0x37: {  	[sflag:s24] =	ssyncadd.s32 $0xFFFFC000;
	s15 =	simm.s32 @!p0 $0x0;
	s3 =	sadd.s32 @!p0 s30, s3  }
0x38: {  	[hbm4b:s3+s15] =	stream.linear.scatter @!p0 [tilespmem:s31], [sflag:$0x4], $0x4000, $0x38;
	[tilespmem:$0x8E00] =	vst v63  }
0x39: {  	s29 =	simm.s32 $0x1;
	s17 =	simm.s32 @!p1 $0x4;
	_ =	swait.ge @!p0 [sflag:s16], $0x4000  }
0x3a: {  	s3 =	sshll.u32 @!p1 s0, $0x4;
	s15 =	rddreg [dreg:$0x4];
	[sflag:s16] =	ssyncset.done @!p0 $0x0  }
0x3b: {  	[sflag:s16] =	ssyncadd.s32 @!p0 $0xFFFFC000;
	s3 =	sadd.s32 @!p1 s15, s3;
	s15 =	simm.s32 @!p1 $0x0  }
0x3c: {  	[hbm4b:s3+s15] =	stream.linear.scatter @!p1 [tilespmem:s31], [sflag:$0x4], $0x4000, $0x38;
	[tilespmem:$0x8E00] =	vst v63  }
0x3d: {  	s30 =	simm.s32 $0x2;
	p0 =	por $0x1, $0x1;
	_ =	swait.ge @!p1 [sflag:s17], $0x4000  }
0x3e: {  	s0 =	sshll.u32 @!p0 s0, $0x4;
	s15 =	simm.s32 @!p0 $0x3;
	[sflag:s17] =	ssyncset.done @!p1 $0x0  }
0x3f: {  	s3 =	simm.s32 @!p0 $0x0;
	s0 =	sadd.s32 @!p0 s5, s0;
	[sflag:s17] =	ssyncadd.s32 @!p1 $0xFFFFC000  }
0x40: {  	[hbm4b:s0+s3] =	stream.linear.scatter @!p0 [tilespmem:s31], [sflag:$0x3], $0x4000, $0x38;
	[tilespmem:$0x8E00] =	vst v63  }
0x41: {  	s31 =	simm.s32 $0x20000;
	s0 =	simm.s32 $0x80;
	_ =	swait.ge @!p0 [sflag:s15], $0x4000  }
0x42: {  	s3 =	simm.s32 $0x100;
	s16 =	sand.u32 $0x10000, s31;
	[sflag:s15] =	ssyncset.done @!p0 $0x0  }
.LBB2_2:
0x43: {  	s16 =	sshrl.u32 s16, $0x2;
	[sflag:s15] =	ssyncadd.s32 @!p0 $0xFFFFC000  }
0x44: {  	s15 =	smov.u32 s30;
	s30 =	sadd.s32 $0x1, s30;
	s22 =	sand.u32 $0x180, s0  }
0x45: {  	p0 =	slt.u32 s29, $0x18;
	p2 =	sgt.u32 s29, $0x13;
	s18 =	sadd.s32 $0xFFFF0000, s31  }
0x46: {  	s16 =	sor.u32 $0xE00, s16;
	s19 =	simm.s32 @!p2 $0x4;
	s20 =	sand.u32 $0x10000, s18  }
0x47: {  	[tilespmem:s16], [sflag:$0x1] =	stream.indirect.gather [hbm4b:s1+s23], $0x80, s3, s23, $0xb8;
	[tilespmem:$0x8E00] =	vst v63  }
0x48: {  	s18 =	sand.u32 @!p2 $0x1C0000, s18;
	s16 =	sor.u32 s4, s22;
	_ =	swait.ge [sflag:s24], $0x4000  }
0x49: {  	s20 =	sshrl.u32 s20, $0x2;
	[sflag:s24] =	ssyncset.done $0x0;
	s17 =	rddreg [dreg:$0x3]  }
0x4a: {  	s22 =	sshll.u32 @!p2 s16, $0x4;
	[sflag:s24] =	ssyncadd.s32 $0xFFFFC000;
	s17 =	sadd.s32 @!p2 s17, s18  }
0x4b: {  	s18 =	sor.u32 $0xE00, s20;
	s20 =	simm.s32 @!p2 $0x0;
	s17 =	sadd.s32 @!p2 s22, s17  }
0x4c: {  	[hbm4b:s17+s20] =	stream.linear.scatter @!p2 [tilespmem:s18], [sflag:$0x4], $0x4000, $0x38;
	[tilespmem:$0x8E00] =	vst v63  }
0x4d: {  	s17 =	sshll.u32 @!p0 s16, $0x4;
	s20 =	sand.u32 $0x1C, s29;
	_ =	swait.ge @!p2 [sflag:s19], $0x4000  }
0x4e: {  	s29 =	smov.u32 s15;
	p3 =	sne.s32 s20, $0x14;
	s22 =	rddreg [dreg:$0x4]  }
0x4f: {  	[sflag:s19] =	ssyncset.done @!p2 $0x0;
	s15 =	sshll.u32 @!p3 s16, $0x4;
	s16 =	simm.s32 @!p3 $0x4  }
0x50: {  	[sflag:s19] =	ssyncadd.s32 @!p2 $0xFFFFC000;
	s15 =	sadd.s32 @!p3 s22, s15;
	s19 =	simm.s32 @!p3 $0x0  }
0x51: {  	[hbm4b:s15+s19] =	stream.linear.scatter @!p3 [tilespmem:s18], [sflag:$0x4], $0x4000, $0x38;
	[tilespmem:$0x8E00] =	vst v63  }
0x52: {  	p1 =	sne.s32 s30, $0x1B;
	_ =	swait.ge @!p3 [sflag:s16], $0x4000  }
.Ltmp0:
0x53: {  	s15 =	simm.s32 @!p0 $0x3;
	[sflag:s16] =	ssyncset.done @!p3 $0x0;
	(pc) =	sbr.rel @p1 .LBB2_2-.Ltmp0, $4  }
0x54: {  	[sflag:s16] =	ssyncadd.s32 @!p3 $0xFFFFC000;
	s16 =	sadd.s32 @!p0 s5, s17;
	s17 =	simm.s32 @!p0 $0x0  }
0x55: {  	[hbm4b:s16+s17] =	stream.linear.scatter @!p0 [tilespmem:s18], [sflag:$0x3], $0x4000, $0x38;
	[tilespmem:$0x8E00] =	vst v63  }
0x56: {  	s31 =	sadd.s32 $0x10000, s31;
	s0 =	sadd.s32 $0x80, s0;
	_ =	swait.ge @!p0 [sflag:s15], $0x4000  }
0x57: {  	s3 =	sadd.s32 $0x80, s3;
	s16 =	sand.u32 $0x10000, s31;
	[sflag:s15] =	ssyncset.done @!p0 $0x0  }
0x58: {  	s16 =	sshrl.u32 s16, $0x2  }
0x59: {  	[sflag:s15] =	ssyncadd.s32 @!p0 $0xFFFFC000;
	s0 =	sand.u32 $0x180, s0;
	p0 =	sgt.u32 s29, $0x13  }
0x5a: {  	s15 =	sadd.s32 $0xFFFF0000, s31;
	s31 =	sand.u32 $0x1C, s29;
	s30 =	sor.u32 $0xE00, s16  }
0x5b: {  	s16 =	simm.s32 @!p0 $0x4;
	s17 =	sand.u32 $0x10000, s15;
	s0 =	sor.u32 s4, s0  }
0x5c: {  	[tilespmem:s30], [sflag:$0x1] =	stream.indirect.gather [hbm4b:s1+s23], $0x80, s3, s23, $0xb8;
	[tilespmem:$0x8E00] =	vst v63  }
0x5d: {  	s15 =	sand.u32 @!p0 $0x1C0000, s15;
	p1 =	sne.s32 s31, $0x14;
	_ =	swait.ge [sflag:s24], $0x4000  }
0x5e: {  	s17 =	sshrl.u32 s17, $0x2;
	[sflag:s24] =	ssyncset.done $0x0;
	s3 =	rddreg [dreg:$0x3]  }
0x5f: {  	s18 =	sshll.u32 @!p0 s0, $0x4;
	[sflag:s24] =	ssyncadd.s32 $0xFFFFC000;
	s3 =	sadd.s32 @!p0 s3, s15  }
0x60: {  	s15 =	sor.u32 $0xE00, s17;
	s17 =	simm.s32 @!p0 $0x0;
	s3 =	sadd.s32 @!p0 s18, s3  }
0x61: {  	[hbm4b:s3+s17] =	stream.linear.scatter @!p0 [tilespmem:s15], [sflag:$0x4], $0x4000, $0x38;
	[tilespmem:$0x8E00] =	vst v63  }
0x62: {  	s18 =	simm.s32 @!p1 $0x4;
	_ =	swait.ge @!p0 [sflag:s16], $0x4000  }
0x63: {  	s3 =	sshll.u32 @!p1 s0, $0x4;
	s17 =	rddreg [dreg:$0x4];
	[sflag:s16] =	ssyncset.done @!p0 $0x0  }
0x64: {  	[sflag:s16] =	ssyncadd.s32 @!p0 $0xFFFFC000;
	s3 =	sadd.s32 @!p1 s17, s3;
	s16 =	simm.s32 @!p1 $0x0  }
0x65: {  	[hbm4b:s3+s16] =	stream.linear.scatter @!p1 [tilespmem:s15], [sflag:$0x4], $0x4000, $0x38;
	[tilespmem:$0x8E00] =	vst v63  }
0x66: {  	p0 =	slt.u32 s29, $0x18;
	_ =	swait.ge @!p1 [sflag:s18], $0x4000  }
0x67: {  	s0 =	sshll.u32 @!p0 s0, $0x4;
	s3 =	simm.s32 @!p0 $0x3;
	[sflag:s18] =	ssyncset.done @!p1 $0x0  }
0x68: {  	s16 =	simm.s32 @!p0 $0x0;
	s0 =	sadd.s32 @!p0 s5, s0;
	[sflag:s18] =	ssyncadd.s32 @!p1 $0xFFFFC000  }
0x69: {  	[hbm4b:s0+s16] =	stream.linear.scatter @!p0 [tilespmem:s15], [sflag:$0x3], $0x4000, $0x38;
	[tilespmem:$0x8E00] =	vst v63  }
0x6a: {  	_ =	swait.ge @!p0 [sflag:s3], $0x4000  }
0x6b: {  	[sflag:s3] =	ssyncset.done @!p0 $0x0  }
0x6c: {  	[sflag:s3] =	ssyncadd.s32 @!p0 $0xFFFFC000  }
0x6d: {  	s28 =	sadd.s32 $0x1, s28;
	_ =	swait.ge [sflag:s24], $0x4000  }
0x6e: {  	p0 =	sne.s32 s28, s13;
	[sflag:s24] =	ssyncset.done $0x0  }
.Ltmp1:
0x6f: {  	[sflag:s24] =	ssyncadd.s32 $0xFFFFC000;
	(pc) =	sbr.rel @p0 .LBB2_1-.Ltmp1, $4  }
0x70: {  	[hbm4b:s14+s2] =	stream.linear.scatter [tilespmem:s25], [sflag:$0x3], $0x4000, $0x38;
	[tilespmem:$0x8E00] =	vst v63  }
0x71: {  	_ =	swait.ge [sflag:s26], $0x4000  }
0x72: {  	[sflag:s26] =	ssyncset.done $0x0  }
0x73: {  	[sflag:s26] =	ssyncadd.s32 $0xFFFFC000  }
0x74: {  	_ =	sfence.sel $0x180000  }
0x75: {  	[bflag:$0x0] =	sbarrier.arrive $0xFFFF  }
0x76: {  	_ =	strace $0x9000004D  }
0x77: {  	s0 =	stileid.u32;
	[bflag:$0x2] =	sbarrier.arrive $0xFFFF  }
0x78: {  	p0 =	sne.s32 s0, $0x0;
	s0 =	rddreg [dreg:$0x2]  }
0x79: {  	s0 =	sadd.s32 @!p0 $0x100000, s0  }
0x7a: {  	[sflag:s0] =	ssyncadd.tile.s32 @!p0 $0x1;
	_ =	shalt  }
.Lfunc_end2:
_tile_overlayer_lowered:
.L_overlay_start_2:
0x7b: {  	(tag) =	ssettag $0x2  }
0x7c: {  	s0 =	rddreg [dreg:$0x0];
	s2 =	stileid.u32  }
0x7d: {  	s1 =	rddreg [dreg:$0x1];
	p0 =	sne.s32 s2, $0x0  }
0x7e: {  	s3 =	rddreg [dreg:$0x2];
	[bflag:$0x3] =	sbarrier.arrive $0xFFFF;
	s2 =	simm.s32 @!p0 $0x1C03  }
0x7f: {  	[timem:s3], [sflag:s2] =	dma.local @!p0 [hbm:s0], s1  }
0x80: {  	s0 =	simm.s32 @!p0 $0x3  }
0x81: {  	_ =	swait.ge @!p0 [sflag:s0], s1  }
0x82: {  	s1 =	ssub.s32 @!p0 $0x0, s1;
	[sflag:s0] =	ssyncset.done @!p0 $0x0  }
0x83: {  	[sflag:s0] =	ssyncadd.s32 @!p0 s1  }
0x84: {  	[bflag:$0x3] =	sbarrier.arrive $0xFFFF  }
0x85: {  	_ =	shalt  }

// kernel: kernel.19.cloned.1.call-start
scs
__scs_entry_jumppad:
0x0: {  	(pc) =	sbr.rel $0x88, $3  }
0x1: {  	(tag) =	ssettag $0x0;
	lr =	simm.s32 $0x1  }
0x2: {  	[smem:$0x3F8F] =	sst lr;
	_ =	strace $0xD0000000  }
0x3: {  	_ = 	snop  }
0x4: {  	_ = 	snop  }
0x5: {  	_ = 	snop  }
0x6: {  	_ = 	snop  }
0x7: {  	_ = 	snop  }
__scs_overlays_trampoline_lowered:
0x8: {  	[smem:$0x3F9E] =	sst s0  }
0x9: {  	[smem:$0x3F9F] =	sst s1  }
0xa: {  	[smem:$0x3FA0] =	sst s2  }
0xb: {  	[smem:$0x3FA1] =	sst s3  }
0xc: {  	[smem:$0x3FA2] =	sst s4  }
0xd: {  	[smem:$0x3FA3] =	sst s5  }
0xe: {  	[smem:$0x3FA4] =	sst s6  }
0xf: {  	[smem:$0x3FA5] =	sst s7  }
0x10: {  	[smem:$0x3FA6] =	sst s8  }
0x11: {  	[smem:$0x3FA7] =	sst s9;
	s0 =	simm.s32 @!p0 $0x0  }
0x12: {  	s1 =	sld [smem:$0x3F8D];
	s0 =	simm.s32 @p0 $0x1  }
0x13: {  	[smem:$0x3FA8] =	sst s0;
	s0 =	simm.s32 @!p1 $0x0  }
0x14: {  	s2 =	sld [smem:$0x3F8C];
	s0 =	simm.s32 @p1 $0x1  }
0x15: {  	[smem:$0x3FA9] =	sst s0;
	s0 =	simm.s32 @!p2 $0x0  }
0x16: {  	s3 =	sld [smem:$0x3FDB];
	s0 =	simm.s32 @p2 $0x1  }
0x17: {  	s4 =	simm.s32 $0x1BF5;
	[smem:$0x3FAB] =	sst s0  }
0x18: {  	s0 =	sld [smem:$0x3F8E];
	_ =	swait.ge [sflag:s4], $0x0  }
0x19: {  	s7 =	sld [smem:$0x3F8F]  }
0x1a: {  	s8 =	sadd.s32 $0xFFFFE003, lr  }
0x1b: {  	s9 =	sadd.s32 $0xFFFFFEF7, lr;
	s5 =	simm.s32 $0xFFFFFFFF;
	p2 =	slt.u32 s8, $0xFFFFF086  }
0x1c: {  	p1 =	slt.u32 s9, $0xF7A;
	s5 =	simm.s32 @!p2 $0x0  }
0x1d: {  	s5 =	simm.s32 @p1 $0x1;
	p0 =	seq.s32 s7, s2  }
0x1e: {  	s7 =	smul.u32 @!p0 $0xF7A, s2;
	p2 =	seq.s32 @!p0 s5, $0x0  }
0x1f: {  	s9 =	smul.u32 $0xF7A, s1;
	s8 =	simm.s32 @!p0 $0x1BF5;
	p2 =	por !p2, p0  }
0x20: {  	[sflag:s8] =	ssyncset.s32 @!p0 $0xFFFFF086;
	s6 =	sadd.s32 @!p0 s3, s7;
	s7 =	simm.s32 @!p0 $0x108  }
0x21: {  	s3 =	sadd.s32 s3, s9;
	s6 =	sadd.s32 @!p0 $0x88, s6;
	s7 =	simm.s32 @p2 $0x1082  }
0x22: {  	[simem:s7], [sflag:s8] =	dma.local @!p0 [hbm:s6], $0xF7A  }
0x23: {  	s9 =	sor.u32 $0xD0000000, s2;
	s6 =	simm.s32 $0x108;
	_ =	swait.ge @!p0 [sflag:s8], $0x0  }
0x24: {  	s3 =	sadd.s32 $0x88, s3;
	s6 =	simm.s32 @!p1 $0x1082;
	[sflag:s4] =	ssyncset.s32 $0xFFFFF086  }
0x25: {  	[simem:s6], [sflag:s4] =	dma.local [hbm:s3], $0xF7A  }
0x26: {  	[smem:$0x3F8F] =	sst s1;
	(tag) =	ssettag s2;
	_ =	strace s9  }
0x27: {  	s1 =	sld [smem:$0x3F9F]  }
0x28: {  	s2 =	sld [smem:$0x3FA0]  }
0x29: {  	s4 =	sld [smem:$0x3FA2]  }
0x2a: {  	p0 =	seq.s32 s5, $0x0;
	s5 =	sld [smem:$0x3FA3]  }
0x2b: {  	s6 =	sld [smem:$0x3FA4]  }
0x2c: {  	s7 =	sld [smem:$0x3FA5]  }
0x2d: {  	s3 =	simm.s32 $0x108;
	s8 =	sld [smem:$0x3FA6]  }
0x2e: {  	s3 =	simm.s32 @!p0 $0x1082;
	s9 =	sld [smem:$0x3FA7]  }
0x2f: {  	lr =	sadd.s32 s0, s3;
	s0 =	sld [smem:$0x3F9E]  }
0x30: {  	s3 =	sld [smem:$0x3FA1]  }
0x31: {  	[smem:$0x3FAA] =	sst s10  }
0x32: {  	s10 =	sld [smem:$0x3FA8];
	_ =	sdelay $0x3  }
0x33: {  	p0 =	seq.s32 s10, $0x1;
	s10 =	sld [smem:$0x3FAA];
	_ =	sdelay $0x3  }
0x34: {  	[smem:$0x3FAA] =	sst s10  }
0x35: {  	s10 =	sld [smem:$0x3FA9];
	_ =	sdelay $0x3  }
0x36: {  	p1 =	seq.s32 s10, $0x1;
	s10 =	sld [smem:$0x3FAA];
	_ =	sdelay $0x3  }
0x37: {  	[smem:$0x3FAA] =	sst s10  }
0x38: {  	s10 =	sld [smem:$0x3FAB]  }
0x39: {  	_ = 	snop;
	(pc) =	sbr.ind lr, $3  }
0x3a: {  	_ = 	snop  }
0x3b: {  	_ = 	snop  }
0x3c: {  	p2 =	seq.s32 s10, $0x1;
	s10 =	sld [smem:$0x3FAA]  }
0x3d: {  	_ =	shalt  }
0x3e: {  	_ =	shalt  }
0x3f: {  	_ =	shalt  }
0x40: {  	_ =	shalt  }
0x41: {  	_ =	shalt  }
0x42: {  	_ =	shalt  }
0x43: {  	_ =	shalt  }
0x44: {  	_ =	shalt  }
0x45: {  	_ =	shalt  }
0x46: {  	_ =	shalt  }
0x47: {  	_ =	shalt  }
0x48: {  	_ =	shalt  }
0x49: {  	_ =	shalt  }
0x4a: {  	_ =	shalt  }
0x4b: {  	_ =	shalt  }
0x4c: {  	_ =	shalt  }
0x4d: {  	_ =	shalt  }
0x4e: {  	_ =	shalt  }
0x4f: {  	_ =	shalt  }
0x50: {  	_ =	shalt  }
0x51: {  	_ =	shalt  }
0x52: {  	_ =	shalt  }
0x53: {  	_ =	shalt  }
0x54: {  	_ =	shalt  }
0x55: {  	_ =	shalt  }
0x56: {  	_ =	shalt  }
0x57: {  	_ =	shalt  }
0x58: {  	_ =	shalt  }
0x59: {  	_ =	shalt  }
0x5a: {  	_ =	shalt  }
0x5b: {  	_ =	shalt  }
0x5c: {  	_ =	shalt  }
0x5d: {  	_ =	shalt  }
0x5e: {  	_ =	shalt  }
0x5f: {  	_ =	shalt  }
0x60: {  	_ =	shalt  }
0x61: {  	_ =	shalt  }
0x62: {  	_ =	shalt  }
0x63: {  	_ =	shalt  }
0x64: {  	_ =	shalt  }
0x65: {  	_ =	shalt  }
0x66: {  	_ =	shalt  }
0x67: {  	_ =	shalt  }
0x68: {  	_ =	shalt  }
0x69: {  	_ =	shalt  }
0x6a: {  	_ =	shalt  }
0x6b: {  	_ =	shalt  }
0x6c: {  	_ =	shalt  }
0x6d: {  	_ =	shalt  }
0x6e: {  	_ =	shalt  }
0x6f: {  	_ =	shalt  }
0x70: {  	_ =	shalt  }
0x71: {  	_ =	shalt  }
0x72: {  	_ =	shalt  }
0x73: {  	_ =	shalt  }
0x74: {  	_ =	shalt  }
0x75: {  	_ =	shalt  }
0x76: {  	_ =	shalt  }
0x77: {  	_ =	shalt  }
0x78: {  	_ =	shalt  }
0x79: {  	_ =	shalt  }
0x7a: {  	_ =	shalt  }
0x7b: {  	_ =	shalt  }
0x7c: {  	_ =	shalt  }
0x7d: {  	_ =	shalt  }
0x7e: {  	_ =	shalt  }
0x7f: {  	_ =	shalt  }
0x80: {  	_ =	shalt  }
0x81: {  	_ =	shalt  }
0x82: {  	_ =	shalt  }
0x83: {  	_ =	shalt  }
0x84: {  	_ =	shalt  }
0x85: {  	_ =	shalt  }
0x86: {  	_ =	shalt  }
0x87: {  	_ =	shalt  }
.Lfunc_end0:
.L_simem_size_0:
called_computation.3_lowered:
.L_overlay_start_0:
0x88: {  	s2 =	sld [smem:$0x3FD9]  }
0x89: {  	s3 =	sld [smem:$0x3FFE];
	_ =	sdelay $0x1  }
0x8a: {  	s1 =	srdreg.scid  }
0x8b: {  	s0 =	sand.u32 $0x1, s1  }
0x8c: {  	s17 =	sshll.u32 s0, $0xA;
	s2 =	sadd.s32 s3, s2  }
0x8d: {  	s2 =	sadd.s32 s2, s17  }
0x8e: {  	[smem:$0x3FB6] =	sst s2  }
0x8f: {  	_ = 	snop  }
0x90: {  	s18 =	sld [smem:$0x3FC9];
	(tm) =	ssettm $0x1  }
0x91: {  	s19 =	sld [smem:$0x3FFB];
	_ =	sdelay $0x3  }
0x92: {  	_ =	strace s19  }
0x93: {  	s2 =	sld [smem:$0x3FFC];
	_ =	sdelay $0x3  }
0x94: {  	_ =	strace s2  }
0x95: {  	s2 =	sld [smem:$0x3FFD];
	_ =	sdelay $0x3  }
0x96: {  	_ =	strace s2  }
0x97: {  	_ =	strace $0x8FFFFFFF  }
0x98: {  	s20 =	sld [smem:$0x3FDB];
	_ =	sdelay $0x1  }
0x99: {  	s4 =	simm.s32 $_scs_section_size  }
0x9a: {  	s5 =	simm.s32 $_size__tile_overlayer_lowered;
	s6 =	simm.s32 $_tile_overlayer_lowered  }
0x9b: {  	s7 =	simm.s32 $0x1BFF;
	s21 =	sshll.u32 s6, $0x1;
	s4 =	sadd.s32 s4, s20  }
0x9c: {  	s22 =	simm.s32 $0x0;
	s5 =	sshll.u32 s5, $0x1;
	s6 =	sadd.s32 s21, s4  }
0x9d: {  	[timem:s22], [sflag:s7] =	dma.local [hbm:s6], s5  }
0x9e: {  	_ =	swait.ge [sflag:s7], s5  }
0x9f: {  	s5 =	ssub.s32 $0x0, s5;
	[sflag:s7] =	ssyncset.done $0x0  }
0xa0: {  	[sflag:s7] =	ssyncadd.s32 s5;
	_ =	sdelay $0x1  }
0xa1: {  	s23 =	simm.s32 $0x1B8B  }
0xa2: {  	_ =	swait.ge [sflag:s23], $0x1  }
0xa3: {  	[sflag:s23] =	ssyncset.done $0x0  }
0xa4: {  	[sflag:s23] =	ssyncadd.s32 $0xFFFFFFFF  }
0xa5: {  	s5 =	sld [smem:$0x0]  }
0xa6: {  	s6 =	sand.u32 $0xFFFFFFFE, s1  }
0xa7: {  	p0 =	sne.s32 s1, s6  }
0xa8: {  	s6 =	sshll.u32 @p0 s6, $0xE  }
0xa9: {  	s6 =	sadd.s32 @p0 $0x11B8D, s6;
	s7 =	sshll.u32 @p0 s5, $0x11  }
0xaa: {  	s6 =	sor.u32 @p0 s7, s6  }
0xab: {  	[sflag:s6] =	ssyncadd.remote.s32 @p0 $0x1;
	_ =	sdelay $0x1  }
0xac: {  	s6 =	simm.s32 @p0 $0x1B8D  }
0xad: {  	_ =	swait.eq @p0 [sflag:s6], $0x1  }
0xae: {  	[sflag:s6] =	ssyncadd.s32 @p0 $0xFFFFFFFF  }
0xaf: {  	s7 =	sshll.u32 @!p0 s1, $0xE  }
0xb0: {  	s7 =	sor.u32 @!p0 $0x4000, s7;
	s6 =	simm.s32 @!p0 $0x1B8D  }
0xb1: {  	s5 =	sshll.u32 @!p0 s5, $0x11;
	s7 =	sadd.s32 @!p0 $0x11B8D, s7;
	_ =	swait.eq @!p0 [sflag:s6], $0x1  }
0xb2: {  	s5 =	sor.u32 @!p0 s5, s7;
	[sflag:s6] =	ssyncadd.s32 @!p0 $0xFFFFFFFF  }
0xb3: {  	s25 =	simm.s32 $0x1B8E;
	s24 =	sld [smem:$0x3FFE];
	[sflag:s5] =	ssyncadd.remote.s32 @!p0 $0x1  }
0xb4: {  	s26 =	simm.s32 $execute0_lowered;
	[smem:$0x3FD2] =	sst s25  }
0xb5: {  	s6 =	sshll.u32 s26, $0x1;
	_ =	strace $0x8000004F;
	[dreg:$0x1] =	wrdreg $0xFFFFFFFF  }
0xb6: {  	s28 =	simm.s32 $_size_execute0_lowered;
	s4 =	sadd.s32 s4, s6;
	[dreg:$0x0] =	wrdreg $0x0  }
0xb7: {  	s6 =	sshll.u32 s28, $0x1;
	[dreg:$0x2] =	wrdreg s4  }
0xb8: {  	[dreg:$0x3] =	wrdreg s6  }
0xb9: {  	[dreg:$0x4] =	wrdreg $0xC0  }
0xba: {  	_ =	task [dreg:s22], $0x5FFFF  }
0xbb: {  	[dreg:$0x1] =	wrdreg $0xFFFFFFFF  }
0xbc: {  	[dreg:$0x0] =	wrdreg $0x60  }
0xbd: {  	[dreg:$0x2] =	wrdreg s24  }
0xbe: {  	[dreg:$0x3] =	wrdreg s18  }
0xbf: {  	[dreg:$0x4] =	wrdreg $0xC  }
0xc0: {  	_ =	task.clear_ibuf [dreg:s22], $0x5FFFF;
	_ =	strace $0x9000004F  }
0xc1: {  	s29 =	simm.s32 $0xC;
	_ =	strace $0x80000051  }
0xc2: {  	_ =	swait.ge [sflag:s29], $0x1  }
0xc3: {  	[sflag:s29] =	ssyncadd.s32 $0xFFFFFFFF  }
0xc4: {  	_ =	strace $0x90000051  }
0xc5: {  	_ =	sfence  }
0xc6: {  	s30 =	sld [smem:$0x0];
	_ =	sdelay $0x2  }
0xc7: {  	s31 =	sshll.u32 s1, $0xD;
	s1 =	sshrl.u32 s1, $0x2  }
0xc8: {  	s4 =	sand.u32 $0x4000, s31;
	s1 =	sadd.s32 s1, s30  }
0xc9: {  	s0 =	sor.u32 s4, s0;
	s1 =	sshll.u32 s1, $0x11  }
0xca: {  	s0 =	sor.u32 s1, s0  }
0xcb: {  	s0 =	sadd.s32 $0x8F2B, s0  }
0xcc: {  	[sflag:s0] =	ssyncadd.remote.s32 $0x1  }
0xcd: {  	_ =	sfence.sel $0xFFFF  }
0xce: {  	[dreg:$0x0] =	wrdreg $0xFFFFFFFF;
	(pc) =	sbr.abs _section_cstart, $3  }
0xcf: {  	[dreg:$0x1] =	wrdreg $0xFFFFFFFF  }
0xd0: {  	_ =	task.clear_ibuf [dreg:s22], $0x2FFFF;
	_ =	strace $0x9FFFFFFF  }
0xd1: {  	(tm) =	ssettm $0x7FFFFFFF  }
tec
execute0_lowered:
.L_overlay_start_1:
0x0: {  	(tag) =	ssettag $0x1  }
0x1: {  	s0 =	rddreg [dreg:$0x0]  }
0x2: {  	s1 =	rddreg [dreg:$0x1];
	s2 =	simm.s32 $0x0;
	s5 =	srdreg.scid  }
0x3: {  	s7 =	stileid.u32;
	s21 =	simm.s32 $0x2;
	s23 =	simm.s32 $0x80  }
0x4: {  	s28 =	simm.s32 $0x0;
	[smem:$0x7FF] =	sst s2;
	s4 =	sadd.s32 $0x554800, s0  }
0x5: {  	s3 =	sadd.s32 $0x551000, s0;
	s24 =	sadd.s32 $0x694800, s0;
	s25 =	sshll.u32 s7, $0xA  }
0x6: {  	s6 =	sand.u32 $0x1, s5;
	s12 =	sadd.s32 $0x553800, s0;
	s5 =	sadd.s32 $0x6D4800, s0  }
0x7: {  	_ =	strace $0x80000050;
	[dreg:$0x3] =	wrdreg s4;
	s26 =	sshll.u32 s6, $0x9  }
0x8: {  	[dreg:$0x4] =	wrdreg s24;
	s29 =	ssub.s32 $0x2, s6;
	s24 =	simm.s32 $0x1  }
0x9: {  	s4 =	sor.u32 s26, s25;
	s30 =	sshrl.u32 s29, $0x1;
	s25 =	simm.s32 $0x4E00  }
0xa: {  	s26 =	simm.s32 $0x3;
	s11 =	sshrl.u32 s4, $0x3;
	s0 =	ssub.s32 s29, s30  }
0xb: {  	s31 =	sshll.u32 s4, $0x4;
	s6 =	sadd.s32 s3, s11;
	s13 =	sor.u32 $0x800, s11  }
0xc: {  	s11 =	sadd.s32 s12, s11;
	s7 =	sadd.s32 s3, s13;
	s8 =	sadd.s32 $0x1000, s6  }
0xd: {  	s9 =	sadd.s32 $0x1800, s6;
	s10 =	sadd.s32 $0x2000, s6;
	s3 =	sadd.s32 s31, s5  }
0xe: {  	s12 =	sadd.s32 s12, s13;
	s13 =	smax.u32 s0, $0x1;
	s14 =	sadd.s32 $0x1800, s3  }
.LBB2_1:
0xf: {  	[tilespmem:s2], [sflag:$0x2] =	stream.linear.gather [hbm4b:s6+s2], $0x200, $0x38;
	[tilespmem:$0x8E00] =	vst v63  }
0x10: {  	s0 =	simm.s32 $0x200  }
0x11: {  	[tilespmem:s0], [sflag:$0x2] =	stream.linear.gather [hbm4b:s7+s2], $0x200, $0x38;
	[tilespmem:$0x8E00] =	vst v63  }
0x12: {  	s22 =	simm.s32 $0x400  }
0x13: {  	[tilespmem:s22], [sflag:$0x2] =	stream.linear.gather [hbm4b:s8+s2], $0x200, $0x38;
	[tilespmem:$0x8E00] =	vst v63  }
0x14: {  	s3 =	simm.s32 $0x600  }
0x15: {  	[tilespmem:s3], [sflag:$0x2] =	stream.linear.gather [hbm4b:s9+s2], $0x200, $0x38;
	[tilespmem:$0x8E00] =	vst v63  }
0x16: {  	s15 =	simm.s32 $0x800  }
0x17: {  	[tilespmem:s15], [sflag:$0x2] =	stream.linear.gather [hbm4b:s10+s2], $0x200, $0x38;
	[tilespmem:$0x8E00] =	vst v63  }
0x18: {  	s16 =	simm.s32 $0xA00  }
0x19: {  	[tilespmem:s16], [sflag:$0x2] =	stream.linear.gather [hbm4b:s11+s2], $0x200, $0x38;
	[tilespmem:$0x8E00] =	vst v63  }
0x1a: {  	s17 =	simm.s32 $0xC00  }
0x1b: {  	[tilespmem:s17], [sflag:$0x2] =	stream.linear.gather [hbm4b:s12+s2], $0x200, $0x38;
	[tilespmem:$0x8E00] =	vst v63  }
0x1c: {  	_ =	swait.ge [sflag:s21], $0x200  }
0x1d: {  	[sflag:s21] =	ssyncset.done $0x0  }
0x1e: {  	[sflag:s21] =	ssyncadd.s32 $0xFFFFFE00  }
0x1f: {  	_ =	swait.ge [sflag:s21], $0x200  }
0x20: {  	[sflag:s21] =	ssyncset.done $0x0  }
0x21: {  	[sflag:s21] =	ssyncadd.s32 $0xFFFFFE00  }
0x22: {  	_ =	swait.ge [sflag:s21], $0x200  }
0x23: {  	[sflag:s21] =	ssyncset.done $0x0  }
0x24: {  	[sflag:s21] =	ssyncadd.s32 $0xFFFFFE00  }
0x25: {  	_ =	swait.ge [sflag:s21], $0x200  }
0x26: {  	[sflag:s21] =	ssyncset.done $0x0  }
0x27: {  	[sflag:s21] =	ssyncadd.s32 $0xFFFFFE00  }
0x28: {  	_ =	swait.ge [sflag:s21], $0x200  }
0x29: {  	[sflag:s21] =	ssyncset.done $0x0  }
0x2a: {  	[sflag:s21] =	ssyncadd.s32 $0xFFFFFE00  }
0x2b: {  	_ =	swait.ge [sflag:s21], $0x200  }
0x2c: {  	s19 =	simm.s32 $0x10000;
	[sflag:s21] =	ssyncset.done $0x0  }
0x2d: {  	s18 =	simm.s32 $0xE00;
	s0 =	sand.u32 $0x10000, s19;
	[sflag:s21] =	ssyncadd.s32 $0xFFFFFE00  }
0x2e: {  	s20 =	sand.u32 $0x180, s2;
	s0 =	sshrl.u32 s0, $0x2;
	_ =	swait.ge [sflag:s21], $0x200  }
0x2f: {  	p0 =	por $0x0, $0x0;
	s0 =	sor.u32 $0xE00, s0;
	[sflag:s21] =	ssyncset.done $0x0  }
0x30: {  	s22 =	sand.u32 $0x1C, s2;
	s15 =	simm.s32 $0x0;
	[sflag:s21] =	ssyncadd.s32 $0xFFFFFE00  }
0x31: {  	[tilespmem:s18], [sflag:$0x1] =	stream.indirect.gather [hbm4b:s1+s23], $0x80, s2, s23, $0xb8;
	[tilespmem:$0x8E00] =	vst v63  }
0x32: {  	p1 =	sne.s32 s22, $0x14;
	s29 =	sand.u32 $0x10000, s15;
	s15 =	sand.u32 @!p0 $0x1C0000, s15  }
0x33: {  	[tilespmem:s0], [sflag:$0x1] =	stream.indirect.gather [hbm4b:s1+s23], $0x80, s23, s23, $0xb8;
	[tilespmem:$0x8E00] =	vst v63  }
0x34: {  	s16 =	simm.s32 @!p0 $0x4;
	s29 =	sshrl.u32 s29, $0x2;
	_ =	swait.ge [sflag:s24], $0x4000  }
0x35: {  	s31 =	sor.u32 $0xE00, s29;
	s0 =	sor.u32 s4, s20;
	s3 =	rddreg [dreg:$0x3]  }
0x36: {  	s30 =	sshll.u32 @!p0 s0, $0x4;
	[sflag:s24] =	ssyncset.done $0x0;
	s3 =	sadd.s32 @!p0 s3, s15  }
0x37: {  	[sflag:s24] =	ssyncadd.s32 $0xFFFFC000;
	s15 =	simm.s32 @!p0 $0x0;
	s3 =	sadd.s32 @!p0 s30, s3  }
0x38: {  	[hbm4b:s3+s15] =	stream.linear.scatter @!p0 [tilespmem:s31], [sflag:$0x4], $0x4000, $0x38;
	[tilespmem:$0x8E00] =	vst v63  }
0x39: {  	s29 =	simm.s32 $0x1;
	s17 =	simm.s32 @!p1 $0x4;
	_ =	swait.ge @!p0 [sflag:s16], $0x4000  }
0x3a: {  	s3 =	sshll.u32 @!p1 s0, $0x4;
	s15 =	rddreg [dreg:$0x4];
	[sflag:s16] =	ssyncset.done @!p0 $0x0  }
0x3b: {  	[sflag:s16] =	ssyncadd.s32 @!p0 $0xFFFFC000;
	s3 =	sadd.s32 @!p1 s15, s3;
	s15 =	simm.s32 @!p1 $0x0  }
0x3c: {  	[hbm4b:s3+s15] =	stream.linear.scatter @!p1 [tilespmem:s31], [sflag:$0x4], $0x4000, $0x38;
	[tilespmem:$0x8E00] =	vst v63  }
0x3d: {  	s30 =	simm.s32 $0x2;
	p0 =	por $0x1, $0x1;
	_ =	swait.ge @!p1 [sflag:s17], $0x4000  }
0x3e: {  	s0 =	sshll.u32 @!p0 s0, $0x4;
	s15 =	simm.s32 @!p0 $0x3;
	[sflag:s17] =	ssyncset.done @!p1 $0x0  }
0x3f: {  	s3 =	simm.s32 @!p0 $0x0;
	s0 =	sadd.s32 @!p0 s5, s0;
	[sflag:s17] =	ssyncadd.s32 @!p1 $0xFFFFC000  }
0x40: {  	[hbm4b:s0+s3] =	stream.linear.scatter @!p0 [tilespmem:s31], [sflag:$0x3], $0x4000, $0x38;
	[tilespmem:$0x8E00] =	vst v63  }
0x41: {  	s31 =	simm.s32 $0x20000;
	s0 =	simm.s32 $0x80;
	_ =	swait.ge @!p0 [sflag:s15], $0x4000  }
0x42: {  	s3 =	simm.s32 $0x100;
	s16 =	sand.u32 $0x10000, s31;
	[sflag:s15] =	ssyncset.done @!p0 $0x0  }
.LBB2_2:
0x43: {  	s16 =	sshrl.u32 s16, $0x2;
	[sflag:s15] =	ssyncadd.s32 @!p0 $0xFFFFC000  }
0x44: {  	s15 =	smov.u32 s30;
	s30 =	sadd.s32 $0x1, s30;
	s22 =	sand.u32 $0x180, s0  }
0x45: {  	p0 =	slt.u32 s29, $0x18;
	p2 =	sgt.u32 s29, $0x13;
	s18 =	sadd.s32 $0xFFFF0000, s31  }
0x46: {  	s16 =	sor.u32 $0xE00, s16;
	s19 =	simm.s32 @!p2 $0x4;
	s20 =	sand.u32 $0x10000, s18  }
0x47: {  	[tilespmem:s16], [sflag:$0x1] =	stream.indirect.gather [hbm4b:s1+s23], $0x80, s3, s23, $0xb8;
	[tilespmem:$0x8E00] =	vst v63  }
0x48: {  	s18 =	sand.u32 @!p2 $0x1C0000, s18;
	s16 =	sor.u32 s4, s22;
	_ =	swait.ge [sflag:s24], $0x4000  }
0x49: {  	s20 =	sshrl.u32 s20, $0x2;
	[sflag:s24] =	ssyncset.done $0x0;
	s17 =	rddreg [dreg:$0x3]  }
0x4a: {  	s22 =	sshll.u32 @!p2 s16, $0x4;
	[sflag:s24] =	ssyncadd.s32 $0xFFFFC000;
	s17 =	sadd.s32 @!p2 s17, s18  }
0x4b: {  	s18 =	sor.u32 $0xE00, s20;
	s20 =	simm.s32 @!p2 $0x0;
	s17 =	sadd.s32 @!p2 s22, s17  }
0x4c: {  	[hbm4b:s17+s20] =	stream.linear.scatter @!p2 [tilespmem:s18], [sflag:$0x4], $0x4000, $0x38;
	[tilespmem:$0x8E00] =	vst v63  }
0x4d: {  	s17 =	sshll.u32 @!p0 s16, $0x4;
	s20 =	sand.u32 $0x1C, s29;
	_ =	swait.ge @!p2 [sflag:s19], $0x4000  }
0x4e: {  	s29 =	smov.u32 s15;
	p3 =	sne.s32 s20, $0x14;
	s22 =	rddreg [dreg:$0x4]  }
0x4f: {  	[sflag:s19] =	ssyncset.done @!p2 $0x0;
	s15 =	sshll.u32 @!p3 s16, $0x4;
	s16 =	simm.s32 @!p3 $0x4  }
0x50: {  	[sflag:s19] =	ssyncadd.s32 @!p2 $0xFFFFC000;
	s15 =	sadd.s32 @!p3 s22, s15;
	s19 =	simm.s32 @!p3 $0x0  }
0x51: {  	[hbm4b:s15+s19] =	stream.linear.scatter @!p3 [tilespmem:s18], [sflag:$0x4], $0x4000, $0x38;
	[tilespmem:$0x8E00] =	vst v63  }
0x52: {  	p1 =	sne.s32 s30, $0x1B;
	_ =	swait.ge @!p3 [sflag:s16], $0x4000  }
.Ltmp0:
0x53: {  	s15 =	simm.s32 @!p0 $0x3;
	[sflag:s16] =	ssyncset.done @!p3 $0x0;
	(pc) =	sbr.rel @p1 .LBB2_2-.Ltmp0, $4  }
0x54: {  	[sflag:s16] =	ssyncadd.s32 @!p3 $0xFFFFC000;
	s16 =	sadd.s32 @!p0 s5, s17;
	s17 =	simm.s32 @!p0 $0x0  }
0x55: {  	[hbm4b:s16+s17] =	stream.linear.scatter @!p0 [tilespmem:s18], [sflag:$0x3], $0x4000, $0x38;
	[tilespmem:$0x8E00] =	vst v63  }
0x56: {  	s31 =	sadd.s32 $0x10000, s31;
	s0 =	sadd.s32 $0x80, s0;
	_ =	swait.ge @!p0 [sflag:s15], $0x4000  }
0x57: {  	s3 =	sadd.s32 $0x80, s3;
	s16 =	sand.u32 $0x10000, s31;
	[sflag:s15] =	ssyncset.done @!p0 $0x0  }
0x58: {  	s16 =	sshrl.u32 s16, $0x2  }
0x59: {  	[sflag:s15] =	ssyncadd.s32 @!p0 $0xFFFFC000;
	s0 =	sand.u32 $0x180, s0;
	p0 =	sgt.u32 s29, $0x13  }
0x5a: {  	s15 =	sadd.s32 $0xFFFF0000, s31;
	s31 =	sand.u32 $0x1C, s29;
	s30 =	sor.u32 $0xE00, s16  }
0x5b: {  	s16 =	simm.s32 @!p0 $0x4;
	s17 =	sand.u32 $0x10000, s15;
	s0 =	sor.u32 s4, s0  }
0x5c: {  	[tilespmem:s30], [sflag:$0x1] =	stream.indirect.gather [hbm4b:s1+s23], $0x80, s3, s23, $0xb8;
	[tilespmem:$0x8E00] =	vst v63  }
0x5d: {  	s15 =	sand.u32 @!p0 $0x1C0000, s15;
	p1 =	sne.s32 s31, $0x14;
	_ =	swait.ge [sflag:s24], $0x4000  }
0x5e: {  	s17 =	sshrl.u32 s17, $0x2;
	[sflag:s24] =	ssyncset.done $0x0;
	s3 =	rddreg [dreg:$0x3]  }
0x5f: {  	s18 =	sshll.u32 @!p0 s0, $0x4;
	[sflag:s24] =	ssyncadd.s32 $0xFFFFC000;
	s3 =	sadd.s32 @!p0 s3, s15  }
0x60: {  	s15 =	sor.u32 $0xE00, s17;
	s17 =	simm.s32 @!p0 $0x0;
	s3 =	sadd.s32 @!p0 s18, s3  }
0x61: {  	[hbm4b:s3+s17] =	stream.linear.scatter @!p0 [tilespmem:s15], [sflag:$0x4], $0x4000, $0x38;
	[tilespmem:$0x8E00] =	vst v63  }
0x62: {  	s18 =	simm.s32 @!p1 $0x4;
	_ =	swait.ge @!p0 [sflag:s16], $0x4000  }
0x63: {  	s3 =	sshll.u32 @!p1 s0, $0x4;
	s17 =	rddreg [dreg:$0x4];
	[sflag:s16] =	ssyncset.done @!p0 $0x0  }
0x64: {  	[sflag:s16] =	ssyncadd.s32 @!p0 $0xFFFFC000;
	s3 =	sadd.s32 @!p1 s17, s3;
	s16 =	simm.s32 @!p1 $0x0  }
0x65: {  	[hbm4b:s3+s16] =	stream.linear.scatter @!p1 [tilespmem:s15], [sflag:$0x4], $0x4000, $0x38;
	[tilespmem:$0x8E00] =	vst v63  }
0x66: {  	p0 =	slt.u32 s29, $0x18;
	_ =	swait.ge @!p1 [sflag:s18], $0x4000  }
0x67: {  	s0 =	sshll.u32 @!p0 s0, $0x4;
	s3 =	simm.s32 @!p0 $0x3;
	[sflag:s18] =	ssyncset.done @!p1 $0x0  }
0x68: {  	s16 =	simm.s32 @!p0 $0x0;
	s0 =	sadd.s32 @!p0 s5, s0;
	[sflag:s18] =	ssyncadd.s32 @!p1 $0xFFFFC000  }
0x69: {  	[hbm4b:s0+s16] =	stream.linear.scatter @!p0 [tilespmem:s15], [sflag:$0x3], $0x4000, $0x38;
	[tilespmem:$0x8E00] =	vst v63  }
0x6a: {  	_ =	swait.ge @!p0 [sflag:s3], $0x4000  }
0x6b: {  	[sflag:s3] =	ssyncset.done @!p0 $0x0  }
0x6c: {  	[sflag:s3] =	ssyncadd.s32 @!p0 $0xFFFFC000  }
0x6d: {  	s28 =	sadd.s32 $0x1, s28;
	_ =	swait.ge [sflag:s24], $0x4000  }
0x6e: {  	p0 =	sne.s32 s28, s13;
	[sflag:s24] =	ssyncset.done $0x0  }
.Ltmp1:
0x6f: {  	[sflag:s24] =	ssyncadd.s32 $0xFFFFC000;
	(pc) =	sbr.rel @p0 .LBB2_1-.Ltmp1, $4  }
0x70: {  	[hbm4b:s14+s2] =	stream.linear.scatter [tilespmem:s25], [sflag:$0x3], $0x4000, $0x38;
	[tilespmem:$0x8E00] =	vst v63  }
0x71: {  	_ =	swait.ge [sflag:s26], $0x4000  }
0x72: {  	[sflag:s26] =	ssyncset.done $0x0  }
0x73: {  	[sflag:s26] =	ssyncadd.s32 $0xFFFFC000  }
0x74: {  	_ =	sfence.sel $0x180000  }
0x75: {  	[bflag:$0x0] =	sbarrier.arrive $0xFFFF  }
0x76: {  	_ =	strace $0x90000050  }
0x77: {  	s0 =	stileid.u32;
	[bflag:$0x2] =	sbarrier.arrive $0xFFFF  }
0x78: {  	p0 =	sne.s32 s0, $0x0;
	s0 =	rddreg [dreg:$0x2]  }
0x79: {  	s0 =	sadd.s32 @!p0 $0x100000, s0  }
0x7a: {  	[sflag:s0] =	ssyncadd.tile.s32 @!p0 $0x1;
	_ =	shalt  }
.Lfunc_end2:
_tile_overlayer_lowered:
.L_overlay_start_2:
0x7b: {  	(tag) =	ssettag $0x2  }
0x7c: {  	s0 =	rddreg [dreg:$0x0];
	s2 =	stileid.u32  }
0x7d: {  	s1 =	rddreg [dreg:$0x1];
	p0 =	sne.s32 s2, $0x0  }
0x7e: {  	s3 =	rddreg [dreg:$0x2];
	[bflag:$0x3] =	sbarrier.arrive $0xFFFF;
	s2 =	simm.s32 @!p0 $0x1C03  }
0x7f: {  	[timem:s3], [sflag:s2] =	dma.local @!p0 [hbm:s0], s1  }
0x80: {  	s0 =	simm.s32 @!p0 $0x3  }
0x81: {  	_ =	swait.ge @!p0 [sflag:s0], s1  }
0x82: {  	s1 =	ssub.s32 @!p0 $0x0, s1;
	[sflag:s0] =	ssyncset.done @!p0 $0x0  }
0x83: {  	[sflag:s0] =	ssyncadd.s32 @!p0 s1  }
0x84: {  	[bflag:$0x3] =	sbarrier.arrive $0xFFFF  }
0x85: {  	_ =	shalt  }

</sc_bundles>
